<compile_context>
chip_gen: v7x
topology: tpu7x:2x2x1
jax: 0.10.2.dev20260603
libtpu: 0.0.44.dev20260713+nightly
codegen_flags: <defaults>
</compile_context>

<pallas_src>
import jax
import jax.numpy as jnp
from jax import lax
from jax.experimental import pallas as pl
from jax.experimental.pallas import tpu as pltpu
from jax.experimental.pallas import tpu_sc as plsc

N_U = 5000
D = 512
NB = 5120
E_PAD = 81920
NPADR = NB - N_U

NC = 2
NS = 16
NT = NC * NS
DH = D // NC
EPT = E_PAD // NT
EPS = E_PAD // NS
KB = 64
NBATCH = 5120 // KB
ROWS_PT = NB // NS

_SC_PARAMS = pltpu.CompilerParams(needs_layout_passes=False)


def _deg_body(src_hbm, dst_hbm, degp_hbm, idxbuf, hist2d, hist, sem):
    c = lax.axis_index("c")
    s = lax.axis_index("s")
    wid = s * NC + c
    lane = lax.iota(jnp.int32, 16)
    ones = jnp.full((16,), 1.0, dtype=jnp.float32)
    zeros16 = jnp.zeros((16,), dtype=jnp.float32)
    lane_off = lane * NB

    for which, arr in ((0, src_hbm), (1, dst_hbm)):
        def zero_body(j, _):
            for r in range(8):
                hist2d[pl.ds(j * 128 + r * 16, 16)] = zeros16
            return _
        lax.fori_loop(0, 16 * NB // 128, zero_body, None)

        pltpu.sync_copy(arr.at[pl.ds(wid * EPT, EPT)], idxbuf)

        def scat_body(j, _):
            idx = idxbuf[pl.ds(j * 16, 16)]
            plsc.addupdate_scatter(hist2d, [lane_off + idx], ones)
            return _
        lax.fori_loop(0, EPT // 16, scat_body, None)

        def red_body(j, _):
            acc = hist2d[pl.ds(j * 16, 16)]
            for r in range(1, 16):
                acc = acc + hist2d[pl.ds(r * NB + j * 16, 16)]
            hist[pl.ds(j * 16, 16)] = acc
            return _
        lax.fori_loop(0, NB // 16, red_body, None)

        pltpu.sync_copy(hist, degp_hbm.at[wid, which])


def _degrees(src_p, dst_p):
    mesh = plsc.VectorSubcoreMesh(core_axis_name="c", subcore_axis_name="s")
    return pl.kernel(
        _deg_body,
        compiler_params=_SC_PARAMS,
        out_type=jax.ShapeDtypeStruct((NT, 2, NB), jnp.float32),
        mesh=mesh,
        scratch_types=[
            pltpu.VMEM((EPT,), jnp.int32),
            pltpu.VMEM((16 * NB,), jnp.float32),
            pltpu.VMEM((NB,), jnp.float32),
            pltpu.SemaphoreType.DMA,
        ],
    )(src_p, dst_p)


def _scale_body(eu_ref, ei_ref, degp_ref, hu_ref, hi_ref, su_ref, si_ref):
    i = pl.program_id(0)
    d = jnp.sum(degp_ref[:, :, pl.ds(i * 512, 512)], axis=0)
    su = lax.rsqrt(jnp.maximum(d[0], 1.0)).reshape(512, 1)
    si = lax.rsqrt(jnp.maximum(d[1], 1.0)).reshape(512, 1)
    su_ref[...] = jnp.broadcast_to(su, (512, 128))
    si_ref[...] = jnp.broadcast_to(si, (512, 128))
    eu = eu_ref[...] * su
    ei = ei_ref[...] * si
    for co in range(NC):
        for k in range(2):
            lo = co * DH + k * 128
            hu_ref[co, :, k, :] = eu[:, lo:lo + 128]
            hi_ref[co, :, k, :] = ei[:, lo:lo + 128]


def _scale(eu_p, ei_p, degp):
    nblk = NB // 512
    emb_spec = pl.BlockSpec((512, D), lambda i: (i, 0))
    tab_spec = pl.BlockSpec((NC, 512, 2, 128), lambda i: (0, i, 0, 0))
    col_spec = pl.BlockSpec((512, 128), lambda i: (i, 0))
    return pl.pallas_call(
        _scale_body,
        grid=(nblk,),
        in_specs=[emb_spec, emb_spec,
                  pl.BlockSpec((NT, 2, NB), lambda i: (0, 0, 0))],
        out_specs=[tab_spec] * 2 + [col_spec] * 2,
        out_shape=[jax.ShapeDtypeStruct((NC, NB, 2, 128), jnp.float32)] * 2
        + [jax.ShapeDtypeStruct((NB, 128), jnp.float32)] * 2,
    )(eu_p, ei_p, degp)


def _segsum_body(src_hbm, dst_hbm, src3_hbm, dst3_hbm, hu, hi,
                 aggb_hbm, aggu_hbm, gall, sall, rows0, rows1, acc,
                 sem0, sem1):
    c = lax.axis_index("c")
    s = lax.axis_index("s")
    zeros16 = jnp.zeros((16,), dtype=jnp.float32)

    for tab, g_hbm, sc_hbm, out_hbm in (
            (hu, src_hbm, dst3_hbm, aggb_hbm),
            (hi, dst_hbm, src3_hbm, aggu_hbm)):
        pltpu.sync_copy(g_hbm.at[pl.ds(s * EPS, EPS)], gall)
        pltpu.sync_copy(sc_hbm.at[s], sall)

        def zero_body(j, _):
            for r in range(8):
                jj = j * 8 + r
                rows0[jj // 16, (jj % 16) // 8,
                      pl.ds(((jj % 16) % 8) * 16, 16)] = zeros16
            return _
        lax.fori_loop(0, KB * 16 // 8, zero_body, None)
        for z in range(ROWS_PT // KB):
            pltpu.sync_copy(rows0, acc.at[pl.ds(s * ROWS_PT + z * KB, KB)])
        plsc.subcore_barrier()

        def issue(b, rw, sm):
            pltpu.async_copy(tab.at[c].at[gall.at[pl.ds(b * KB, KB)]],
                             rw, sm)

        def drain(b, rw, sm):
            pltpu.make_async_copy(tab.at[c].at[gall.at[pl.ds(b * KB, KB)]],
                                  rw, sm).wait()
            pltpu.sync_copy(rw, acc.at[sall.at[b]], add=True)

        issue(0, rows0, sem0)

        def pair(j, _):
            b = j * 2
            issue(b + 1, rows1, sem1)
            drain(b, rows0, sem0)
            issue(b + 2, rows0, sem0)
            drain(b + 1, rows1, sem1)
            return _
        lax.fori_loop(0, (NBATCH - 2) // 2, pair, None)

        issue(NBATCH - 1, rows1, sem1)
        drain(NBATCH - 2, rows0, sem0)
        drain(NBATCH - 1, rows1, sem1)
        plsc.subcore_barrier()

        pltpu.sync_copy(acc.at[pl.ds(s * ROWS_PT, ROWS_PT)],
                        out_hbm.at[c, pl.ds(s * ROWS_PT, ROWS_PT)])
        plsc.subcore_barrier()


def _segsum(src_p, dst_p, src3, dst3, hu, hi):
    mesh = plsc.VectorSubcoreMesh(core_axis_name="c", subcore_axis_name="s")
    return pl.kernel(
        _segsum_body,
        compiler_params=_SC_PARAMS,
        out_type=(jax.ShapeDtypeStruct((NC, NB, 2, 128), jnp.float32),
                  jax.ShapeDtypeStruct((NC, NB, 2, 128), jnp.float32)),
        mesh=mesh,
        scratch_types=[
            pltpu.VMEM((EPS,), jnp.int32),
            pltpu.VMEM((NBATCH, KB), jnp.int32),
            pltpu.VMEM((KB, 2, 128), jnp.float32),
            pltpu.VMEM((KB, 2, 128), jnp.float32),
            pltpu.VMEM_SHARED((NB, 2, 128), jnp.float32),
            pltpu.SemaphoreType.DMA,
            pltpu.SemaphoreType.DMA,
        ],
    )(src_p, dst_p, src3, dst3, hu, hi)


MMB = 1000


def _mm_body(aggb_ref, aggu_ref, su_ref, si_ref,
             wub_ref, bub_ref, wbu_ref, bbu_ref,
             outu_ref, outb_ref, outu2_ref, outb2_ref):
    def mm(agg_ref, w_ref):
        acc = jnp.zeros((MMB, D), dtype=jnp.float32)
        for ci in range(NC):
            for k in range(2):
                lo = ci * DH + k * 128
                acc = acc + jnp.dot(agg_ref[ci, :, k, :],
                                    w_ref[lo:lo + 128, :],
                                    preferred_element_type=jnp.float32)
        return acc

    outb = si_ref[:, :1] * mm(aggb_ref, wub_ref) + bub_ref[...]
    outu = su_ref[:, :1] * mm(aggu_ref, wbu_ref) + bbu_ref[...]
    outu_ref[...] = outu
    outb_ref[...] = outb
    outu2_ref[...] = outu
    outb2_ref[...] = outb


def _matmul(aggb, aggu, su, si, W_ub, b_ub, W_bu, b_bu):
    nblk = N_U // MMB
    agg_spec = pl.BlockSpec((NC, MMB, 2, 128), lambda i: (0, i, 0, 0))
    col_spec = pl.BlockSpec((MMB, 128), lambda i: (i, 0))
    w_spec = pl.BlockSpec((D, D), lambda i: (0, 0))
    b_spec = pl.BlockSpec((1, D), lambda i: (0, 0))
    out_spec = pl.BlockSpec((MMB, D), lambda i: (i, 0))
    return pl.pallas_call(
        _mm_body,
        grid=(nblk,),
        in_specs=[agg_spec, agg_spec, col_spec, col_spec,
                  w_spec, b_spec, w_spec, b_spec],
        out_specs=[out_spec] * 4,
        out_shape=[jax.ShapeDtypeStruct((N_U, D), jnp.float32)] * 4,
    )(aggb, aggu, su, si, W_ub, b_ub.reshape(1, D), W_bu, b_bu.reshape(1, D))


def kernel(edge_index, user_ids, item_ids, user_emb, item_emb,
           W_ub, b_ub, W_bu, b_bu):
    src = edge_index[0].astype(jnp.int32)
    dst = edge_index[1].astype(jnp.int32)
    npad = E_PAD - src.shape[0]
    pad = N_U + (jnp.arange(npad, dtype=jnp.int32) % NPADR)
    src_p = jnp.concatenate([src, pad])
    dst_p = jnp.concatenate([dst, pad])
    eu_p = jnp.pad(user_emb, ((0, NB - N_U), (0, 0)))
    ei_p = jnp.pad(item_emb, ((0, NB - N_U), (0, 0)))

    degp = _degrees(src_p, dst_p)
    hu, hi, su, si = _scale(eu_p, ei_p, degp)
    src3 = src_p.reshape(NS, NBATCH, KB)
    dst3 = dst_p.reshape(NS, NBATCH, KB)
    aggb, aggu = _segsum(src_p, dst_p, src3, dst3, hu, hi)
    return _matmul(aggb, aggu, su, si, W_ub, b_ub, W_bu, b_bu)

# --- scband reference (transcript-rebuilt; emitter-appended) ---
"""Pipeline reference for scband-graph-encoder-48275432407739 (READ-ONLY COPY).

The authoritative reference and input builder live on the scoring server;
editing this copy changes nothing except your own understanding.
"""

import jax, jax.numpy as jnp
import numpy as np

N_USER = 5000
N_ITEM = 5000
E = 80000
D = 512


def setup_inputs(seed: int = 0) -> dict:
    key = jax.random.key(seed)
    ks = jax.random.split(key, 6)
    edge_index = jax.random.randint(ks[0], (2, E), 0, N_USER)  # row0: user src, row1: item dst
    user_ids = jnp.arange(N_USER)
    item_ids = jnp.arange(N_ITEM)
    user_emb = jax.random.normal(ks[1], (N_USER, D), dtype=jnp.float32) * 0.01
    item_emb = jax.random.normal(ks[2], (N_ITEM, D), dtype=jnp.float32) * 0.01
    W_ub = jax.random.normal(ks[3], (D, D), dtype=jnp.float32) * (1.0 / np.sqrt(D))
    b_ub = jnp.zeros((D,), dtype=jnp.float32)
    W_bu = jax.random.normal(ks[4], (D, D), dtype=jnp.float32) * (1.0 / np.sqrt(D))
    b_bu = jnp.zeros((D,), dtype=jnp.float32)
    return {"edge_index": edge_index, "user_ids": user_ids, "item_ids": item_ids,
            "user_emb": user_emb, "item_emb": item_emb,
            "W_ub": W_ub, "b_ub": b_ub, "W_bu": W_bu, "b_bu": b_bu}


def _graphconv(x_src, src, dst, n_dst, deg_src, deg_dst, W, b):
    # DGL GraphConv with norm='both', allow_zero_in_degree=True (degrees clamped >=1)
    h = x_src * jax.lax.rsqrt(deg_src)[:, None]
    m = jnp.take(h, src, axis=0)
    agg = jax.ops.segment_sum(m, dst, num_segments=n_dst)
    agg = agg * jax.lax.rsqrt(deg_dst)[:, None]
    return agg @ W + b


def reference(edge_index, user_ids, item_ids, user_emb, item_emb, W_ub, b_ub, W_bu, b_bu):
    # ShareEmbeddingEncoder (default flags): inner == outer == raw embedding lookup
    emb_u = jnp.take(user_emb, user_ids, axis=0)  # outer_user and inner_book_user
    emb_i = jnp.take(item_emb, item_ids, axis=0)  # outer_book and inner_book_item
    src = edge_index[0]
    dst = edge_index[1]
    ones = jnp.ones((src.shape[0],), dtype=emb_u.dtype)
    outdeg_u = jnp.clip(jax.ops.segment_sum(ones, src, num_segments=N_USER), 1.0)
    indeg_i = jnp.clip(jax.ops.segment_sum(ones, dst, num_segments=N_ITEM), 1.0)
    # relation (user, user_book, book): conv on outer_user and on inner_book_user
    out_outer_book = _graphconv(emb_u, src, dst, N_ITEM, outdeg_u, indeg_i, W_ub, b_ub)
    out_inner_book_item = _graphconv(emb_u, src, dst, N_ITEM, outdeg_u, indeg_i, W_ub, b_ub)
    # relation (book, book_user, user): reversed edges; conv on outer_book and inner_book_item
    out_outer_user = _graphconv(emb_i, dst, src, N_USER, indeg_i, outdeg_u, W_bu, b_bu)
    out_inner_book_user = _graphconv(emb_i, dst, src, N_USER, indeg_i, outdeg_u, W_bu, b_bu)
    # each output_dict key has exactly one contribution -> stack+sum is identity
    return (out_outer_user, out_outer_book, out_inner_book_user, out_inner_book_item)

if __name__ == "__main__":
    import jax
    _d = setup_inputs()
    print(jax.jit(kernel)(*tuple(_d.values())))

</pallas_src>

<mosaic_0001>
#map = affine_map<(d0, d1) -> (0)>
#map1 = affine_map<(d0, d1) -> (0, 0, 0)>
module attributes {stable_mosaic.version = 14 : i64} {
  func.func @_deg_body(%arg0: i32, %arg1: i32, %arg2: memref<81920xi32, #tpu.memory_space<hbm>>, %arg3: memref<81920xi32, #tpu.memory_space<hbm>>, %arg4: memref<32x2x5120xf32, #tpu.memory_space<hbm>>, %arg5: memref<2560xi32, #tpu.memory_space<vmem>>, %arg6: memref<81920xf32, #tpu.memory_space<vmem>>, %arg7: memref<5120xf32, #tpu.memory_space<vmem>>, %arg8: memref<!tpu.dma_semaphore, #tpu.memory_space<semaphore_mem>>) attributes {dimension_semantics = [#tpu.dimension_semantics<core_parallel>, #tpu.dimension_semantics<subcore_parallel>], iteration_bounds = array<i64: 2, 16>, scalar_prefetch = 0 : i64, scratch_operands = 4 : i64, tpu.core_type = #tpu.core_type<sc_vector_subcore>, window_params = [{transform_indices = #map}, {transform_indices = #map}, {transform_indices = #map1}]} {
    %mul3A = arith.constant 2 : i32
    %mul3A_0 = arith.muli %arg1, %mul3A : i32
    %add3A = arith.addi %mul3A_0, %arg0 : i32
    %iota3A = tpu.iota {dimensions = array<i32: 0>} : vector<16xi32>
    %broadcast_in_dim3A = arith.constant 1.000000e+00 : f32
    %broadcast_in_dim3A_1 = vector.broadcast %broadcast_in_dim3A : f32 to vector<16xf32>
    %broadcast_in_dim3A_2 = arith.constant 0.000000e+00 : f32
    %broadcast_in_dim3A_3 = vector.broadcast %broadcast_in_dim3A_2 : f32 to vector<16xf32>
    %mul3A_4 = arith.constant 5120 : i32
    %mul3A_5 = vector.broadcast %mul3A_4 : i32 to vector<16xi32>
    %mul3A_6 = arith.muli %iota3A, %mul3A_5 : vector<16xi32>
    %scan3A = arith.constant 0 : i32
    %scan3A_7 = arith.constant 640 : i32
    %scan3A_8 = arith.addi %scan3A, %scan3A_7 : i32
    %scan3A_9 = arith.constant 1 : i32
    scf.for %scan3A_41 = %scan3A to %scan3A_8 step %scan3A_9  : i32 {
      %mul3A_42 = arith.constant 128 : i32
      %mul3A_43 = arith.muli %scan3A_41, %mul3A_42 : i32
      %add3A_44 = arith.constant 0 : i32
      %add3A_45 = arith.addi %mul3A_43, %add3A_44 : i32
      %swap3A = arith.index_cast %add3A_45 : i32 to index
      %swap3A_46 = tpu.vector_load %arg6[%swap3A] {strides = array<i32>} : memref<81920xf32, #tpu.memory_space<vmem>>, vector<16xf32>,
      tpu.vector_store %arg6[%swap3A], %broadcast_in_dim3A_3 {strides = array<i32>} : memref<81920xf32, #tpu.memory_space<vmem>>, vector<16xf32>,
      %mul3A_47 = arith.constant 128 : i32
      %mul3A_48 = arith.muli %scan3A_41, %mul3A_47 : i32
      %add3A_49 = arith.constant 16 : i32
      %add3A_50 = arith.addi %mul3A_48, %add3A_49 : i32
      %swap3A_51 = arith.index_cast %add3A_50 : i32 to index
      %swap3A_52 = tpu.vector_load %arg6[%swap3A_51] {strides = array<i32>} : memref<81920xf32, #tpu.memory_space<vmem>>, vector<16xf32>,
      tpu.vector_store %arg6[%swap3A_51], %broadcast_in_dim3A_3 {strides = array<i32>} : memref<81920xf32, #tpu.memory_space<vmem>>, vector<16xf32>,
      %mul3A_53 = arith.constant 128 : i32
      %mul3A_54 = arith.muli %scan3A_41, %mul3A_53 : i32
      %add3A_55 = arith.constant 32 : i32
      %add3A_56 = arith.addi %mul3A_54, %add3A_55 : i32
      %swap3A_57 = arith.index_cast %add3A_56 : i32 to index
      %swap3A_58 = tpu.vector_load %arg6[%swap3A_57] {strides = array<i32>} : memref<81920xf32, #tpu.memory_space<vmem>>, vector<16xf32>,
      tpu.vector_store %arg6[%swap3A_57], %broadcast_in_dim3A_3 {strides = array<i32>} : memref<81920xf32, #tpu.memory_space<vmem>>, vector<16xf32>,
      %mul3A_59 = arith.constant 128 : i32
      %mul3A_60 = arith.muli %scan3A_41, %mul3A_59 : i32
      %add3A_61 = arith.constant 48 : i32
      %add3A_62 = arith.addi %mul3A_60, %add3A_61 : i32
      %swap3A_63 = arith.index_cast %add3A_62 : i32 to index
      %swap3A_64 = tpu.vector_load %arg6[%swap3A_63] {strides = array<i32>} : memref<81920xf32, #tpu.memory_space<vmem>>, vector<16xf32>,
      tpu.vector_store %arg6[%swap3A_63], %broadcast_in_dim3A_3 {strides = array<i32>} : memref<81920xf32, #tpu.memory_space<vmem>>, vector<16xf32>,
      %mul3A_65 = arith.constant 128 : i32
      %mul3A_66 = arith.muli %scan3A_41, %mul3A_65 : i32
      %add3A_67 = arith.constant 64 : i32
      %add3A_68 = arith.addi %mul3A_66, %add3A_67 : i32
      %swap3A_69 = arith.index_cast %add3A_68 : i32 to index
      %swap3A_70 = tpu.vector_load %arg6[%swap3A_69] {strides = array<i32>} : memref<81920xf32, #tpu.memory_space<vmem>>, vector<16xf32>,
      tpu.vector_store %arg6[%swap3A_69], %broadcast_in_dim3A_3 {strides = array<i32>} : memref<81920xf32, #tpu.memory_space<vmem>>, vector<16xf32>,
      %mul3A_71 = arith.constant 128 : i32
      %mul3A_72 = arith.muli %scan3A_41, %mul3A_71 : i32
      %add3A_73 = arith.constant 80 : i32
      %add3A_74 = arith.addi %mul3A_72, %add3A_73 : i32
      %swap3A_75 = arith.index_cast %add3A_74 : i32 to index
      %swap3A_76 = tpu.vector_load %arg6[%swap3A_75] {strides = array<i32>} : memref<81920xf32, #tpu.memory_space<vmem>>, vector<16xf32>,
      tpu.vector_store %arg6[%swap3A_75], %broadcast_in_dim3A_3 {strides = array<i32>} : memref<81920xf32, #tpu.memory_space<vmem>>, vector<16xf32>,
      %mul3A_77 = arith.constant 128 : i32
      %mul3A_78 = arith.muli %scan3A_41, %mul3A_77 : i32
      %add3A_79 = arith.constant 96 : i32
      %add3A_80 = arith.addi %mul3A_78, %add3A_79 : i32
      %swap3A_81 = arith.index_cast %add3A_80 : i32 to index
      %swap3A_82 = tpu.vector_load %arg6[%swap3A_81] {strides = array<i32>} : memref<81920xf32, #tpu.memory_space<vmem>>, vector<16xf32>,
      tpu.vector_store %arg6[%swap3A_81], %broadcast_in_dim3A_3 {strides = array<i32>} : memref<81920xf32, #tpu.memory_space<vmem>>, vector<16xf32>,
      %mul3A_83 = arith.constant 128 : i32
      %mul3A_84 = arith.muli %scan3A_41, %mul3A_83 : i32
      %add3A_85 = arith.constant 112 : i32
      %add3A_86 = arith.addi %mul3A_84, %add3A_85 : i32
      %swap3A_87 = arith.index_cast %add3A_86 : i32 to index
      %swap3A_88 = tpu.vector_load %arg6[%swap3A_87] {strides = array<i32>} : memref<81920xf32, #tpu.memory_space<vmem>>, vector<16xf32>,
      tpu.vector_store %arg6[%swap3A_87], %broadcast_in_dim3A_3 {strides = array<i32>} : memref<81920xf32, #tpu.memory_space<vmem>>, vector<16xf32>,
    }
    %scan3A_10 = arith.constant 640 : i32
    %mul3A_11 = arith.constant 2560 : i32
    %mul3A_12 = arith.muli %add3A, %mul3A_11 : i32
    "tpu.region"() ({
      %run_scoped3A_41 = tpu.sem_alloc : memref<!tpu.dma_semaphore, #tpu.memory_space<semaphore_mem>>
      %dma_start3A = tpu.memref_slice %arg2[%mul3A_12] : memref<81920xi32, #tpu.memory_space<hbm>> -> memref<2560xi32, #tpu.memory_space<hbm>>
      %dma_start3A_42 = tpu.memref_slice %arg2[%mul3A_12] : memref<81920xi32, #tpu.memory_space<hbm>> -> memref<2560xi32, #tpu.memory_space<hbm>>
      tpu.enqueue_dma source(%dma_start3A_42 : memref<2560xi32, #tpu.memory_space<hbm>>) target(%arg5 : memref<2560xi32, #tpu.memory_space<vmem>>) target_semaphore(%run_scoped3A_41 : memref<!tpu.dma_semaphore, #tpu.memory_space<semaphore_mem>>)
      %dma_wait3A = tpu.memref_slice %arg2[%mul3A_12] : memref<81920xi32, #tpu.memory_space<hbm>> -> memref<2560xi32, #tpu.memory_space<hbm>>
      %dma_wait3A_43 = tpu.memref_slice %arg2[%mul3A_12] : memref<81920xi32, #tpu.memory_space<hbm>> -> memref<2560xi32, #tpu.memory_space<hbm>>
      tpu.wait_dma2 semaphore(%run_scoped3A_41 : memref<!tpu.dma_semaphore, #tpu.memory_space<semaphore_mem>>) src(%dma_wait3A_43 : memref<2560xi32, #tpu.memory_space<hbm>>) dst(%arg5 : memref<2560xi32, #tpu.memory_space<vmem>>)
      tpu.yield
    }) : () -> ()
    %scan3A_13 = arith.constant 0 : i32
    %scan3A_14 = arith.constant 160 : i32
    %scan3A_15 = arith.addi %scan3A_13, %scan3A_14 : i32
    %scan3A_16 = arith.constant 1 : i32
    scf.for %scan3A_41 = %scan3A_13 to %scan3A_15 step %scan3A_16  : i32 {
      %mul3A_42 = arith.constant 16 : i32
      %mul3A_43 = arith.muli %scan3A_41, %mul3A_42 : i32
      %get3A = arith.index_cast %mul3A_43 : i32 to index
      %get3A_44 = tpu.vector_load %arg5[%get3A] {strides = array<i32>} : memref<2560xi32, #tpu.memory_space<vmem>>, vector<16xi32>,
      %add3A_45 = arith.addi %mul3A_6, %get3A_44 : vector<16xi32>
      tpu.vector_store_idx %arg6[%add3A_45], %broadcast_in_dim3A_1 {add = true} : memref<81920xf32, #tpu.memory_space<vmem>>[vector<16xi32>], vector<16xf32>,
    }
    %scan3A_17 = arith.constant 160 : i32
    %scan3A_18 = arith.constant 0 : i32
    %scan3A_19 = arith.constant 320 : i32
    %scan3A_20 = arith.addi %scan3A_18, %scan3A_19 : i32
    %scan3A_21 = arith.constant 1 : i32
    scf.for %scan3A_41 = %scan3A_18 to %scan3A_20 step %scan3A_21  : i32 {
      %mul3A_42 = arith.constant 16 : i32
      %mul3A_43 = arith.muli %scan3A_41, %mul3A_42 : i32
      %get3A = arith.index_cast %mul3A_43 : i32 to index
      %get3A_44 = tpu.vector_load %arg6[%get3A] {strides = array<i32>} : memref<81920xf32, #tpu.memory_space<vmem>>, vector<16xf32>,
      %mul3A_45 = arith.constant 16 : i32
      %mul3A_46 = arith.muli %scan3A_41, %mul3A_45 : i32
      %add3A_47 = arith.constant 5120 : i32
      %add3A_48 = arith.addi %add3A_47, %mul3A_46 : i32
      %get3A_49 = arith.index_cast %add3A_48 : i32 to index
      %get3A_50 = tpu.vector_load %arg6[%get3A_49] {strides = array<i32>} : memref<81920xf32, #tpu.memory_space<vmem>>, vector<16xf32>,
      %add3A_51 = arith.addf %get3A_44, %get3A_50 : vector<16xf32>
      %mul3A_52 = arith.constant 16 : i32
      %mul3A_53 = arith.muli %scan3A_41, %mul3A_52 : i32
      %add3A_54 = arith.constant 10240 : i32
      %add3A_55 = arith.addi %add3A_54, %mul3A_53 : i32
      %get3A_56 = arith.index_cast %add3A_55 : i32 to index
      %get3A_57 = tpu.vector_load %arg6[%get3A_56] {strides = array<i32>} : memref<81920xf32, #tpu.memory_space<vmem>>, vector<16xf32>,
      %add3A_58 = arith.addf %add3A_51, %get3A_57 : vector<16xf32>
      %mul3A_59 = arith.constant 16 : i32
      %mul3A_60 = arith.muli %scan3A_41, %mul3A_59 : i32
      %add3A_61 = arith.constant 15360 : i32
      %add3A_62 = arith.addi %add3A_61, %mul3A_60 : i32
      %get3A_63 = arith.index_cast %add3A_62 : i32 to index
      %get3A_64 = tpu.vector_load %arg6[%get3A_63] {strides = array<i32>} : memref<81920xf32, #tpu.memory_space<vmem>>, vector<16xf32>,
      %add3A_65 = arith.addf %add3A_58, %get3A_64 : vector<16xf32>
      %mul3A_66 = arith.constant 16 : i32
      %mul3A_67 = arith.muli %scan3A_41, %mul3A_66 : i32
      %add3A_68 = arith.constant 20480 : i32
      %add3A_69 = arith.addi %add3A_68, %mul3A_67 : i32
      %get3A_70 = arith.index_cast %add3A_69 : i32 to index
      %get3A_71 = tpu.vector_load %arg6[%get3A_70] {strides = array<i32>} : memref<81920xf32, #tpu.memory_space<vmem>>, vector<16xf32>,
      %add3A_72 = arith.addf %add3A_65, %get3A_71 : vector<16xf32>
      %mul3A_73 = arith.constant 16 : i32
      %mul3A_74 = arith.muli %scan3A_41, %mul3A_73 : i32
      %add3A_75 = arith.constant 25600 : i32
      %add3A_76 = arith.addi %add3A_75, %mul3A_74 : i32
      %get3A_77 = arith.index_cast %add3A_76 : i32 to index
      %get3A_78 = tpu.vector_load %arg6[%get3A_77] {strides = array<i32>} : memref<81920xf32, #tpu.memory_space<vmem>>, vector<16xf32>,
      %add3A_79 = arith.addf %add3A_72, %get3A_78 : vector<16xf32>
      %mul3A_80 = arith.constant 16 : i32
      %mul3A_81 = arith.muli %scan3A_41, %mul3A_80 : i32
      %add3A_82 = arith.constant 30720 : i32
      %add3A_83 = arith.addi %add3A_82, %mul3A_81 : i32
      %get3A_84 = arith.index_cast %add3A_83 : i32 to index
      %get3A_85 = tpu.vector_load %arg6[%get3A_84] {strides = array<i32>} : memref<81920xf32, #tpu.memory_space<vmem>>, vector<16xf32>,
      %add3A_86 = arith.addf %add3A_79, %get3A_85 : vector<16xf32>
      %mul3A_87 = arith.constant 16 : i32
      %mul3A_88 = arith.muli %scan3A_41, %mul3A_87 : i32
      %add3A_89 = arith.constant 35840 : i32
      %add3A_90 = arith.addi %add3A_89, %mul3A_88 : i32
      %get3A_91 = arith.index_cast %add3A_90 : i32 to index
      %get3A_92 = tpu.vector_load %arg6[%get3A_91] {strides = array<i32>} : memref<81920xf32, #tpu.memory_space<vmem>>, vector<16xf32>,
      %add3A_93 = arith.addf %add3A_86, %get3A_92 : vector<16xf32>
      %mul3A_94 = arith.constant 16 : i32
      %mul3A_95 = arith.muli %scan3A_41, %mul3A_94 : i32
      %add3A_96 = arith.constant 40960 : i32
      %add3A_97 = arith.addi %add3A_96, %mul3A_95 : i32
      %get3A_98 = arith.index_cast %add3A_97 : i32 to index
      %get3A_99 = tpu.vector_load %arg6[%get3A_98] {strides = array<i32>} : memref<81920xf32, #tpu.memory_space<vmem>>, vector<16xf32>,
      %add3A_100 = arith.addf %add3A_93, %get3A_99 : vector<16xf32>
      %mul3A_101 = arith.constant 16 : i32
      %mul3A_102 = arith.muli %scan3A_41, %mul3A_101 : i32
      %add3A_103 = arith.constant 46080 : i32
      %add3A_104 = arith.addi %add3A_103, %mul3A_102 : i32
      %get3A_105 = arith.index_cast %add3A_104 : i32 to index
      %get3A_106 = tpu.vector_load %arg6[%get3A_105] {strides = array<i32>} : memref<81920xf32, #tpu.memory_space<vmem>>, vector<16xf32>,
      %add3A_107 = arith.addf %add3A_100, %get3A_106 : vector<16xf32>
      %mul3A_108 = arith.constant 16 : i32
      %mul3A_109 = arith.muli %scan3A_41, %mul3A_108 : i32
      %add3A_110 = arith.constant 51200 : i32
      %add3A_111 = arith.addi %add3A_110, %mul3A_109 : i32
      %get3A_112 = arith.index_cast %add3A_111 : i32 to index
      %get3A_113 = tpu.vector_load %arg6[%get3A_112] {strides = array<i32>} : memref<81920xf32, #tpu.memory_space<vmem>>, vector<16xf32>,
      %add3A_114 = arith.addf %add3A_107, %get3A_113 : vector<16xf32>
      %mul3A_115 = arith.constant 16 : i32
      %mul3A_116 = arith.muli %scan3A_41, %mul3A_115 : i32
      %add3A_117 = arith.constant 56320 : i32
      %add3A_118 = arith.addi %add3A_117, %mul3A_116 : i32
      %get3A_119 = arith.index_cast %add3A_118 : i32 to index
      %get3A_120 = tpu.vector_load %arg6[%get3A_119] {strides = array<i32>} : memref<81920xf32, #tpu.memory_space<vmem>>, vector<16xf32>,
      %add3A_121 = arith.addf %add3A_114, %get3A_120 : vector<16xf32>
      %mul3A_122 = arith.constant 16 : i32
      %mul3A_123 = arith.muli %scan3A_41, %mul3A_122 : i32
      %add3A_124 = arith.constant 61440 : i32
      %add3A_125 = arith.addi %add3A_124, %mul3A_123 : i32
      %get3A_126 = arith.index_cast %add3A_125 : i32 to index
      %get3A_127 = tpu.vector_load %arg6[%get3A_126] {strides = array<i32>} : memref<81920xf32, #tpu.memory_space<vmem>>, vector<16xf32>,
      %add3A_128 = arith.addf %add3A_121, %get3A_127 : vector<16xf32>
      %mul3A_129 = arith.constant 16 : i32
      %mul3A_130 = arith.muli %scan3A_41, %mul3A_129 : i32
      %add3A_131 = arith.constant 66560 : i32
      %add3A_132 = arith.addi %add3A_131, %mul3A_130 : i32
      %get3A_133 = arith.index_cast %add3A_132 : i32 to index
      %get3A_134 = tpu.vector_load %arg6[%get3A_133] {strides = array<i32>} : memref<81920xf32, #tpu.memory_space<vmem>>, vector<16xf32>,
      %add3A_135 = arith.addf %add3A_128, %get3A_134 : vector<16xf32>
      %mul3A_136 = arith.constant 16 : i32
      %mul3A_137 = arith.muli %scan3A_41, %mul3A_136 : i32
      %add3A_138 = arith.constant 71680 : i32
      %add3A_139 = arith.addi %add3A_138, %mul3A_137 : i32
      %get3A_140 = arith.index_cast %add3A_139 : i32 to index
      %get3A_141 = tpu.vector_load %arg6[%get3A_140] {strides = array<i32>} : memref<81920xf32, #tpu.memory_space<vmem>>, vector<16xf32>,
      %add3A_142 = arith.addf %add3A_135, %get3A_141 : vector<16xf32>
      %mul3A_143 = arith.constant 16 : i32
      %mul3A_144 = arith.muli %scan3A_41, %mul3A_143 : i32
      %add3A_145 = arith.constant 76800 : i32
      %add3A_146 = arith.addi %add3A_145, %mul3A_144 : i32
      %get3A_147 = arith.index_cast %add3A_146 : i32 to index
      %get3A_148 = tpu.vector_load %arg6[%get3A_147] {strides = array<i32>} : memref<81920xf32, #tpu.memory_space<vmem>>, vector<16xf32>,
      %add3A_149 = arith.addf %add3A_142, %get3A_148 : vector<16xf32>
      %mul3A_150 = arith.constant 16 : i32
      %mul3A_151 = arith.muli %scan3A_41, %mul3A_150 : i32
      %swap3A = arith.index_cast %mul3A_151 : i32 to index
      %swap3A_152 = tpu.vector_load %arg7[%swap3A] {strides = array<i32>} : memref<5120xf32, #tpu.memory_space<vmem>>, vector<16xf32>,
      tpu.vector_store %arg7[%swap3A], %add3A_149 {strides = array<i32>} : memref<5120xf32, #tpu.memory_space<vmem>>, vector<16xf32>,
    }
    %scan3A_22 = arith.constant 320 : i32
    %run_scoped3A = arith.constant 0 : i32
    "tpu.region"() ({
      %run_scoped3A_41 = tpu.sem_alloc : memref<!tpu.dma_semaphore, #tpu.memory_space<semaphore_mem>>
      %dma_start3A = arith.constant 0 : i32
      %dma_start3A_42 = tpu.memref_slice %arg4[%add3A, %run_scoped3A, %dma_start3A] : memref<32x2x5120xf32, #tpu.memory_space<hbm>> -> memref<1x1x5120xf32, #tpu.memory_space<hbm>>
      %dma_start3A_43 = tpu.memref_squeeze %dma_start3A_42 : memref<1x1x5120xf32, #tpu.memory_space<hbm>> -> memref<5120xf32, #tpu.memory_space<hbm>>
      %dma_start3A_44 = arith.constant 0 : i32
      %dma_start3A_45 = tpu.memref_slice %arg4[%add3A, %run_scoped3A, %dma_start3A_44] : memref<32x2x5120xf32, #tpu.memory_space<hbm>> -> memref<1x1x5120xf32, #tpu.memory_space<hbm>>
      %dma_start3A_46 = tpu.memref_squeeze %dma_start3A_45 : memref<1x1x5120xf32, #tpu.memory_space<hbm>> -> memref<5120xf32, #tpu.memory_space<hbm>>
      tpu.enqueue_dma source(%arg7 : memref<5120xf32, #tpu.memory_space<vmem>>) target(%dma_start3A_46 : memref<5120xf32, #tpu.memory_space<hbm>>) target_semaphore(%run_scoped3A_41 : memref<!tpu.dma_semaphore, #tpu.memory_space<semaphore_mem>>)
      %dma_wait3A = arith.constant 0 : i32
      %dma_wait3A_47 = tpu.memref_slice %arg4[%add3A, %run_scoped3A, %dma_wait3A] : memref<32x2x5120xf32, #tpu.memory_space<hbm>> -> memref<1x1x5120xf32, #tpu.memory_space<hbm>>
      %dma_wait3A_48 = tpu.memref_squeeze %dma_wait3A_47 : memref<1x1x5120xf32, #tpu.memory_space<hbm>> -> memref<5120xf32, #tpu.memory_space<hbm>>
      %dma_wait3A_49 = arith.constant 0 : i32
      %dma_wait3A_50 = tpu.memref_slice %arg4[%add3A, %run_scoped3A, %dma_wait3A_49] : memref<32x2x5120xf32, #tpu.memory_space<hbm>> -> memref<1x1x5120xf32, #tpu.memory_space<hbm>>
      %dma_wait3A_51 = tpu.memref_squeeze %dma_wait3A_50 : memref<1x1x5120xf32, #tpu.memory_space<hbm>> -> memref<5120xf32, #tpu.memory_space<hbm>>
      tpu.wait_dma2 semaphore(%run_scoped3A_41 : memref<!tpu.dma_semaphore, #tpu.memory_space<semaphore_mem>>) src(%arg7 : memref<5120xf32, #tpu.memory_space<vmem>>) dst(%dma_wait3A_51 : memref<5120xf32, #tpu.memory_space<hbm>>)
      tpu.yield
    }) : () -> ()
    %scan3A_23 = arith.constant 0 : i32
    %scan3A_24 = arith.constant 640 : i32
    %scan3A_25 = arith.addi %scan3A_23, %scan3A_24 : i32
    %scan3A_26 = arith.constant 1 : i32
    scf.for %scan3A_41 = %scan3A_23 to %scan3A_25 step %scan3A_26  : i32 {
      %mul3A_42 = arith.constant 128 : i32
      %mul3A_43 = arith.muli %scan3A_41, %mul3A_42 : i32
      %add3A_44 = arith.constant 0 : i32
      %add3A_45 = arith.addi %mul3A_43, %add3A_44 : i32
      %swap3A = arith.index_cast %add3A_45 : i32 to index
      %swap3A_46 = tpu.vector_load %arg6[%swap3A] {strides = array<i32>} : memref<81920xf32, #tpu.memory_space<vmem>>, vector<16xf32>,
      tpu.vector_store %arg6[%swap3A], %broadcast_in_dim3A_3 {strides = array<i32>} : memref<81920xf32, #tpu.memory_space<vmem>>, vector<16xf32>,
      %mul3A_47 = arith.constant 128 : i32
      %mul3A_48 = arith.muli %scan3A_41, %mul3A_47 : i32
      %add3A_49 = arith.constant 16 : i32
      %add3A_50 = arith.addi %mul3A_48, %add3A_49 : i32
      %swap3A_51 = arith.index_cast %add3A_50 : i32 to index
      %swap3A_52 = tpu.vector_load %arg6[%swap3A_51] {strides = array<i32>} : memref<81920xf32, #tpu.memory_space<vmem>>, vector<16xf32>,
      tpu.vector_store %arg6[%swap3A_51], %broadcast_in_dim3A_3 {strides = array<i32>} : memref<81920xf32, #tpu.memory_space<vmem>>, vector<16xf32>,
      %mul3A_53 = arith.constant 128 : i32
      %mul3A_54 = arith.muli %scan3A_41, %mul3A_53 : i32
      %add3A_55 = arith.constant 32 : i32
      %add3A_56 = arith.addi %mul3A_54, %add3A_55 : i32
      %swap3A_57 = arith.index_cast %add3A_56 : i32 to index
      %swap3A_58 = tpu.vector_load %arg6[%swap3A_57] {strides = array<i32>} : memref<81920xf32, #tpu.memory_space<vmem>>, vector<16xf32>,
      tpu.vector_store %arg6[%swap3A_57], %broadcast_in_dim3A_3 {strides = array<i32>} : memref<81920xf32, #tpu.memory_space<vmem>>, vector<16xf32>,
      %mul3A_59 = arith.constant 128 : i32
      %mul3A_60 = arith.muli %scan3A_41, %mul3A_59 : i32
      %add3A_61 = arith.constant 48 : i32
      %add3A_62 = arith.addi %mul3A_60, %add3A_61 : i32
      %swap3A_63 = arith.index_cast %add3A_62 : i32 to index
      %swap3A_64 = tpu.vector_load %arg6[%swap3A_63] {strides = array<i32>} : memref<81920xf32, #tpu.memory_space<vmem>>, vector<16xf32>,
      tpu.vector_store %arg6[%swap3A_63], %broadcast_in_dim3A_3 {strides = array<i32>} : memref<81920xf32, #tpu.memory_space<vmem>>, vector<16xf32>,
      %mul3A_65 = arith.constant 128 : i32
      %mul3A_66 = arith.muli %scan3A_41, %mul3A_65 : i32
      %add3A_67 = arith.constant 64 : i32
      %add3A_68 = arith.addi %mul3A_66, %add3A_67 : i32
      %swap3A_69 = arith.index_cast %add3A_68 : i32 to index
      %swap3A_70 = tpu.vector_load %arg6[%swap3A_69] {strides = array<i32>} : memref<81920xf32, #tpu.memory_space<vmem>>, vector<16xf32>,
      tpu.vector_store %arg6[%swap3A_69], %broadcast_in_dim3A_3 {strides = array<i32>} : memref<81920xf32, #tpu.memory_space<vmem>>, vector<16xf32>,
      %mul3A_71 = arith.constant 128 : i32
      %mul3A_72 = arith.muli %scan3A_41, %mul3A_71 : i32
      %add3A_73 = arith.constant 80 : i32
      %add3A_74 = arith.addi %mul3A_72, %add3A_73 : i32
      %swap3A_75 = arith.index_cast %add3A_74 : i32 to index
      %swap3A_76 = tpu.vector_load %arg6[%swap3A_75] {strides = array<i32>} : memref<81920xf32, #tpu.memory_space<vmem>>, vector<16xf32>,
      tpu.vector_store %arg6[%swap3A_75], %broadcast_in_dim3A_3 {strides = array<i32>} : memref<81920xf32, #tpu.memory_space<vmem>>, vector<16xf32>,
      %mul3A_77 = arith.constant 128 : i32
      %mul3A_78 = arith.muli %scan3A_41, %mul3A_77 : i32
      %add3A_79 = arith.constant 96 : i32
      %add3A_80 = arith.addi %mul3A_78, %add3A_79 : i32
      %swap3A_81 = arith.index_cast %add3A_80 : i32 to index
      %swap3A_82 = tpu.vector_load %arg6[%swap3A_81] {strides = array<i32>} : memref<81920xf32, #tpu.memory_space<vmem>>, vector<16xf32>,
      tpu.vector_store %arg6[%swap3A_81], %broadcast_in_dim3A_3 {strides = array<i32>} : memref<81920xf32, #tpu.memory_space<vmem>>, vector<16xf32>,
      %mul3A_83 = arith.constant 128 : i32
      %mul3A_84 = arith.muli %scan3A_41, %mul3A_83 : i32
      %add3A_85 = arith.constant 112 : i32
      %add3A_86 = arith.addi %mul3A_84, %add3A_85 : i32
      %swap3A_87 = arith.index_cast %add3A_86 : i32 to index
      %swap3A_88 = tpu.vector_load %arg6[%swap3A_87] {strides = array<i32>} : memref<81920xf32, #tpu.memory_space<vmem>>, vector<16xf32>,
      tpu.vector_store %arg6[%swap3A_87], %broadcast_in_dim3A_3 {strides = array<i32>} : memref<81920xf32, #tpu.memory_space<vmem>>, vector<16xf32>,
    }
    %scan3A_27 = arith.constant 640 : i32
    %mul3A_28 = arith.constant 2560 : i32
    %mul3A_29 = arith.muli %add3A, %mul3A_28 : i32
    "tpu.region"() ({
      %run_scoped3A_41 = tpu.sem_alloc : memref<!tpu.dma_semaphore, #tpu.memory_space<semaphore_mem>>
      %dma_start3A = tpu.memref_slice %arg3[%mul3A_29] : memref<81920xi32, #tpu.memory_space<hbm>> -> memref<2560xi32, #tpu.memory_space<hbm>>
      %dma_start3A_42 = tpu.memref_slice %arg3[%mul3A_29] : memref<81920xi32, #tpu.memory_space<hbm>> -> memref<2560xi32, #tpu.memory_space<hbm>>
      tpu.enqueue_dma source(%dma_start3A_42 : memref<2560xi32, #tpu.memory_space<hbm>>) target(%arg5 : memref<2560xi32, #tpu.memory_space<vmem>>) target_semaphore(%run_scoped3A_41 : memref<!tpu.dma_semaphore, #tpu.memory_space<semaphore_mem>>)
      %dma_wait3A = tpu.memref_slice %arg3[%mul3A_29] : memref<81920xi32, #tpu.memory_space<hbm>> -> memref<2560xi32, #tpu.memory_space<hbm>>
      %dma_wait3A_43 = tpu.memref_slice %arg3[%mul3A_29] : memref<81920xi32, #tpu.memory_space<hbm>> -> memref<2560xi32, #tpu.memory_space<hbm>>
      tpu.wait_dma2 semaphore(%run_scoped3A_41 : memref<!tpu.dma_semaphore, #tpu.memory_space<semaphore_mem>>) src(%dma_wait3A_43 : memref<2560xi32, #tpu.memory_space<hbm>>) dst(%arg5 : memref<2560xi32, #tpu.memory_space<vmem>>)
      tpu.yield
    }) : () -> ()
    %scan3A_30 = arith.constant 0 : i32
    %scan3A_31 = arith.constant 160 : i32
    %scan3A_32 = arith.addi %scan3A_30, %scan3A_31 : i32
    %scan3A_33 = arith.constant 1 : i32
    scf.for %scan3A_41 = %scan3A_30 to %scan3A_32 step %scan3A_33  : i32 {
      %mul3A_42 = arith.constant 16 : i32
      %mul3A_43 = arith.muli %scan3A_41, %mul3A_42 : i32
      %get3A = arith.index_cast %mul3A_43 : i32 to index
      %get3A_44 = tpu.vector_load %arg5[%get3A] {strides = array<i32>} : memref<2560xi32, #tpu.memory_space<vmem>>, vector<16xi32>,
      %add3A_45 = arith.addi %mul3A_6, %get3A_44 : vector<16xi32>
      tpu.vector_store_idx %arg6[%add3A_45], %broadcast_in_dim3A_1 {add = true} : memref<81920xf32, #tpu.memory_space<vmem>>[vector<16xi32>], vector<16xf32>,
    }
    %scan3A_34 = arith.constant 160 : i32
    %scan3A_35 = arith.constant 0 : i32
    %scan3A_36 = arith.constant 320 : i32
    %scan3A_37 = arith.addi %scan3A_35, %scan3A_36 : i32
    %scan3A_38 = arith.constant 1 : i32
    scf.for %scan3A_41 = %scan3A_35 to %scan3A_37 step %scan3A_38  : i32 {
      %mul3A_42 = arith.constant 16 : i32
      %mul3A_43 = arith.muli %scan3A_41, %mul3A_42 : i32
      %get3A = arith.index_cast %mul3A_43 : i32 to index
      %get3A_44 = tpu.vector_load %arg6[%get3A] {strides = array<i32>} : memref<81920xf32, #tpu.memory_space<vmem>>, vector<16xf32>,
      %mul3A_45 = arith.constant 16 : i32
      %mul3A_46 = arith.muli %scan3A_41, %mul3A_45 : i32
      %add3A_47 = arith.constant 5120 : i32
      %add3A_48 = arith.addi %add3A_47, %mul3A_46 : i32
      %get3A_49 = arith.index_cast %add3A_48 : i32 to index
      %get3A_50 = tpu.vector_load %arg6[%get3A_49] {strides = array<i32>} : memref<81920xf32, #tpu.memory_space<vmem>>, vector<16xf32>,
      %add3A_51 = arith.addf %get3A_44, %get3A_50 : vector<16xf32>
      %mul3A_52 = arith.constant 16 : i32
      %mul3A_53 = arith.muli %scan3A_41, %mul3A_52 : i32
      %add3A_54 = arith.constant 10240 : i32
      %add3A_55 = arith.addi %add3A_54, %mul3A_53 : i32
      %get3A_56 = arith.index_cast %add3A_55 : i32 to index
      %get3A_57 = tpu.vector_load %arg6[%get3A_56] {strides = array<i32>} : memref<81920xf32, #tpu.memory_space<vmem>>, vector<16xf32>,
      %add3A_58 = arith.addf %add3A_51, %get3A_57 : vector<16xf32>
      %mul3A_59 = arith.constant 16 : i32
      %mul3A_60 = arith.muli %scan3A_41, %mul3A_59 : i32
      %add3A_61 = arith.constant 15360 : i32
      %add3A_62 = arith.addi %add3A_61, %mul3A_60 : i32
      %get3A_63 = arith.index_cast %add3A_62 : i32 to index
      %get3A_64 = tpu.vector_load %arg6[%get3A_63] {strides = array<i32>} : memref<81920xf32, #tpu.memory_space<vmem>>, vector<16xf32>,
      %add3A_65 = arith.addf %add3A_58, %get3A_64 : vector<16xf32>
      %mul3A_66 = arith.constant 16 : i32
      %mul3A_67 = arith.muli %scan3A_41, %mul3A_66 : i32
      %add3A_68 = arith.constant 20480 : i32
      %add3A_69 = arith.addi %add3A_68, %mul3A_67 : i32
      %get3A_70 = arith.index_cast %add3A_69 : i32 to index
      %get3A_71 = tpu.vector_load %arg6[%get3A_70] {strides = array<i32>} : memref<81920xf32, #tpu.memory_space<vmem>>, vector<16xf32>,
      %add3A_72 = arith.addf %add3A_65, %get3A_71 : vector<16xf32>
      %mul3A_73 = arith.constant 16 : i32
      %mul3A_74 = arith.muli %scan3A_41, %mul3A_73 : i32
      %add3A_75 = arith.constant 25600 : i32
      %add3A_76 = arith.addi %add3A_75, %mul3A_74 : i32
      %get3A_77 = arith.index_cast %add3A_76 : i32 to index
      %get3A_78 = tpu.vector_load %arg6[%get3A_77] {strides = array<i32>} : memref<81920xf32, #tpu.memory_space<vmem>>, vector<16xf32>,
      %add3A_79 = arith.addf %add3A_72, %get3A_78 : vector<16xf32>
      %mul3A_80 = arith.constant 16 : i32
      %mul3A_81 = arith.muli %scan3A_41, %mul3A_80 : i32
      %add3A_82 = arith.constant 30720 : i32
      %add3A_83 = arith.addi %add3A_82, %mul3A_81 : i32
      %get3A_84 = arith.index_cast %add3A_83 : i32 to index
      %get3A_85 = tpu.vector_load %arg6[%get3A_84] {strides = array<i32>} : memref<81920xf32, #tpu.memory_space<vmem>>, vector<16xf32>,
      %add3A_86 = arith.addf %add3A_79, %get3A_85 : vector<16xf32>
      %mul3A_87 = arith.constant 16 : i32
      %mul3A_88 = arith.muli %scan3A_41, %mul3A_87 : i32
      %add3A_89 = arith.constant 35840 : i32
      %add3A_90 = arith.addi %add3A_89, %mul3A_88 : i32
      %get3A_91 = arith.index_cast %add3A_90 : i32 to index
      %get3A_92 = tpu.vector_load %arg6[%get3A_91] {strides = array<i32>} : memref<81920xf32, #tpu.memory_space<vmem>>, vector<16xf32>,
      %add3A_93 = arith.addf %add3A_86, %get3A_92 : vector<16xf32>
      %mul3A_94 = arith.constant 16 : i32
      %mul3A_95 = arith.muli %scan3A_41, %mul3A_94 : i32
      %add3A_96 = arith.constant 40960 : i32
      %add3A_97 = arith.addi %add3A_96, %mul3A_95 : i32
      %get3A_98 = arith.index_cast %add3A_97 : i32 to index
      %get3A_99 = tpu.vector_load %arg6[%get3A_98] {strides = array<i32>} : memref<81920xf32, #tpu.memory_space<vmem>>, vector<16xf32>,
      %add3A_100 = arith.addf %add3A_93, %get3A_99 : vector<16xf32>
      %mul3A_101 = arith.constant 16 : i32
      %mul3A_102 = arith.muli %scan3A_41, %mul3A_101 : i32
      %add3A_103 = arith.constant 46080 : i32
      %add3A_104 = arith.addi %add3A_103, %mul3A_102 : i32
      %get3A_105 = arith.index_cast %add3A_104 : i32 to index
      %get3A_106 = tpu.vector_load %arg6[%get3A_105] {strides = array<i32>} : memref<81920xf32, #tpu.memory_space<vmem>>, vector<16xf32>,
      %add3A_107 = arith.addf %add3A_100, %get3A_106 : vector<16xf32>
      %mul3A_108 = arith.constant 16 : i32
      %mul3A_109 = arith.muli %scan3A_41, %mul3A_108 : i32
      %add3A_110 = arith.constant 51200 : i32
      %add3A_111 = arith.addi %add3A_110, %mul3A_109 : i32
      %get3A_112 = arith.index_cast %add3A_111 : i32 to index
      %get3A_113 = tpu.vector_load %arg6[%get3A_112] {strides = array<i32>} : memref<81920xf32, #tpu.memory_space<vmem>>, vector<16xf32>,
      %add3A_114 = arith.addf %add3A_107, %get3A_113 : vector<16xf32>
      %mul3A_115 = arith.constant 16 : i32
      %mul3A_116 = arith.muli %scan3A_41, %mul3A_115 : i32
      %add3A_117 = arith.constant 56320 : i32
      %add3A_118 = arith.addi %add3A_117, %mul3A_116 : i32
      %get3A_119 = arith.index_cast %add3A_118 : i32 to index
      %get3A_120 = tpu.vector_load %arg6[%get3A_119] {strides = array<i32>} : memref<81920xf32, #tpu.memory_space<vmem>>, vector<16xf32>,
      %add3A_121 = arith.addf %add3A_114, %get3A_120 : vector<16xf32>
      %mul3A_122 = arith.constant 16 : i32
      %mul3A_123 = arith.muli %scan3A_41, %mul3A_122 : i32
      %add3A_124 = arith.constant 61440 : i32
      %add3A_125 = arith.addi %add3A_124, %mul3A_123 : i32
      %get3A_126 = arith.index_cast %add3A_125 : i32 to index
      %get3A_127 = tpu.vector_load %arg6[%get3A_126] {strides = array<i32>} : memref<81920xf32, #tpu.memory_space<vmem>>, vector<16xf32>,
      %add3A_128 = arith.addf %add3A_121, %get3A_127 : vector<16xf32>
      %mul3A_129 = arith.constant 16 : i32
      %mul3A_130 = arith.muli %scan3A_41, %mul3A_129 : i32
      %add3A_131 = arith.constant 66560 : i32
      %add3A_132 = arith.addi %add3A_131, %mul3A_130 : i32
      %get3A_133 = arith.index_cast %add3A_132 : i32 to index
      %get3A_134 = tpu.vector_load %arg6[%get3A_133] {strides = array<i32>} : memref<81920xf32, #tpu.memory_space<vmem>>, vector<16xf32>,
      %add3A_135 = arith.addf %add3A_128, %get3A_134 : vector<16xf32>
      %mul3A_136 = arith.constant 16 : i32
      %mul3A_137 = arith.muli %scan3A_41, %mul3A_136 : i32
      %add3A_138 = arith.constant 71680 : i32
      %add3A_139 = arith.addi %add3A_138, %mul3A_137 : i32
      %get3A_140 = arith.index_cast %add3A_139 : i32 to index
      %get3A_141 = tpu.vector_load %arg6[%get3A_140] {strides = array<i32>} : memref<81920xf32, #tpu.memory_space<vmem>>, vector<16xf32>,
      %add3A_142 = arith.addf %add3A_135, %get3A_141 : vector<16xf32>
      %mul3A_143 = arith.constant 16 : i32
      %mul3A_144 = arith.muli %scan3A_41, %mul3A_143 : i32
      %add3A_145 = arith.constant 76800 : i32
      %add3A_146 = arith.addi %add3A_145, %mul3A_144 : i32
      %get3A_147 = arith.index_cast %add3A_146 : i32 to index
      %get3A_148 = tpu.vector_load %arg6[%get3A_147] {strides = array<i32>} : memref<81920xf32, #tpu.memory_space<vmem>>, vector<16xf32>,
      %add3A_149 = arith.addf %add3A_142, %get3A_148 : vector<16xf32>
      %mul3A_150 = arith.constant 16 : i32
      %mul3A_151 = arith.muli %scan3A_41, %mul3A_150 : i32
      %swap3A = arith.index_cast %mul3A_151 : i32 to index
      %swap3A_152 = tpu.vector_load %arg7[%swap3A] {strides = array<i32>} : memref<5120xf32, #tpu.memory_space<vmem>>, vector<16xf32>,
      tpu.vector_store %arg7[%swap3A], %add3A_149 {strides = array<i32>} : memref<5120xf32, #tpu.memory_space<vmem>>, vector<16xf32>,
    }
    %scan3A_39 = arith.constant 320 : i32
    %run_scoped3A_40 = arith.constant 1 : i32
    "tpu.region"() ({
      %run_scoped3A_41 = tpu.sem_alloc : memref<!tpu.dma_semaphore, #tpu.memory_space<semaphore_mem>>
      %dma_start3A = arith.constant 0 : i32
      %dma_start3A_42 = tpu.memref_slice %arg4[%add3A, %run_scoped3A_40, %dma_start3A] : memref<32x2x5120xf32, #tpu.memory_space<hbm>> -> memref<1x1x5120xf32, #tpu.memory_space<hbm>>
      %dma_start3A_43 = tpu.memref_squeeze %dma_start3A_42 : memref<1x1x5120xf32, #tpu.memory_space<hbm>> -> memref<5120xf32, #tpu.memory_space<hbm>>
      %dma_start3A_44 = arith.constant 0 : i32
      %dma_start3A_45 = tpu.memref_slice %arg4[%add3A, %run_scoped3A_40, %dma_start3A_44] : memref<32x2x5120xf32, #tpu.memory_space<hbm>> -> memref<1x1x5120xf32, #tpu.memory_space<hbm>>
      %dma_start3A_46 = tpu.memref_squeeze %dma_start3A_45 : memref<1x1x5120xf32, #tpu.memory_space<hbm>> -> memref<5120xf32, #tpu.memory_space<hbm>>
      tpu.enqueue_dma source(%arg7 : memref<5120xf32, #tpu.memory_space<vmem>>) target(%dma_start3A_46 : memref<5120xf32, #tpu.memory_space<hbm>>) target_semaphore(%run_scoped3A_41 : memref<!tpu.dma_semaphore, #tpu.memory_space<semaphore_mem>>)
      %dma_wait3A = arith.constant 0 : i32
      %dma_wait3A_47 = tpu.memref_slice %arg4[%add3A, %run_scoped3A_40, %dma_wait3A] : memref<32x2x5120xf32, #tpu.memory_space<hbm>> -> memref<1x1x5120xf32, #tpu.memory_space<hbm>>
      %dma_wait3A_48 = tpu.memref_squeeze %dma_wait3A_47 : memref<1x1x5120xf32, #tpu.memory_space<hbm>> -> memref<5120xf32, #tpu.memory_space<hbm>>
      %dma_wait3A_49 = arith.constant 0 : i32
      %dma_wait3A_50 = tpu.memref_slice %arg4[%add3A, %run_scoped3A_40, %dma_wait3A_49] : memref<32x2x5120xf32, #tpu.memory_space<hbm>> -> memref<1x1x5120xf32, #tpu.memory_space<hbm>>
      %dma_wait3A_51 = tpu.memref_squeeze %dma_wait3A_50 : memref<1x1x5120xf32, #tpu.memory_space<hbm>> -> memref<5120xf32, #tpu.memory_space<hbm>>
      tpu.wait_dma2 semaphore(%run_scoped3A_41 : memref<!tpu.dma_semaphore, #tpu.memory_space<semaphore_mem>>) src(%arg7 : memref<5120xf32, #tpu.memory_space<vmem>>) dst(%dma_wait3A_51 : memref<5120xf32, #tpu.memory_space<hbm>>)
      tpu.yield
    }) : () -> ()
    return
  }
}

#map = affine_map<(d0, d1) -> (0)>
#map1 = affine_map<(d0, d1) -> (0, 0, 0)>
#map2 = affine_map<(d0, d1) -> (0, 0, 0, 0)>
module attributes {stable_mosaic.version = 14 : i64} {
  func.func @_segsum_body(%arg0: i32, %arg1: i32, %arg2: memref<81920xi32, #tpu.memory_space<hbm>>, %arg3: memref<81920xi32, #tpu.memory_space<hbm>>, %arg4: memref<16x80x64xi32, #tpu.memory_space<hbm>>, %arg5: memref<16x80x64xi32, #tpu.memory_space<hbm>>, %arg6: memref<2x5120x2x128xf32, #tpu.memory_space<hbm>>, %arg7: memref<2x5120x2x128xf32, #tpu.memory_space<hbm>>, %arg8: memref<2x5120x2x128xf32, #tpu.memory_space<hbm>>, %arg9: memref<2x5120x2x128xf32, #tpu.memory_space<hbm>>, %arg10: memref<5120xi32, #tpu.memory_space<vmem>>, %arg11: memref<80x64xi32, #tpu.memory_space<vmem>>, %arg12: memref<64x2x128xf32, #tpu.memory_space<vmem>>, %arg13: memref<64x2x128xf32, #tpu.memory_space<vmem>>, %arg14: memref<5120x2x128xf32, #tpu.memory_space<vmem_shared>>, %arg15: memref<!tpu.dma_semaphore, #tpu.memory_space<semaphore_mem>>, %arg16: memref<!tpu.dma_semaphore, #tpu.memory_space<semaphore_mem>>) attributes {dimension_semantics = [#tpu.dimension_semantics<core_parallel>, #tpu.dimension_semantics<subcore_parallel>], iteration_bounds = array<i64: 2, 16>, scalar_prefetch = 0 : i64, scratch_operands = 7 : i64, tpu.core_type = #tpu.core_type<sc_vector_subcore>, window_params = [{transform_indices = #map}, {transform_indices = #map}, {transform_indices = #map1}, {transform_indices = #map1}, {transform_indices = #map2}, {transform_indices = #map2}, {transform_indices = #map2}, {transform_indices = #map2}]} {
    %broadcast_in_dim3A = arith.constant 0.000000e+00 : f32
    %broadcast_in_dim3A_0 = vector.broadcast %broadcast_in_dim3A : f32 to vector<16xf32>
    %mul3A = arith.constant 5120 : i32
    %mul3A_1 = arith.muli %arg1, %mul3A : i32
    "tpu.region"() ({
      %run_scoped3A_164 = tpu.sem_alloc : memref<!tpu.dma_semaphore, #tpu.memory_space<semaphore_mem>>
      %dma_start3A_165 = tpu.memref_slice %arg2[%mul3A_1] : memref<81920xi32, #tpu.memory_space<hbm>> -> memref<5120xi32, #tpu.memory_space<hbm>>
      %dma_start3A_166 = tpu.memref_slice %arg2[%mul3A_1] : memref<81920xi32, #tpu.memory_space<hbm>> -> memref<5120xi32, #tpu.memory_space<hbm>>
      tpu.enqueue_dma source(%dma_start3A_166 : memref<5120xi32, #tpu.memory_space<hbm>>) target(%arg10 : memref<5120xi32, #tpu.memory_space<vmem>>) target_semaphore(%run_scoped3A_164 : memref<!tpu.dma_semaphore, #tpu.memory_space<semaphore_mem>>)
      %dma_wait3A_167 = tpu.memref_slice %arg2[%mul3A_1] : memref<81920xi32, #tpu.memory_space<hbm>> -> memref<5120xi32, #tpu.memory_space<hbm>>
      %dma_wait3A_168 = tpu.memref_slice %arg2[%mul3A_1] : memref<81920xi32, #tpu.memory_space<hbm>> -> memref<5120xi32, #tpu.memory_space<hbm>>
      tpu.wait_dma2 semaphore(%run_scoped3A_164 : memref<!tpu.dma_semaphore, #tpu.memory_space<semaphore_mem>>) src(%dma_wait3A_168 : memref<5120xi32, #tpu.memory_space<hbm>>) dst(%arg10 : memref<5120xi32, #tpu.memory_space<vmem>>)
      tpu.yield
    }) : () -> ()
    "tpu.region"() ({
      %run_scoped3A_164 = tpu.sem_alloc : memref<!tpu.dma_semaphore, #tpu.memory_space<semaphore_mem>>
      %dma_start3A_165 = arith.constant 0 : i32
      %dma_start3A_166 = arith.constant 0 : i32
      %dma_start3A_167 = tpu.memref_slice %arg5[%arg1, %dma_start3A_165, %dma_start3A_166] : memref<16x80x64xi32, #tpu.memory_space<hbm>> -> memref<1x80x64xi32, #tpu.memory_space<hbm>>
      %dma_start3A_168 = tpu.memref_squeeze %dma_start3A_167 : memref<1x80x64xi32, #tpu.memory_space<hbm>> -> memref<80x64xi32, #tpu.memory_space<hbm>>
      %dma_start3A_169 = arith.constant 0 : i32
      %dma_start3A_170 = arith.constant 0 : i32
      %dma_start3A_171 = tpu.memref_slice %arg5[%arg1, %dma_start3A_169, %dma_start3A_170] : memref<16x80x64xi32, #tpu.memory_space<hbm>> -> memref<1x80x64xi32, #tpu.memory_space<hbm>>
      %dma_start3A_172 = tpu.memref_squeeze %dma_start3A_171 : memref<1x80x64xi32, #tpu.memory_space<hbm>> -> memref<80x64xi32, #tpu.memory_space<hbm>>
      tpu.enqueue_dma source(%dma_start3A_172 : memref<80x64xi32, #tpu.memory_space<hbm>>) target(%arg11 : memref<80x64xi32, #tpu.memory_space<vmem>>) target_semaphore(%run_scoped3A_164 : memref<!tpu.dma_semaphore, #tpu.memory_space<semaphore_mem>>)
      %dma_wait3A_173 = arith.constant 0 : i32
      %dma_wait3A_174 = arith.constant 0 : i32
      %dma_wait3A_175 = tpu.memref_slice %arg5[%arg1, %dma_wait3A_173, %dma_wait3A_174] : memref<16x80x64xi32, #tpu.memory_space<hbm>> -> memref<1x80x64xi32, #tpu.memory_space<hbm>>
      %dma_wait3A_176 = tpu.memref_squeeze %dma_wait3A_175 : memref<1x80x64xi32, #tpu.memory_space<hbm>> -> memref<80x64xi32, #tpu.memory_space<hbm>>
      %dma_wait3A_177 = arith.constant 0 : i32
      %dma_wait3A_178 = arith.constant 0 : i32
      %dma_wait3A_179 = tpu.memref_slice %arg5[%arg1, %dma_wait3A_177, %dma_wait3A_178] : memref<16x80x64xi32, #tpu.memory_space<hbm>> -> memref<1x80x64xi32, #tpu.memory_space<hbm>>
      %dma_wait3A_180 = tpu.memref_squeeze %dma_wait3A_179 : memref<1x80x64xi32, #tpu.memory_space<hbm>> -> memref<80x64xi32, #tpu.memory_space<hbm>>
      tpu.wait_dma2 semaphore(%run_scoped3A_164 : memref<!tpu.dma_semaphore, #tpu.memory_space<semaphore_mem>>) src(%dma_wait3A_180 : memref<80x64xi32, #tpu.memory_space<hbm>>) dst(%arg11 : memref<80x64xi32, #tpu.memory_space<vmem>>)
      tpu.yield
    }) : () -> ()
    %scan3A = arith.constant 0 : i32
    %scan3A_2 = arith.constant 128 : i32
    %scan3A_3 = arith.addi %scan3A, %scan3A_2 : i32
    %scan3A_4 = arith.constant 1 : i32
    scf.for %scan3A_164 = %scan3A to %scan3A_3 step %scan3A_4  : i32 {
      %mul3A_165 = arith.constant 8 : i32
      %mul3A_166 = arith.muli %scan3A_164, %mul3A_165 : i32
      %add3A_167 = arith.constant 0 : i32
      %add3A_168 = arith.addi %mul3A_166, %add3A_167 : i32
      %jit3A = arith.constant 16 : i32
      %div3A = arith.divsi %add3A_168, %jit3A : i32
      %sign3A = arith.constant 0 : i32
      %sign3A_169 = arith.cmpi sgt, %add3A_168, %sign3A : i32
      %sign3A_170 = arith.extui %sign3A_169 : i1 to i32
      %sign3A_171 = arith.constant 0 : i32
      %sign3A_172 = arith.cmpi slt, %add3A_168, %sign3A_171 : i32
      %sign3A_173 = arith.extui %sign3A_172 : i1 to i32
      %sign3A_174 = arith.subi %sign3A_170, %sign3A_173 : i32
      %sign3A_175 = arith.constant 0 : i32
      %sign3A_176 = arith.cmpi sgt, %jit3A, %sign3A_175 : i32
      %sign3A_177 = arith.extui %sign3A_176 : i1 to i32
      %sign3A_178 = arith.constant 0 : i32
      %sign3A_179 = arith.cmpi slt, %jit3A, %sign3A_178 : i32
      %sign3A_180 = arith.extui %sign3A_179 : i1 to i32
      %sign3A_181 = arith.subi %sign3A_177, %sign3A_180 : i32
      %ne3A = arith.cmpi ne, %sign3A_174, %sign3A_181 : i32
      %rem3A = arith.remsi %add3A_168, %jit3A : i32
      %ne3A_182 = arith.constant 0 : i32
      %ne3A_183 = arith.cmpi ne, %rem3A, %ne3A_182 : i32
      %and3A = arith.andi %ne3A, %ne3A_183 : i1
      %sub3A = arith.constant 1 : i32
      %sub3A_184 = arith.subi %div3A, %sub3A : i32
      %select_n3A = arith.select %and3A, %sub3A_184, %div3A : i32
      %jit3A_185 = arith.constant 16 : i32
      %eq3A = arith.constant 0 : i32
      %eq3A_186 = arith.cmpi eq, %jit3A_185, %eq3A : i32
      %jit3A_187 = arith.constant 1 : i32
      %select_n3A_188 = arith.select %eq3A_186, %jit3A_187, %jit3A_185 : i32
      %rem3A_189 = arith.remsi %add3A_168, %select_n3A_188 : i32
      %ne3A_190 = arith.constant 0 : i32
      %ne3A_191 = arith.cmpi ne, %rem3A_189, %ne3A_190 : i32
      %lt3A = arith.constant 0 : i32
      %lt3A_192 = arith.cmpi slt, %rem3A_189, %lt3A : i32
      %lt3A_193 = arith.constant 0 : i32
      %lt3A_194 = arith.cmpi slt, %select_n3A_188, %lt3A_193 : i32
      %ne3A_195 = arith.xori %lt3A_192, %lt3A_194 : i1
      %and3A_196 = arith.andi %ne3A_195, %ne3A_191 : i1
      %add3A_197 = arith.addi %rem3A_189, %select_n3A_188 : i32
      %select_n3A_198 = arith.select %and3A_196, %add3A_197, %rem3A_189 : i32
      %jit3A_199 = arith.constant 8 : i32
      %div3A_200 = arith.divsi %select_n3A_198, %jit3A_199 : i32
      %sign3A_201 = arith.constant 0 : i32
      %sign3A_202 = arith.cmpi sgt, %select_n3A_198, %sign3A_201 : i32
      %sign3A_203 = arith.extui %sign3A_202 : i1 to i32
      %sign3A_204 = arith.constant 0 : i32
      %sign3A_205 = arith.cmpi slt, %select_n3A_198, %sign3A_204 : i32
      %sign3A_206 = arith.extui %sign3A_205 : i1 to i32
      %sign3A_207 = arith.subi %sign3A_203, %sign3A_206 : i32
      %sign3A_208 = arith.constant 0 : i32
      %sign3A_209 = arith.cmpi sgt, %jit3A_199, %sign3A_208 : i32
      %sign3A_210 = arith.extui %sign3A_209 : i1 to i32
      %sign3A_211 = arith.constant 0 : i32
      %sign3A_212 = arith.cmpi slt, %jit3A_199, %sign3A_211 : i32
      %sign3A_213 = arith.extui %sign3A_212 : i1 to i32
      %sign3A_214 = arith.subi %sign3A_210, %sign3A_213 : i32
      %ne3A_215 = arith.cmpi ne, %sign3A_207, %sign3A_214 : i32
      %rem3A_216 = arith.remsi %select_n3A_198, %jit3A_199 : i32
      %ne3A_217 = arith.constant 0 : i32
      %ne3A_218 = arith.cmpi ne, %rem3A_216, %ne3A_217 : i32
      %and3A_219 = arith.andi %ne3A_215, %ne3A_218 : i1
      %sub3A_220 = arith.constant 1 : i32
      %sub3A_221 = arith.subi %div3A_200, %sub3A_220 : i32
      %select_n3A_222 = arith.select %and3A_219, %sub3A_221, %div3A_200 : i32
      %jit3A_223 = arith.constant 16 : i32
      %eq3A_224 = arith.constant 0 : i32
      %eq3A_225 = arith.cmpi eq, %jit3A_223, %eq3A_224 : i32
      %jit3A_226 = arith.constant 1 : i32
      %select_n3A_227 = arith.select %eq3A_225, %jit3A_226, %jit3A_223 : i32
      %rem3A_228 = arith.remsi %add3A_168, %select_n3A_227 : i32
      %ne3A_229 = arith.constant 0 : i32
      %ne3A_230 = arith.cmpi ne, %rem3A_228, %ne3A_229 : i32
      %lt3A_231 = arith.constant 0 : i32
      %lt3A_232 = arith.cmpi slt, %rem3A_228, %lt3A_231 : i32
      %lt3A_233 = arith.constant 0 : i32
      %lt3A_234 = arith.cmpi slt, %select_n3A_227, %lt3A_233 : i32
      %ne3A_235 = arith.xori %lt3A_232, %lt3A_234 : i1
      %and3A_236 = arith.andi %ne3A_235, %ne3A_230 : i1
      %add3A_237 = arith.addi %rem3A_228, %select_n3A_227 : i32
      %select_n3A_238 = arith.select %and3A_236, %add3A_237, %rem3A_228 : i32
      %jit3A_239 = arith.constant 8 : i32
      %eq3A_240 = arith.constant 0 : i32
      %eq3A_241 = arith.cmpi eq, %jit3A_239, %eq3A_240 : i32
      %jit3A_242 = arith.constant 1 : i32
      %select_n3A_243 = arith.select %eq3A_241, %jit3A_242, %jit3A_239 : i32
      %rem3A_244 = arith.remsi %select_n3A_238, %select_n3A_243 : i32
      %ne3A_245 = arith.constant 0 : i32
      %ne3A_246 = arith.cmpi ne, %rem3A_244, %ne3A_245 : i32
      %lt3A_247 = arith.constant 0 : i32
      %lt3A_248 = arith.cmpi slt, %rem3A_244, %lt3A_247 : i32
      %lt3A_249 = arith.constant 0 : i32
      %lt3A_250 = arith.cmpi slt, %select_n3A_243, %lt3A_249 : i32
      %ne3A_251 = arith.xori %lt3A_248, %lt3A_250 : i1
      %and3A_252 = arith.andi %ne3A_251, %ne3A_246 : i1
      %add3A_253 = arith.addi %rem3A_244, %select_n3A_243 : i32
      %select_n3A_254 = arith.select %and3A_252, %add3A_253, %rem3A_244 : i32
      %mul3A_255 = arith.constant 16 : i32
      %mul3A_256 = arith.muli %select_n3A_254, %mul3A_255 : i32
      %swap3A = arith.index_cast %select_n3A : i32 to index
      %swap3A_257 = arith.index_cast %select_n3A_222 : i32 to index
      %swap3A_258 = arith.index_cast %mul3A_256 : i32 to index
      %swap3A_259 = tpu.vector_load %arg12[%swap3A, %swap3A_257, %swap3A_258] {strides = array<i32>} : memref<64x2x128xf32, #tpu.memory_space<vmem>>, vector<16xf32>,
      tpu.vector_store %arg12[%swap3A, %swap3A_257, %swap3A_258], %broadcast_in_dim3A_0 {strides = array<i32>} : memref<64x2x128xf32, #tpu.memory_space<vmem>>, vector<16xf32>,
      %mul3A_260 = arith.constant 8 : i32
      %mul3A_261 = arith.muli %scan3A_164, %mul3A_260 : i32
      %add3A_262 = arith.constant 1 : i32
      %add3A_263 = arith.addi %mul3A_261, %add3A_262 : i32
      %jit3A_264 = arith.constant 16 : i32
      %div3A_265 = arith.divsi %add3A_263, %jit3A_264 : i32
      %sign3A_266 = arith.constant 0 : i32
      %sign3A_267 = arith.cmpi sgt, %add3A_263, %sign3A_266 : i32
      %sign3A_268 = arith.extui %sign3A_267 : i1 to i32
      %sign3A_269 = arith.constant 0 : i32
      %sign3A_270 = arith.cmpi slt, %add3A_263, %sign3A_269 : i32
      %sign3A_271 = arith.extui %sign3A_270 : i1 to i32
      %sign3A_272 = arith.subi %sign3A_268, %sign3A_271 : i32
      %sign3A_273 = arith.constant 0 : i32
      %sign3A_274 = arith.cmpi sgt, %jit3A_264, %sign3A_273 : i32
      %sign3A_275 = arith.extui %sign3A_274 : i1 to i32
      %sign3A_276 = arith.constant 0 : i32
      %sign3A_277 = arith.cmpi slt, %jit3A_264, %sign3A_276 : i32
      %sign3A_278 = arith.extui %sign3A_277 : i1 to i32
      %sign3A_279 = arith.subi %sign3A_275, %sign3A_278 : i32
      %ne3A_280 = arith.cmpi ne, %sign3A_272, %sign3A_279 : i32
      %rem3A_281 = arith.remsi %add3A_263, %jit3A_264 : i32
      %ne3A_282 = arith.constant 0 : i32
      %ne3A_283 = arith.cmpi ne, %rem3A_281, %ne3A_282 : i32
      %and3A_284 = arith.andi %ne3A_280, %ne3A_283 : i1
      %sub3A_285 = arith.constant 1 : i32
      %sub3A_286 = arith.subi %div3A_265, %sub3A_285 : i32
      %select_n3A_287 = arith.select %and3A_284, %sub3A_286, %div3A_265 : i32
      %jit3A_288 = arith.constant 16 : i32
      %eq3A_289 = arith.constant 0 : i32
      %eq3A_290 = arith.cmpi eq, %jit3A_288, %eq3A_289 : i32
      %jit3A_291 = arith.constant 1 : i32
      %select_n3A_292 = arith.select %eq3A_290, %jit3A_291, %jit3A_288 : i32
      %rem3A_293 = arith.remsi %add3A_263, %select_n3A_292 : i32
      %ne3A_294 = arith.constant 0 : i32
      %ne3A_295 = arith.cmpi ne, %rem3A_293, %ne3A_294 : i32
      %lt3A_296 = arith.constant 0 : i32
      %lt3A_297 = arith.cmpi slt, %rem3A_293, %lt3A_296 : i32
      %lt3A_298 = arith.constant 0 : i32
      %lt3A_299 = arith.cmpi slt, %select_n3A_292, %lt3A_298 : i32
      %ne3A_300 = arith.xori %lt3A_297, %lt3A_299 : i1
      %and3A_301 = arith.andi %ne3A_300, %ne3A_295 : i1
      %add3A_302 = arith.addi %rem3A_293, %select_n3A_292 : i32
      %select_n3A_303 = arith.select %and3A_301, %add3A_302, %rem3A_293 : i32
      %jit3A_304 = arith.constant 8 : i32
      %div3A_305 = arith.divsi %select_n3A_303, %jit3A_304 : i32
      %sign3A_306 = arith.constant 0 : i32
      %sign3A_307 = arith.cmpi sgt, %select_n3A_303, %sign3A_306 : i32
      %sign3A_308 = arith.extui %sign3A_307 : i1 to i32
      %sign3A_309 = arith.constant 0 : i32
      %sign3A_310 = arith.cmpi slt, %select_n3A_303, %sign3A_309 : i32
      %sign3A_311 = arith.extui %sign3A_310 : i1 to i32
      %sign3A_312 = arith.subi %sign3A_308, %sign3A_311 : i32
      %sign3A_313 = arith.constant 0 : i32
      %sign3A_314 = arith.cmpi sgt, %jit3A_304, %sign3A_313 : i32
      %sign3A_315 = arith.extui %sign3A_314 : i1 to i32
      %sign3A_316 = arith.constant 0 : i32
      %sign3A_317 = arith.cmpi slt, %jit3A_304, %sign3A_316 : i32
      %sign3A_318 = arith.extui %sign3A_317 : i1 to i32
      %sign3A_319 = arith.subi %sign3A_315, %sign3A_318 : i32
      %ne3A_320 = arith.cmpi ne, %sign3A_312, %sign3A_319 : i32
      %rem3A_321 = arith.remsi %select_n3A_303, %jit3A_304 : i32
      %ne3A_322 = arith.constant 0 : i32
      %ne3A_323 = arith.cmpi ne, %rem3A_321, %ne3A_322 : i32
      %and3A_324 = arith.andi %ne3A_320, %ne3A_323 : i1
      %sub3A_325 = arith.constant 1 : i32
      %sub3A_326 = arith.subi %div3A_305, %sub3A_325 : i32
      %select_n3A_327 = arith.select %and3A_324, %sub3A_326, %div3A_305 : i32
      %jit3A_328 = arith.constant 16 : i32
      %eq3A_329 = arith.constant 0 : i32
      %eq3A_330 = arith.cmpi eq, %jit3A_328, %eq3A_329 : i32
      %jit3A_331 = arith.constant 1 : i32
      %select_n3A_332 = arith.select %eq3A_330, %jit3A_331, %jit3A_328 : i32
      %rem3A_333 = arith.remsi %add3A_263, %select_n3A_332 : i32
      %ne3A_334 = arith.constant 0 : i32
      %ne3A_335 = arith.cmpi ne, %rem3A_333, %ne3A_334 : i32
      %lt3A_336 = arith.constant 0 : i32
      %lt3A_337 = arith.cmpi slt, %rem3A_333, %lt3A_336 : i32
      %lt3A_338 = arith.constant 0 : i32
      %lt3A_339 = arith.cmpi slt, %select_n3A_332, %lt3A_338 : i32
      %ne3A_340 = arith.xori %lt3A_337, %lt3A_339 : i1
      %and3A_341 = arith.andi %ne3A_340, %ne3A_335 : i1
      %add3A_342 = arith.addi %rem3A_333, %select_n3A_332 : i32
      %select_n3A_343 = arith.select %and3A_341, %add3A_342, %rem3A_333 : i32
      %jit3A_344 = arith.constant 8 : i32
      %eq3A_345 = arith.constant 0 : i32
      %eq3A_346 = arith.cmpi eq, %jit3A_344, %eq3A_345 : i32
      %jit3A_347 = arith.constant 1 : i32
      %select_n3A_348 = arith.select %eq3A_346, %jit3A_347, %jit3A_344 : i32
      %rem3A_349 = arith.remsi %select_n3A_343, %select_n3A_348 : i32
      %ne3A_350 = arith.constant 0 : i32
      %ne3A_351 = arith.cmpi ne, %rem3A_349, %ne3A_350 : i32
      %lt3A_352 = arith.constant 0 : i32
      %lt3A_353 = arith.cmpi slt, %rem3A_349, %lt3A_352 : i32
      %lt3A_354 = arith.constant 0 : i32
      %lt3A_355 = arith.cmpi slt, %select_n3A_348, %lt3A_354 : i32
      %ne3A_356 = arith.xori %lt3A_353, %lt3A_355 : i1
      %and3A_357 = arith.andi %ne3A_356, %ne3A_351 : i1
      %add3A_358 = arith.addi %rem3A_349, %select_n3A_348 : i32
      %select_n3A_359 = arith.select %and3A_357, %add3A_358, %rem3A_349 : i32
      %mul3A_360 = arith.constant 16 : i32
      %mul3A_361 = arith.muli %select_n3A_359, %mul3A_360 : i32
      %swap3A_362 = arith.index_cast %select_n3A_287 : i32 to index
      %swap3A_363 = arith.index_cast %select_n3A_327 : i32 to index
      %swap3A_364 = arith.index_cast %mul3A_361 : i32 to index
      %swap3A_365 = tpu.vector_load %arg12[%swap3A_362, %swap3A_363, %swap3A_364] {strides = array<i32>} : memref<64x2x128xf32, #tpu.memory_space<vmem>>, vector<16xf32>,
      tpu.vector_store %arg12[%swap3A_362, %swap3A_363, %swap3A_364], %broadcast_in_dim3A_0 {strides = array<i32>} : memref<64x2x128xf32, #tpu.memory_space<vmem>>, vector<16xf32>,
      %mul3A_366 = arith.constant 8 : i32
      %mul3A_367 = arith.muli %scan3A_164, %mul3A_366 : i32
      %add3A_368 = arith.constant 2 : i32
      %add3A_369 = arith.addi %mul3A_367, %add3A_368 : i32
      %jit3A_370 = arith.constant 16 : i32
      %div3A_371 = arith.divsi %add3A_369, %jit3A_370 : i32
      %sign3A_372 = arith.constant 0 : i32
      %sign3A_373 = arith.cmpi sgt, %add3A_369, %sign3A_372 : i32
      %sign3A_374 = arith.extui %sign3A_373 : i1 to i32
      %sign3A_375 = arith.constant 0 : i32
      %sign3A_376 = arith.cmpi slt, %add3A_369, %sign3A_375 : i32
      %sign3A_377 = arith.extui %sign3A_376 : i1 to i32
      %sign3A_378 = arith.subi %sign3A_374, %sign3A_377 : i32
      %sign3A_379 = arith.constant 0 : i32
      %sign3A_380 = arith.cmpi sgt, %jit3A_370, %sign3A_379 : i32
      %sign3A_381 = arith.extui %sign3A_380 : i1 to i32
      %sign3A_382 = arith.constant 0 : i32
      %sign3A_383 = arith.cmpi slt, %jit3A_370, %sign3A_382 : i32
      %sign3A_384 = arith.extui %sign3A_383 : i1 to i32
      %sign3A_385 = arith.subi %sign3A_381, %sign3A_384 : i32
      %ne3A_386 = arith.cmpi ne, %sign3A_378, %sign3A_385 : i32
      %rem3A_387 = arith.remsi %add3A_369, %jit3A_370 : i32
      %ne3A_388 = arith.constant 0 : i32
      %ne3A_389 = arith.cmpi ne, %rem3A_387, %ne3A_388 : i32
      %and3A_390 = arith.andi %ne3A_386, %ne3A_389 : i1
      %sub3A_391 = arith.constant 1 : i32
      %sub3A_392 = arith.subi %div3A_371, %sub3A_391 : i32
      %select_n3A_393 = arith.select %and3A_390, %sub3A_392, %div3A_371 : i32
      %jit3A_394 = arith.constant 16 : i32
      %eq3A_395 = arith.constant 0 : i32
      %eq3A_396 = arith.cmpi eq, %jit3A_394, %eq3A_395 : i32
      %jit3A_397 = arith.constant 1 : i32
      %select_n3A_398 = arith.select %eq3A_396, %jit3A_397, %jit3A_394 : i32
      %rem3A_399 = arith.remsi %add3A_369, %select_n3A_398 : i32
      %ne3A_400 = arith.constant 0 : i32
      %ne3A_401 = arith.cmpi ne, %rem3A_399, %ne3A_400 : i32
      %lt3A_402 = arith.constant 0 : i32
      %lt3A_403 = arith.cmpi slt, %rem3A_399, %lt3A_402 : i32
      %lt3A_404 = arith.constant 0 : i32
      %lt3A_405 = arith.cmpi slt, %select_n3A_398, %lt3A_404 : i32
      %ne3A_406 = arith.xori %lt3A_403, %lt3A_405 : i1
      %and3A_407 = arith.andi %ne3A_406, %ne3A_401 : i1
      %add3A_408 = arith.addi %rem3A_399, %select_n3A_398 : i32
      %select_n3A_409 = arith.select %and3A_407, %add3A_408, %rem3A_399 : i32
      %jit3A_410 = arith.constant 8 : i32
      %div3A_411 = arith.divsi %select_n3A_409, %jit3A_410 : i32
      %sign3A_412 = arith.constant 0 : i32
      %sign3A_413 = arith.cmpi sgt, %select_n3A_409, %sign3A_412 : i32
      %sign3A_414 = arith.extui %sign3A_413 : i1 to i32
      %sign3A_415 = arith.constant 0 : i32
      %sign3A_416 = arith.cmpi slt, %select_n3A_409, %sign3A_415 : i32
      %sign3A_417 = arith.extui %sign3A_416 : i1 to i32
      %sign3A_418 = arith.subi %sign3A_414, %sign3A_417 : i32
      %sign3A_419 = arith.constant 0 : i32
      %sign3A_420 = arith.cmpi sgt, %jit3A_410, %sign3A_419 : i32
      %sign3A_421 = arith.extui %sign3A_420 : i1 to i32
      %sign3A_422 = arith.constant 0 : i32
      %sign3A_423 = arith.cmpi slt, %jit3A_410, %sign3A_422 : i32
      %sign3A_424 = arith.extui %sign3A_423 : i1 to i32
      %sign3A_425 = arith.subi %sign3A_421, %sign3A_424 : i32
      %ne3A_426 = arith.cmpi ne, %sign3A_418, %sign3A_425 : i32
      %rem3A_427 = arith.remsi %select_n3A_409, %jit3A_410 : i32
      %ne3A_428 = arith.constant 0 : i32
      %ne3A_429 = arith.cmpi ne, %rem3A_427, %ne3A_428 : i32
      %and3A_430 = arith.andi %ne3A_426, %ne3A_429 : i1
      %sub3A_431 = arith.constant 1 : i32
      %sub3A_432 = arith.subi %div3A_411, %sub3A_431 : i32
      %select_n3A_433 = arith.select %and3A_430, %sub3A_432, %div3A_411 : i32
      %jit3A_434 = arith.constant 16 : i32
      %eq3A_435 = arith.constant 0 : i32
      %eq3A_436 = arith.cmpi eq, %jit3A_434, %eq3A_435 : i32
      %jit3A_437 = arith.constant 1 : i32
      %select_n3A_438 = arith.select %eq3A_436, %jit3A_437, %jit3A_434 : i32
      %rem3A_439 = arith.remsi %add3A_369, %select_n3A_438 : i32
      %ne3A_440 = arith.constant 0 : i32
      %ne3A_441 = arith.cmpi ne, %rem3A_439, %ne3A_440 : i32
      %lt3A_442 = arith.constant 0 : i32
      %lt3A_443 = arith.cmpi slt, %rem3A_439, %lt3A_442 : i32
      %lt3A_444 = arith.constant 0 : i32
      %lt3A_445 = arith.cmpi slt, %select_n3A_438, %lt3A_444 : i32
      %ne3A_446 = arith.xori %lt3A_443, %lt3A_445 : i1
      %and3A_447 = arith.andi %ne3A_446, %ne3A_441 : i1
      %add3A_448 = arith.addi %rem3A_439, %select_n3A_438 : i32
      %select_n3A_449 = arith.select %and3A_447, %add3A_448, %rem3A_439 : i32
      %jit3A_450 = arith.constant 8 : i32
      %eq3A_451 = arith.constant 0 : i32
      %eq3A_452 = arith.cmpi eq, %jit3A_450, %eq3A_451 : i32
      %jit3A_453 = arith.constant 1 : i32
      %select_n3A_454 = arith.select %eq3A_452, %jit3A_453, %jit3A_450 : i32
      %rem3A_455 = arith.remsi %select_n3A_449, %select_n3A_454 : i32
      %ne3A_456 = arith.constant 0 : i32
      %ne3A_457 = arith.cmpi ne, %rem3A_455, %ne3A_456 : i32
      %lt3A_458 = arith.constant 0 : i32
      %lt3A_459 = arith.cmpi slt, %rem3A_455, %lt3A_458 : i32
      %lt3A_460 = arith.constant 0 : i32
      %lt3A_461 = arith.cmpi slt, %select_n3A_454, %lt3A_460 : i32
      %ne3A_462 = arith.xori %lt3A_459, %lt3A_461 : i1
      %and3A_463 = arith.andi %ne3A_462, %ne3A_457 : i1
      %add3A_464 = arith.addi %rem3A_455, %select_n3A_454 : i32
      %select_n3A_465 = arith.select %and3A_463, %add3A_464, %rem3A_455 : i32
      %mul3A_466 = arith.constant 16 : i32
      %mul3A_467 = arith.muli %select_n3A_465, %mul3A_466 : i32
      %swap3A_468 = arith.index_cast %select_n3A_393 : i32 to index
      %swap3A_469 = arith.index_cast %select_n3A_433 : i32 to index
      %swap3A_470 = arith.index_cast %mul3A_467 : i32 to index
      %swap3A_471 = tpu.vector_load %arg12[%swap3A_468, %swap3A_469, %swap3A_470] {strides = array<i32>} : memref<64x2x128xf32, #tpu.memory_space<vmem>>, vector<16xf32>,
      tpu.vector_store %arg12[%swap3A_468, %swap3A_469, %swap3A_470], %broadcast_in_dim3A_0 {strides = array<i32>} : memref<64x2x128xf32, #tpu.memory_space<vmem>>, vector<16xf32>,
      %mul3A_472 = arith.constant 8 : i32
      %mul3A_473 = arith.muli %scan3A_164, %mul3A_472 : i32
      %add3A_474 = arith.constant 3 : i32
      %add3A_475 = arith.addi %mul3A_473, %add3A_474 : i32
      %jit3A_476 = arith.constant 16 : i32
      %div3A_477 = arith.divsi %add3A_475, %jit3A_476 : i32
      %sign3A_478 = arith.constant 0 : i32
      %sign3A_479 = arith.cmpi sgt, %add3A_475, %sign3A_478 : i32
      %sign3A_480 = arith.extui %sign3A_479 : i1 to i32
      %sign3A_481 = arith.constant 0 : i32
      %sign3A_482 = arith.cmpi slt, %add3A_475, %sign3A_481 : i32
      %sign3A_483 = arith.extui %sign3A_482 : i1 to i32
      %sign3A_484 = arith.subi %sign3A_480, %sign3A_483 : i32
      %sign3A_485 = arith.constant 0 : i32
      %sign3A_486 = arith.cmpi sgt, %jit3A_476, %sign3A_485 : i32
      %sign3A_487 = arith.extui %sign3A_486 : i1 to i32
      %sign3A_488 = arith.constant 0 : i32
      %sign3A_489 = arith.cmpi slt, %jit3A_476, %sign3A_488 : i32
      %sign3A_490 = arith.extui %sign3A_489 : i1 to i32
      %sign3A_491 = arith.subi %sign3A_487, %sign3A_490 : i32
      %ne3A_492 = arith.cmpi ne, %sign3A_484, %sign3A_491 : i32
      %rem3A_493 = arith.remsi %add3A_475, %jit3A_476 : i32
      %ne3A_494 = arith.constant 0 : i32
      %ne3A_495 = arith.cmpi ne, %rem3A_493, %ne3A_494 : i32
      %and3A_496 = arith.andi %ne3A_492, %ne3A_495 : i1
      %sub3A_497 = arith.constant 1 : i32
      %sub3A_498 = arith.subi %div3A_477, %sub3A_497 : i32
      %select_n3A_499 = arith.select %and3A_496, %sub3A_498, %div3A_477 : i32
      %jit3A_500 = arith.constant 16 : i32
      %eq3A_501 = arith.constant 0 : i32
      %eq3A_502 = arith.cmpi eq, %jit3A_500, %eq3A_501 : i32
      %jit3A_503 = arith.constant 1 : i32
      %select_n3A_504 = arith.select %eq3A_502, %jit3A_503, %jit3A_500 : i32
      %rem3A_505 = arith.remsi %add3A_475, %select_n3A_504 : i32
      %ne3A_506 = arith.constant 0 : i32
      %ne3A_507 = arith.cmpi ne, %rem3A_505, %ne3A_506 : i32
      %lt3A_508 = arith.constant 0 : i32
      %lt3A_509 = arith.cmpi slt, %rem3A_505, %lt3A_508 : i32
      %lt3A_510 = arith.constant 0 : i32
      %lt3A_511 = arith.cmpi slt, %select_n3A_504, %lt3A_510 : i32
      %ne3A_512 = arith.xori %lt3A_509, %lt3A_511 : i1
      %and3A_513 = arith.andi %ne3A_512, %ne3A_507 : i1
      %add3A_514 = arith.addi %rem3A_505, %select_n3A_504 : i32
      %select_n3A_515 = arith.select %and3A_513, %add3A_514, %rem3A_505 : i32
      %jit3A_516 = arith.constant 8 : i32
      %div3A_517 = arith.divsi %select_n3A_515, %jit3A_516 : i32
      %sign3A_518 = arith.constant 0 : i32
      %sign3A_519 = arith.cmpi sgt, %select_n3A_515, %sign3A_518 : i32
      %sign3A_520 = arith.extui %sign3A_519 : i1 to i32
      %sign3A_521 = arith.constant 0 : i32
      %sign3A_522 = arith.cmpi slt, %select_n3A_515, %sign3A_521 : i32
      %sign3A_523 = arith.extui %sign3A_522 : i1 to i32
      %sign3A_524 = arith.subi %sign3A_520, %sign3A_523 : i32
      %sign3A_525 = arith.constant 0 : i32
      %sign3A_526 = arith.cmpi sgt, %jit3A_516, %sign3A_525 : i32
      %sign3A_527 = arith.extui %sign3A_526 : i1 to i32
      %sign3A_528 = arith.constant 0 : i32
      %sign3A_529 = arith.cmpi slt, %jit3A_516, %sign3A_528 : i32
      %sign3A_530 = arith.extui %sign3A_529 : i1 to i32
      %sign3A_531 = arith.subi %sign3A_527, %sign3A_530 : i32
      %ne3A_532 = arith.cmpi ne, %sign3A_524, %sign3A_531 : i32
      %rem3A_533 = arith.remsi %select_n3A_515, %jit3A_516 : i32
      %ne3A_534 = arith.constant 0 : i32
      %ne3A_535 = arith.cmpi ne, %rem3A_533, %ne3A_534 : i32
      %and3A_536 = arith.andi %ne3A_532, %ne3A_535 : i1
      %sub3A_537 = arith.constant 1 : i32
      %sub3A_538 = arith.subi %div3A_517, %sub3A_537 : i32
      %select_n3A_539 = arith.select %and3A_536, %sub3A_538, %div3A_517 : i32
      %jit3A_540 = arith.constant 16 : i32
      %eq3A_541 = arith.constant 0 : i32
      %eq3A_542 = arith.cmpi eq, %jit3A_540, %eq3A_541 : i32
      %jit3A_543 = arith.constant 1 : i32
      %select_n3A_544 = arith.select %eq3A_542, %jit3A_543, %jit3A_540 : i32
      %rem3A_545 = arith.remsi %add3A_475, %select_n3A_544 : i32
      %ne3A_546 = arith.constant 0 : i32
      %ne3A_547 = arith.cmpi ne, %rem3A_545, %ne3A_546 : i32
      %lt3A_548 = arith.constant 0 : i32
      %lt3A_549 = arith.cmpi slt, %rem3A_545, %lt3A_548 : i32
      %lt3A_550 = arith.constant 0 : i32
      %lt3A_551 = arith.cmpi slt, %select_n3A_544, %lt3A_550 : i32
      %ne3A_552 = arith.xori %lt3A_549, %lt3A_551 : i1
      %and3A_553 = arith.andi %ne3A_552, %ne3A_547 : i1
      %add3A_554 = arith.addi %rem3A_545, %select_n3A_544 : i32
      %select_n3A_555 = arith.select %and3A_553, %add3A_554, %rem3A_545 : i32
      %jit3A_556 = arith.constant 8 : i32
      %eq3A_557 = arith.constant 0 : i32
      %eq3A_558 = arith.cmpi eq, %jit3A_556, %eq3A_557 : i32
      %jit3A_559 = arith.constant 1 : i32
      %select_n3A_560 = arith.select %eq3A_558, %jit3A_559, %jit3A_556 : i32
      %rem3A_561 = arith.remsi %select_n3A_555, %select_n3A_560 : i32
      %ne3A_562 = arith.constant 0 : i32
      %ne3A_563 = arith.cmpi ne, %rem3A_561, %ne3A_562 : i32
      %lt3A_564 = arith.constant 0 : i32
      %lt3A_565 = arith.cmpi slt, %rem3A_561, %lt3A_564 : i32
      %lt3A_566 = arith.constant 0 : i32
      %lt3A_567 = arith.cmpi slt, %select_n3A_560, %lt3A_566 : i32
      %ne3A_568 = arith.xori %lt3A_565, %lt3A_567 : i1
      %and3A_569 = arith.andi %ne3A_568, %ne3A_563 : i1
      %add3A_570 = arith.addi %rem3A_561, %select_n3A_560 : i32
      %select_n3A_571 = arith.select %and3A_569, %add3A_570, %rem3A_561 : i32
      %mul3A_572 = arith.constant 16 : i32
      %mul3A_573 = arith.muli %select_n3A_571, %mul3A_572 : i32
      %swap3A_574 = arith.index_cast %select_n3A_499 : i32 to index
      %swap3A_575 = arith.index_cast %select_n3A_539 : i32 to index
      %swap3A_576 = arith.index_cast %mul3A_573 : i32 to index
      %swap3A_577 = tpu.vector_load %arg12[%swap3A_574, %swap3A_575, %swap3A_576] {strides = array<i32>} : memref<64x2x128xf32, #tpu.memory_space<vmem>>, vector<16xf32>,
      tpu.vector_store %arg12[%swap3A_574, %swap3A_575, %swap3A_576], %broadcast_in_dim3A_0 {strides = array<i32>} : memref<64x2x128xf32, #tpu.memory_space<vmem>>, vector<16xf32>,
      %mul3A_578 = arith.constant 8 : i32
      %mul3A_579 = arith.muli %scan3A_164, %mul3A_578 : i32
      %add3A_580 = arith.constant 4 : i32
      %add3A_581 = arith.addi %mul3A_579, %add3A_580 : i32
      %jit3A_582 = arith.constant 16 : i32
      %div3A_583 = arith.divsi %add3A_581, %jit3A_582 : i32
      %sign3A_584 = arith.constant 0 : i32
      %sign3A_585 = arith.cmpi sgt, %add3A_581, %sign3A_584 : i32
      %sign3A_586 = arith.extui %sign3A_585 : i1 to i32
      %sign3A_587 = arith.constant 0 : i32
      %sign3A_588 = arith.cmpi slt, %add3A_581, %sign3A_587 : i32
      %sign3A_589 = arith.extui %sign3A_588 : i1 to i32
      %sign3A_590 = arith.subi %sign3A_586, %sign3A_589 : i32
      %sign3A_591 = arith.constant 0 : i32
      %sign3A_592 = arith.cmpi sgt, %jit3A_582, %sign3A_591 : i32
      %sign3A_593 = arith.extui %sign3A_592 : i1 to i32
      %sign3A_594 = arith.constant 0 : i32
      %sign3A_595 = arith.cmpi slt, %jit3A_582, %sign3A_594 : i32
      %sign3A_596 = arith.extui %sign3A_595 : i1 to i32
      %sign3A_597 = arith.subi %sign3A_593, %sign3A_596 : i32
      %ne3A_598 = arith.cmpi ne, %sign3A_590, %sign3A_597 : i32
      %rem3A_599 = arith.remsi %add3A_581, %jit3A_582 : i32
      %ne3A_600 = arith.constant 0 : i32
      %ne3A_601 = arith.cmpi ne, %rem3A_599, %ne3A_600 : i32
      %and3A_602 = arith.andi %ne3A_598, %ne3A_601 : i1
      %sub3A_603 = arith.constant 1 : i32
      %sub3A_604 = arith.subi %div3A_583, %sub3A_603 : i32
      %select_n3A_605 = arith.select %and3A_602, %sub3A_604, %div3A_583 : i32
      %jit3A_606 = arith.constant 16 : i32
      %eq3A_607 = arith.constant 0 : i32
      %eq3A_608 = arith.cmpi eq, %jit3A_606, %eq3A_607 : i32
      %jit3A_609 = arith.constant 1 : i32
      %select_n3A_610 = arith.select %eq3A_608, %jit3A_609, %jit3A_606 : i32
      %rem3A_611 = arith.remsi %add3A_581, %select_n3A_610 : i32
      %ne3A_612 = arith.constant 0 : i32
      %ne3A_613 = arith.cmpi ne, %rem3A_611, %ne3A_612 : i32
      %lt3A_614 = arith.constant 0 : i32
      %lt3A_615 = arith.cmpi slt, %rem3A_611, %lt3A_614 : i32
      %lt3A_616 = arith.constant 0 : i32
      %lt3A_617 = arith.cmpi slt, %select_n3A_610, %lt3A_616 : i32
      %ne3A_618 = arith.xori %lt3A_615, %lt3A_617 : i1
      %and3A_619 = arith.andi %ne3A_618, %ne3A_613 : i1
      %add3A_620 = arith.addi %rem3A_611, %select_n3A_610 : i32
      %select_n3A_621 = arith.select %and3A_619, %add3A_620, %rem3A_611 : i32
      %jit3A_622 = arith.constant 8 : i32
      %div3A_623 = arith.divsi %select_n3A_621, %jit3A_622 : i32
      %sign3A_624 = arith.constant 0 : i32
      %sign3A_625 = arith.cmpi sgt, %select_n3A_621, %sign3A_624 : i32
      %sign3A_626 = arith.extui %sign3A_625 : i1 to i32
      %sign3A_627 = arith.constant 0 : i32
      %sign3A_628 = arith.cmpi slt, %select_n3A_621, %sign3A_627 : i32
      %sign3A_629 = arith.extui %sign3A_628 : i1 to i32
      %sign3A_630 = arith.subi %sign3A_626, %sign3A_629 : i32
      %sign3A_631 = arith.constant 0 : i32
      %sign3A_632 = arith.cmpi sgt, %jit3A_622, %sign3A_631 : i32
      %sign3A_633 = arith.extui %sign3A_632 : i1 to i32
      %sign3A_634 = arith.constant 0 : i32
      %sign3A_635 = arith.cmpi slt, %jit3A_622, %sign3A_634 : i32
      %sign3A_636 = arith.extui %sign3A_635 : i1 to i32
      %sign3A_637 = arith.subi %sign3A_633, %sign3A_636 : i32
      %ne3A_638 = arith.cmpi ne, %sign3A_630, %sign3A_637 : i32
      %rem3A_639 = arith.remsi %select_n3A_621, %jit3A_622 : i32
      %ne3A_640 = arith.constant 0 : i32
      %ne3A_641 = arith.cmpi ne, %rem3A_639, %ne3A_640 : i32
      %and3A_642 = arith.andi %ne3A_638, %ne3A_641 : i1
      %sub3A_643 = arith.constant 1 : i32
      %sub3A_644 = arith.subi %div3A_623, %sub3A_643 : i32
      %select_n3A_645 = arith.select %and3A_642, %sub3A_644, %div3A_623 : i32
      %jit3A_646 = arith.constant 16 : i32
      %eq3A_647 = arith.constant 0 : i32
      %eq3A_648 = arith.cmpi eq, %jit3A_646, %eq3A_647 : i32
      %jit3A_649 = arith.constant 1 : i32
      %select_n3A_650 = arith.select %eq3A_648, %jit3A_649, %jit3A_646 : i32
      %rem3A_651 = arith.remsi %add3A_581, %select_n3A_650 : i32
      %ne3A_652 = arith.constant 0 : i32
      %ne3A_653 = arith.cmpi ne, %rem3A_651, %ne3A_652 : i32
      %lt3A_654 = arith.constant 0 : i32
      %lt3A_655 = arith.cmpi slt, %rem3A_651, %lt3A_654 : i32
      %lt3A_656 = arith.constant 0 : i32
      %lt3A_657 = arith.cmpi slt, %select_n3A_650, %lt3A_656 : i32
      %ne3A_658 = arith.xori %lt3A_655, %lt3A_657 : i1
      %and3A_659 = arith.andi %ne3A_658, %ne3A_653 : i1
      %add3A_660 = arith.addi %rem3A_651, %select_n3A_650 : i32
      %select_n3A_661 = arith.select %and3A_659, %add3A_660, %rem3A_651 : i32
      %jit3A_662 = arith.constant 8 : i32
      %eq3A_663 = arith.constant 0 : i32
      %eq3A_664 = arith.cmpi eq, %jit3A_662, %eq3A_663 : i32
      %jit3A_665 = arith.constant 1 : i32
      %select_n3A_666 = arith.select %eq3A_664, %jit3A_665, %jit3A_662 : i32
      %rem3A_667 = arith.remsi %select_n3A_661, %select_n3A_666 : i32
      %ne3A_668 = arith.constant 0 : i32
      %ne3A_669 = arith.cmpi ne, %rem3A_667, %ne3A_668 : i32
      %lt3A_670 = arith.constant 0 : i32
      %lt3A_671 = arith.cmpi slt, %rem3A_667, %lt3A_670 : i32
      %lt3A_672 = arith.constant 0 : i32
      %lt3A_673 = arith.cmpi slt, %select_n3A_666, %lt3A_672 : i32
      %ne3A_674 = arith.xori %lt3A_671, %lt3A_673 : i1
      %and3A_675 = arith.andi %ne3A_674, %ne3A_669 : i1
      %add3A_676 = arith.addi %rem3A_667, %select_n3A_666 : i32
      %select_n3A_677 = arith.select %and3A_675, %add3A_676, %rem3A_667 : i32
      %mul3A_678 = arith.constant 16 : i32
      %mul3A_679 = arith.muli %select_n3A_677, %mul3A_678 : i32
      %swap3A_680 = arith.index_cast %select_n3A_605 : i32 to index
      %swap3A_681 = arith.index_cast %select_n3A_645 : i32 to index
      %swap3A_682 = arith.index_cast %mul3A_679 : i32 to index
      %swap3A_683 = tpu.vector_load %arg12[%swap3A_680, %swap3A_681, %swap3A_682] {strides = array<i32>} : memref<64x2x128xf32, #tpu.memory_space<vmem>>, vector<16xf32>,
      tpu.vector_store %arg12[%swap3A_680, %swap3A_681, %swap3A_682], %broadcast_in_dim3A_0 {strides = array<i32>} : memref<64x2x128xf32, #tpu.memory_space<vmem>>, vector<16xf32>,
      %mul3A_684 = arith.constant 8 : i32
      %mul3A_685 = arith.muli %scan3A_164, %mul3A_684 : i32
      %add3A_686 = arith.constant 5 : i32
      %add3A_687 = arith.addi %mul3A_685, %add3A_686 : i32
      %jit3A_688 = arith.constant 16 : i32
      %div3A_689 = arith.divsi %add3A_687, %jit3A_688 : i32
      %sign3A_690 = arith.constant 0 : i32
      %sign3A_691 = arith.cmpi sgt, %add3A_687, %sign3A_690 : i32
      %sign3A_692 = arith.extui %sign3A_691 : i1 to i32
      %sign3A_693 = arith.constant 0 : i32
      %sign3A_694 = arith.cmpi slt, %add3A_687, %sign3A_693 : i32
      %sign3A_695 = arith.extui %sign3A_694 : i1 to i32
      %sign3A_696 = arith.subi %sign3A_692, %sign3A_695 : i32
      %sign3A_697 = arith.constant 0 : i32
      %sign3A_698 = arith.cmpi sgt, %jit3A_688, %sign3A_697 : i32
      %sign3A_699 = arith.extui %sign3A_698 : i1 to i32
      %sign3A_700 = arith.constant 0 : i32
      %sign3A_701 = arith.cmpi slt, %jit3A_688, %sign3A_700 : i32
      %sign3A_702 = arith.extui %sign3A_701 : i1 to i32
      %sign3A_703 = arith.subi %sign3A_699, %sign3A_702 : i32
      %ne3A_704 = arith.cmpi ne, %sign3A_696, %sign3A_703 : i32
      %rem3A_705 = arith.remsi %add3A_687, %jit3A_688 : i32
      %ne3A_706 = arith.constant 0 : i32
      %ne3A_707 = arith.cmpi ne, %rem3A_705, %ne3A_706 : i32
      %and3A_708 = arith.andi %ne3A_704, %ne3A_707 : i1
      %sub3A_709 = arith.constant 1 : i32
      %sub3A_710 = arith.subi %div3A_689, %sub3A_709 : i32
      %select_n3A_711 = arith.select %and3A_708, %sub3A_710, %div3A_689 : i32
      %jit3A_712 = arith.constant 16 : i32
      %eq3A_713 = arith.constant 0 : i32
      %eq3A_714 = arith.cmpi eq, %jit3A_712, %eq3A_713 : i32
      %jit3A_715 = arith.constant 1 : i32
      %select_n3A_716 = arith.select %eq3A_714, %jit3A_715, %jit3A_712 : i32
      %rem3A_717 = arith.remsi %add3A_687, %select_n3A_716 : i32
      %ne3A_718 = arith.constant 0 : i32
      %ne3A_719 = arith.cmpi ne, %rem3A_717, %ne3A_718 : i32
      %lt3A_720 = arith.constant 0 : i32
      %lt3A_721 = arith.cmpi slt, %rem3A_717, %lt3A_720 : i32
      %lt3A_722 = arith.constant 0 : i32
      %lt3A_723 = arith.cmpi slt, %select_n3A_716, %lt3A_722 : i32
      %ne3A_724 = arith.xori %lt3A_721, %lt3A_723 : i1
      %and3A_725 = arith.andi %ne3A_724, %ne3A_719 : i1
      %add3A_726 = arith.addi %rem3A_717, %select_n3A_716 : i32
      %select_n3A_727 = arith.select %and3A_725, %add3A_726, %rem3A_717 : i32
      %jit3A_728 = arith.constant 8 : i32
      %div3A_729 = arith.divsi %select_n3A_727, %jit3A_728 : i32
      %sign3A_730 = arith.constant 0 : i32
      %sign3A_731 = arith.cmpi sgt, %select_n3A_727, %sign3A_730 : i32
      %sign3A_732 = arith.extui %sign3A_731 : i1 to i32
      %sign3A_733 = arith.constant 0 : i32
      %sign3A_734 = arith.cmpi slt, %select_n3A_727, %sign3A_733 : i32
      %sign3A_735 = arith.extui %sign3A_734 : i1 to i32
      %sign3A_736 = arith.subi %sign3A_732, %sign3A_735 : i32
      %sign3A_737 = arith.constant 0 : i32
      %sign3A_738 = arith.cmpi sgt, %jit3A_728, %sign3A_737 : i32
      %sign3A_739 = arith.extui %sign3A_738 : i1 to i32
      %sign3A_740 = arith.constant 0 : i32
      %sign3A_741 = arith.cmpi slt, %jit3A_728, %sign3A_740 : i32
      %sign3A_742 = arith.extui %sign3A_741 : i1 to i32
      %sign3A_743 = arith.subi %sign3A_739, %sign3A_742 : i32
      %ne3A_744 = arith.cmpi ne, %sign3A_736, %sign3A_743 : i32
      %rem3A_745 = arith.remsi %select_n3A_727, %jit3A_728 : i32
      %ne3A_746 = arith.constant 0 : i32
      %ne3A_747 = arith.cmpi ne, %rem3A_745, %ne3A_746 : i32
      %and3A_748 = arith.andi %ne3A_744, %ne3A_747 : i1
      %sub3A_749 = arith.constant 1 : i32
      %sub3A_750 = arith.subi %div3A_729, %sub3A_749 : i32
      %select_n3A_751 = arith.select %and3A_748, %sub3A_750, %div3A_729 : i32
      %jit3A_752 = arith.constant 16 : i32
      %eq3A_753 = arith.constant 0 : i32
      %eq3A_754 = arith.cmpi eq, %jit3A_752, %eq3A_753 : i32
      %jit3A_755 = arith.constant 1 : i32
      %select_n3A_756 = arith.select %eq3A_754, %jit3A_755, %jit3A_752 : i32
      %rem3A_757 = arith.remsi %add3A_687, %select_n3A_756 : i32
      %ne3A_758 = arith.constant 0 : i32
      %ne3A_759 = arith.cmpi ne, %rem3A_757, %ne3A_758 : i32
      %lt3A_760 = arith.constant 0 : i32
      %lt3A_761 = arith.cmpi slt, %rem3A_757, %lt3A_760 : i32
      %lt3A_762 = arith.constant 0 : i32
      %lt3A_763 = arith.cmpi slt, %select_n3A_756, %lt3A_762 : i32
      %ne3A_764 = arith.xori %lt3A_761, %lt3A_763 : i1
      %and3A_765 = arith.andi %ne3A_764, %ne3A_759 : i1
      %add3A_766 = arith.addi %rem3A_757, %select_n3A_756 : i32
      %select_n3A_767 = arith.select %and3A_765, %add3A_766, %rem3A_757 : i32
      %jit3A_768 = arith.constant 8 : i32
      %eq3A_769 = arith.constant 0 : i32
      %eq3A_770 = arith.cmpi eq, %jit3A_768, %eq3A_769 : i32
      %jit3A_771 = arith.constant 1 : i32
      %select_n3A_772 = arith.select %eq3A_770, %jit3A_771, %jit3A_768 : i32
      %rem3A_773 = arith.remsi %select_n3A_767, %select_n3A_772 : i32
      %ne3A_774 = arith.constant 0 : i32
      %ne3A_775 = arith.cmpi ne, %rem3A_773, %ne3A_774 : i32
      %lt3A_776 = arith.constant 0 : i32
      %lt3A_777 = arith.cmpi slt, %rem3A_773, %lt3A_776 : i32
      %lt3A_778 = arith.constant 0 : i32
      %lt3A_779 = arith.cmpi slt, %select_n3A_772, %lt3A_778 : i32
      %ne3A_780 = arith.xori %lt3A_777, %lt3A_779 : i1
      %and3A_781 = arith.andi %ne3A_780, %ne3A_775 : i1
      %add3A_782 = arith.addi %rem3A_773, %select_n3A_772 : i32
      %select_n3A_783 = arith.select %and3A_781, %add3A_782, %rem3A_773 : i32
      %mul3A_784 = arith.constant 16 : i32
      %mul3A_785 = arith.muli %select_n3A_783, %mul3A_784 : i32
      %swap3A_786 = arith.index_cast %select_n3A_711 : i32 to index
      %swap3A_787 = arith.index_cast %select_n3A_751 : i32 to index
      %swap3A_788 = arith.index_cast %mul3A_785 : i32 to index
      %swap3A_789 = tpu.vector_load %arg12[%swap3A_786, %swap3A_787, %swap3A_788] {strides = array<i32>} : memref<64x2x128xf32, #tpu.memory_space<vmem>>, vector<16xf32>,
      tpu.vector_store %arg12[%swap3A_786, %swap3A_787, %swap3A_788], %broadcast_in_dim3A_0 {strides = array<i32>} : memref<64x2x128xf32, #tpu.memory_space<vmem>>, vector<16xf32>,
      %mul3A_790 = arith.constant 8 : i32
      %mul3A_791 = arith.muli %scan3A_164, %mul3A_790 : i32
      %add3A_792 = arith.constant 6 : i32
      %add3A_793 = arith.addi %mul3A_791, %add3A_792 : i32
      %jit3A_794 = arith.constant 16 : i32
      %div3A_795 = arith.divsi %add3A_793, %jit3A_794 : i32
      %sign3A_796 = arith.constant 0 : i32
      %sign3A_797 = arith.cmpi sgt, %add3A_793, %sign3A_796 : i32
      %sign3A_798 = arith.extui %sign3A_797 : i1 to i32
      %sign3A_799 = arith.constant 0 : i32
      %sign3A_800 = arith.cmpi slt, %add3A_793, %sign3A_799 : i32
      %sign3A_801 = arith.extui %sign3A_800 : i1 to i32
      %sign3A_802 = arith.subi %sign3A_798, %sign3A_801 : i32
      %sign3A_803 = arith.constant 0 : i32
      %sign3A_804 = arith.cmpi sgt, %jit3A_794, %sign3A_803 : i32
      %sign3A_805 = arith.extui %sign3A_804 : i1 to i32
      %sign3A_806 = arith.constant 0 : i32
      %sign3A_807 = arith.cmpi slt, %jit3A_794, %sign3A_806 : i32
      %sign3A_808 = arith.extui %sign3A_807 : i1 to i32
      %sign3A_809 = arith.subi %sign3A_805, %sign3A_808 : i32
      %ne3A_810 = arith.cmpi ne, %sign3A_802, %sign3A_809 : i32
      %rem3A_811 = arith.remsi %add3A_793, %jit3A_794 : i32
      %ne3A_812 = arith.constant 0 : i32
      %ne3A_813 = arith.cmpi ne, %rem3A_811, %ne3A_812 : i32
      %and3A_814 = arith.andi %ne3A_810, %ne3A_813 : i1
      %sub3A_815 = arith.constant 1 : i32
      %sub3A_816 = arith.subi %div3A_795, %sub3A_815 : i32
      %select_n3A_817 = arith.select %and3A_814, %sub3A_816, %div3A_795 : i32
      %jit3A_818 = arith.constant 16 : i32
      %eq3A_819 = arith.constant 0 : i32
      %eq3A_820 = arith.cmpi eq, %jit3A_818, %eq3A_819 : i32
      %jit3A_821 = arith.constant 1 : i32
      %select_n3A_822 = arith.select %eq3A_820, %jit3A_821, %jit3A_818 : i32
      %rem3A_823 = arith.remsi %add3A_793, %select_n3A_822 : i32
      %ne3A_824 = arith.constant 0 : i32
      %ne3A_825 = arith.cmpi ne, %rem3A_823, %ne3A_824 : i32
      %lt3A_826 = arith.constant 0 : i32
      %lt3A_827 = arith.cmpi slt, %rem3A_823, %lt3A_826 : i32
      %lt3A_828 = arith.constant 0 : i32
      %lt3A_829 = arith.cmpi slt, %select_n3A_822, %lt3A_828 : i32
      %ne3A_830 = arith.xori %lt3A_827, %lt3A_829 : i1
      %and3A_831 = arith.andi %ne3A_830, %ne3A_825 : i1
      %add3A_832 = arith.addi %rem3A_823, %select_n3A_822 : i32
      %select_n3A_833 = arith.select %and3A_831, %add3A_832, %rem3A_823 : i32
      %jit3A_834 = arith.constant 8 : i32
      %div3A_835 = arith.divsi %select_n3A_833, %jit3A_834 : i32
      %sign3A_836 = arith.constant 0 : i32
      %sign3A_837 = arith.cmpi sgt, %select_n3A_833, %sign3A_836 : i32
      %sign3A_838 = arith.extui %sign3A_837 : i1 to i32
      %sign3A_839 = arith.constant 0 : i32
      %sign3A_840 = arith.cmpi slt, %select_n3A_833, %sign3A_839 : i32
      %sign3A_841 = arith.extui %sign3A_840 : i1 to i32
      %sign3A_842 = arith.subi %sign3A_838, %sign3A_841 : i32
      %sign3A_843 = arith.constant 0 : i32
      %sign3A_844 = arith.cmpi sgt, %jit3A_834, %sign3A_843 : i32
      %sign3A_845 = arith.extui %sign3A_844 : i1 to i32
      %sign3A_846 = arith.constant 0 : i32
      %sign3A_847 = arith.cmpi slt, %jit3A_834, %sign3A_846 : i32
      %sign3A_848 = arith.extui %sign3A_847 : i1 to i32
      %sign3A_849 = arith.subi %sign3A_845, %sign3A_848 : i32
      %ne3A_850 = arith.cmpi ne, %sign3A_842, %sign3A_849 : i32
      %rem3A_851 = arith.remsi %select_n3A_833, %jit3A_834 : i32
      %ne3A_852 = arith.constant 0 : i32
      %ne3A_853 = arith.cmpi ne, %rem3A_851, %ne3A_852 : i32
      %and3A_854 = arith.andi %ne3A_850, %ne3A_853 : i1
      %sub3A_855 = arith.constant 1 : i32
      %sub3A_856 = arith.subi %div3A_835, %sub3A_855 : i32
      %select_n3A_857 = arith.select %and3A_854, %sub3A_856, %div3A_835 : i32
      %jit3A_858 = arith.constant 16 : i32
      %eq3A_859 = arith.constant 0 : i32
      %eq3A_860 = arith.cmpi eq, %jit3A_858, %eq3A_859 : i32
      %jit3A_861 = arith.constant 1 : i32
      %select_n3A_862 = arith.select %eq3A_860, %jit3A_861, %jit3A_858 : i32
      %rem3A_863 = arith.remsi %add3A_793, %select_n3A_862 : i32
      %ne3A_864 = arith.constant 0 : i32
      %ne3A_865 = arith.cmpi ne, %rem3A_863, %ne3A_864 : i32
      %lt3A_866 = arith.constant 0 : i32
      %lt3A_867 = arith.cmpi slt, %rem3A_863, %lt3A_866 : i32
      %lt3A_868 = arith.constant 0 : i32
      %lt3A_869 = arith.cmpi slt, %select_n3A_862, %lt3A_868 : i32
      %ne3A_870 = arith.xori %lt3A_867, %lt3A_869 : i1
      %and3A_871 = arith.andi %ne3A_870, %ne3A_865 : i1
      %add3A_872 = arith.addi %rem3A_863, %select_n3A_862 : i32
      %select_n3A_873 = arith.select %and3A_871, %add3A_872, %rem3A_863 : i32
      %jit3A_874 = arith.constant 8 : i32
      %eq3A_875 = arith.constant 0 : i32
      %eq3A_876 = arith.cmpi eq, %jit3A_874, %eq3A_875 : i32
      %jit3A_877 = arith.constant 1 : i32
      %select_n3A_878 = arith.select %eq3A_876, %jit3A_877, %jit3A_874 : i32
      %rem3A_879 = arith.remsi %select_n3A_873, %select_n3A_878 : i32
      %ne3A_880 = arith.constant 0 : i32
      %ne3A_881 = arith.cmpi ne, %rem3A_879, %ne3A_880 : i32
      %lt3A_882 = arith.constant 0 : i32
      %lt3A_883 = arith.cmpi slt, %rem3A_879, %lt3A_882 : i32
      %lt3A_884 = arith.constant 0 : i32
      %lt3A_885 = arith.cmpi slt, %select_n3A_878, %lt3A_884 : i32
      %ne3A_886 = arith.xori %lt3A_883, %lt3A_885 : i1
      %and3A_887 = arith.andi %ne3A_886, %ne3A_881 : i1
      %add3A_888 = arith.addi %rem3A_879, %select_n3A_878 : i32
      %select_n3A_889 = arith.select %and3A_887, %add3A_888, %rem3A_879 : i32
      %mul3A_890 = arith.constant 16 : i32
      %mul3A_891 = arith.muli %select_n3A_889, %mul3A_890 : i32
      %swap3A_892 = arith.index_cast %select_n3A_817 : i32 to index
      %swap3A_893 = arith.index_cast %select_n3A_857 : i32 to index
      %swap3A_894 = arith.index_cast %mul3A_891 : i32 to index
      %swap3A_895 = tpu.vector_load %arg12[%swap3A_892, %swap3A_893, %swap3A_894] {strides = array<i32>} : memref<64x2x128xf32, #tpu.memory_space<vmem>>, vector<16xf32>,
      tpu.vector_store %arg12[%swap3A_892, %swap3A_893, %swap3A_894], %broadcast_in_dim3A_0 {strides = array<i32>} : memref<64x2x128xf32, #tpu.memory_space<vmem>>, vector<16xf32>,
      %mul3A_896 = arith.constant 8 : i32
      %mul3A_897 = arith.muli %scan3A_164, %mul3A_896 : i32
      %add3A_898 = arith.constant 7 : i32
      %add3A_899 = arith.addi %mul3A_897, %add3A_898 : i32
      %jit3A_900 = arith.constant 16 : i32
      %div3A_901 = arith.divsi %add3A_899, %jit3A_900 : i32
      %sign3A_902 = arith.constant 0 : i32
      %sign3A_903 = arith.cmpi sgt, %add3A_899, %sign3A_902 : i32
      %sign3A_904 = arith.extui %sign3A_903 : i1 to i32
      %sign3A_905 = arith.constant 0 : i32
      %sign3A_906 = arith.cmpi slt, %add3A_899, %sign3A_905 : i32
      %sign3A_907 = arith.extui %sign3A_906 : i1 to i32
      %sign3A_908 = arith.subi %sign3A_904, %sign3A_907 : i32
      %sign3A_909 = arith.constant 0 : i32
      %sign3A_910 = arith.cmpi sgt, %jit3A_900, %sign3A_909 : i32
      %sign3A_911 = arith.extui %sign3A_910 : i1 to i32
      %sign3A_912 = arith.constant 0 : i32
      %sign3A_913 = arith.cmpi slt, %jit3A_900, %sign3A_912 : i32
      %sign3A_914 = arith.extui %sign3A_913 : i1 to i32
      %sign3A_915 = arith.subi %sign3A_911, %sign3A_914 : i32
      %ne3A_916 = arith.cmpi ne, %sign3A_908, %sign3A_915 : i32
      %rem3A_917 = arith.remsi %add3A_899, %jit3A_900 : i32
      %ne3A_918 = arith.constant 0 : i32
      %ne3A_919 = arith.cmpi ne, %rem3A_917, %ne3A_918 : i32
      %and3A_920 = arith.andi %ne3A_916, %ne3A_919 : i1
      %sub3A_921 = arith.constant 1 : i32
      %sub3A_922 = arith.subi %div3A_901, %sub3A_921 : i32
      %select_n3A_923 = arith.select %and3A_920, %sub3A_922, %div3A_901 : i32
      %jit3A_924 = arith.constant 16 : i32
      %eq3A_925 = arith.constant 0 : i32
      %eq3A_926 = arith.cmpi eq, %jit3A_924, %eq3A_925 : i32
      %jit3A_927 = arith.constant 1 : i32
      %select_n3A_928 = arith.select %eq3A_926, %jit3A_927, %jit3A_924 : i32
      %rem3A_929 = arith.remsi %add3A_899, %select_n3A_928 : i32
      %ne3A_930 = arith.constant 0 : i32
      %ne3A_931 = arith.cmpi ne, %rem3A_929, %ne3A_930 : i32
      %lt3A_932 = arith.constant 0 : i32
      %lt3A_933 = arith.cmpi slt, %rem3A_929, %lt3A_932 : i32
      %lt3A_934 = arith.constant 0 : i32
      %lt3A_935 = arith.cmpi slt, %select_n3A_928, %lt3A_934 : i32
      %ne3A_936 = arith.xori %lt3A_933, %lt3A_935 : i1
      %and3A_937 = arith.andi %ne3A_936, %ne3A_931 : i1
      %add3A_938 = arith.addi %rem3A_929, %select_n3A_928 : i32
      %select_n3A_939 = arith.select %and3A_937, %add3A_938, %rem3A_929 : i32
      %jit3A_940 = arith.constant 8 : i32
      %div3A_941 = arith.divsi %select_n3A_939, %jit3A_940 : i32
      %sign3A_942 = arith.constant 0 : i32
      %sign3A_943 = arith.cmpi sgt, %select_n3A_939, %sign3A_942 : i32
      %sign3A_944 = arith.extui %sign3A_943 : i1 to i32
      %sign3A_945 = arith.constant 0 : i32
      %sign3A_946 = arith.cmpi slt, %select_n3A_939, %sign3A_945 : i32
      %sign3A_947 = arith.extui %sign3A_946 : i1 to i32
      %sign3A_948 = arith.subi %sign3A_944, %sign3A_947 : i32
      %sign3A_949 = arith.constant 0 : i32
      %sign3A_950 = arith.cmpi sgt, %jit3A_940, %sign3A_949 : i32
      %sign3A_951 = arith.extui %sign3A_950 : i1 to i32
      %sign3A_952 = arith.constant 0 : i32
      %sign3A_953 = arith.cmpi slt, %jit3A_940, %sign3A_952 : i32
      %sign3A_954 = arith.extui %sign3A_953 : i1 to i32
      %sign3A_955 = arith.subi %sign3A_951, %sign3A_954 : i32
      %ne3A_956 = arith.cmpi ne, %sign3A_948, %sign3A_955 : i32
      %rem3A_957 = arith.remsi %select_n3A_939, %jit3A_940 : i32
      %ne3A_958 = arith.constant 0 : i32
      %ne3A_959 = arith.cmpi ne, %rem3A_957, %ne3A_958 : i32
      %and3A_960 = arith.andi %ne3A_956, %ne3A_959 : i1
      %sub3A_961 = arith.constant 1 : i32
      %sub3A_962 = arith.subi %div3A_941, %sub3A_961 : i32
      %select_n3A_963 = arith.select %and3A_960, %sub3A_962, %div3A_941 : i32
      %jit3A_964 = arith.constant 16 : i32
      %eq3A_965 = arith.constant 0 : i32
      %eq3A_966 = arith.cmpi eq, %jit3A_964, %eq3A_965 : i32
      %jit3A_967 = arith.constant 1 : i32
      %select_n3A_968 = arith.select %eq3A_966, %jit3A_967, %jit3A_964 : i32
      %rem3A_969 = arith.remsi %add3A_899, %select_n3A_968 : i32
      %ne3A_970 = arith.constant 0 : i32
      %ne3A_971 = arith.cmpi ne, %rem3A_969, %ne3A_970 : i32
      %lt3A_972 = arith.constant 0 : i32
      %lt3A_973 = arith.cmpi slt, %rem3A_969, %lt3A_972 : i32
      %lt3A_974 = arith.constant 0 : i32
      %lt3A_975 = arith.cmpi slt, %select_n3A_968, %lt3A_974 : i32
      %ne3A_976 = arith.xori %lt3A_973, %lt3A_975 : i1
      %and3A_977 = arith.andi %ne3A_976, %ne3A_971 : i1
      %add3A_978 = arith.addi %rem3A_969, %select_n3A_968 : i32
      %select_n3A_979 = arith.select %and3A_977, %add3A_978, %rem3A_969 : i32
      %jit3A_980 = arith.constant 8 : i32
      %eq3A_981 = arith.constant 0 : i32
      %eq3A_982 = arith.cmpi eq, %jit3A_980, %eq3A_981 : i32
      %jit3A_983 = arith.constant 1 : i32
      %select_n3A_984 = arith.select %eq3A_982, %jit3A_983, %jit3A_980 : i32
      %rem3A_985 = arith.remsi %select_n3A_979, %select_n3A_984 : i32
      %ne3A_986 = arith.constant 0 : i32
      %ne3A_987 = arith.cmpi ne, %rem3A_985, %ne3A_986 : i32
      %lt3A_988 = arith.constant 0 : i32
      %lt3A_989 = arith.cmpi slt, %rem3A_985, %lt3A_988 : i32
      %lt3A_990 = arith.constant 0 : i32
      %lt3A_991 = arith.cmpi slt, %select_n3A_984, %lt3A_990 : i32
      %ne3A_992 = arith.xori %lt3A_989, %lt3A_991 : i1
      %and3A_993 = arith.andi %ne3A_992, %ne3A_987 : i1
      %add3A_994 = arith.addi %rem3A_985, %select_n3A_984 : i32
      %select_n3A_995 = arith.select %and3A_993, %add3A_994, %rem3A_985 : i32
      %mul3A_996 = arith.constant 16 : i32
      %mul3A_997 = arith.muli %select_n3A_995, %mul3A_996 : i32
      %swap3A_998 = arith.index_cast %select_n3A_923 : i32 to index
      %swap3A_999 = arith.index_cast %select_n3A_963 : i32 to index
      %swap3A_1000 = arith.index_cast %mul3A_997 : i32 to index
      %swap3A_1001 = tpu.vector_load %arg12[%swap3A_998, %swap3A_999, %swap3A_1000] {strides = array<i32>} : memref<64x2x128xf32, #tpu.memory_space<vmem>>, vector<16xf32>,
      tpu.vector_store %arg12[%swap3A_998, %swap3A_999, %swap3A_1000], %broadcast_in_dim3A_0 {strides = array<i32>} : memref<64x2x128xf32, #tpu.memory_space<vmem>>, vector<16xf32>,
    }
    %scan3A_5 = arith.constant 128 : i32
    %mul3A_6 = arith.constant 320 : i32
    %mul3A_7 = arith.muli %arg1, %mul3A_6 : i32
    %add3A = arith.constant 0 : i32
    %add3A_8 = arith.addi %mul3A_7, %add3A : i32
    "tpu.region"() ({
      %run_scoped3A_164 = tpu.sem_alloc : memref<!tpu.dma_semaphore, #tpu.memory_space<semaphore_mem>>
      %dma_start3A_165 = arith.constant 0 : i32
      %dma_start3A_166 = arith.constant 0 : i32
      %dma_start3A_167 = tpu.memref_slice %arg14[%add3A_8, %dma_start3A_165, %dma_start3A_166] : memref<5120x2x128xf32, #tpu.memory_space<vmem_shared>> -> memref<64x2x128xf32, #tpu.memory_space<vmem_shared>>
      %dma_start3A_168 = arith.constant 0 : i32
      %dma_start3A_169 = arith.constant 0 : i32
      %dma_start3A_170 = tpu.memref_slice %arg14[%add3A_8, %dma_start3A_168, %dma_start3A_169] : memref<5120x2x128xf32, #tpu.memory_space<vmem_shared>> -> memref<64x2x128xf32, #tpu.memory_space<vmem_shared>>
      tpu.enqueue_dma source(%arg12 : memref<64x2x128xf32, #tpu.memory_space<vmem>>) target(%dma_start3A_170 : memref<64x2x128xf32, #tpu.memory_space<vmem_shared>>) target_semaphore(%run_scoped3A_164 : memref<!tpu.dma_semaphore, #tpu.memory_space<semaphore_mem>>)
      %dma_wait3A_171 = arith.constant 0 : i32
      %dma_wait3A_172 = arith.constant 0 : i32
      %dma_wait3A_173 = tpu.memref_slice %arg14[%add3A_8, %dma_wait3A_171, %dma_wait3A_172] : memref<5120x2x128xf32, #tpu.memory_space<vmem_shared>> -> memref<64x2x128xf32, #tpu.memory_space<vmem_shared>>
      %dma_wait3A_174 = arith.constant 0 : i32
      %dma_wait3A_175 = arith.constant 0 : i32
      %dma_wait3A_176 = tpu.memref_slice %arg14[%add3A_8, %dma_wait3A_174, %dma_wait3A_175] : memref<5120x2x128xf32, #tpu.memory_space<vmem_shared>> -> memref<64x2x128xf32, #tpu.memory_space<vmem_shared>>
      tpu.wait_dma2 semaphore(%run_scoped3A_164 : memref<!tpu.dma_semaphore, #tpu.memory_space<semaphore_mem>>) src(%arg12 : memref<64x2x128xf32, #tpu.memory_space<vmem>>) dst(%dma_wait3A_176 : memref<64x2x128xf32, #tpu.memory_space<vmem_shared>>)
      tpu.yield
    }) : () -> ()
    %mul3A_9 = arith.constant 320 : i32
    %mul3A_10 = arith.muli %arg1, %mul3A_9 : i32
    %add3A_11 = arith.constant 64 : i32
    %add3A_12 = arith.addi %mul3A_10, %add3A_11 : i32
    "tpu.region"() ({
      %run_scoped3A_164 = tpu.sem_alloc : memref<!tpu.dma_semaphore, #tpu.memory_space<semaphore_mem>>
      %dma_start3A_165 = arith.constant 0 : i32
      %dma_start3A_166 = arith.constant 0 : i32
      %dma_start3A_167 = tpu.memref_slice %arg14[%add3A_12, %dma_start3A_165, %dma_start3A_166] : memref<5120x2x128xf32, #tpu.memory_space<vmem_shared>> -> memref<64x2x128xf32, #tpu.memory_space<vmem_shared>>
      %dma_start3A_168 = arith.constant 0 : i32
      %dma_start3A_169 = arith.constant 0 : i32
      %dma_start3A_170 = tpu.memref_slice %arg14[%add3A_12, %dma_start3A_168, %dma_start3A_169] : memref<5120x2x128xf32, #tpu.memory_space<vmem_shared>> -> memref<64x2x128xf32, #tpu.memory_space<vmem_shared>>
      tpu.enqueue_dma source(%arg12 : memref<64x2x128xf32, #tpu.memory_space<vmem>>) target(%dma_start3A_170 : memref<64x2x128xf32, #tpu.memory_space<vmem_shared>>) target_semaphore(%run_scoped3A_164 : memref<!tpu.dma_semaphore, #tpu.memory_space<semaphore_mem>>)
      %dma_wait3A_171 = arith.constant 0 : i32
      %dma_wait3A_172 = arith.constant 0 : i32
      %dma_wait3A_173 = tpu.memref_slice %arg14[%add3A_12, %dma_wait3A_171, %dma_wait3A_172] : memref<5120x2x128xf32, #tpu.memory_space<vmem_shared>> -> memref<64x2x128xf32, #tpu.memory_space<vmem_shared>>
      %dma_wait3A_174 = arith.constant 0 : i32
      %dma_wait3A_175 = arith.constant 0 : i32
      %dma_wait3A_176 = tpu.memref_slice %arg14[%add3A_12, %dma_wait3A_174, %dma_wait3A_175] : memref<5120x2x128xf32, #tpu.memory_space<vmem_shared>> -> memref<64x2x128xf32, #tpu.memory_space<vmem_shared>>
      tpu.wait_dma2 semaphore(%run_scoped3A_164 : memref<!tpu.dma_semaphore, #tpu.memory_space<semaphore_mem>>) src(%arg12 : memref<64x2x128xf32, #tpu.memory_space<vmem>>) dst(%dma_wait3A_176 : memref<64x2x128xf32, #tpu.memory_space<vmem_shared>>)
      tpu.yield
    }) : () -> ()
    %mul3A_13 = arith.constant 320 : i32
    %mul3A_14 = arith.muli %arg1, %mul3A_13 : i32
    %add3A_15 = arith.constant 128 : i32
    %add3A_16 = arith.addi %mul3A_14, %add3A_15 : i32
    "tpu.region"() ({
      %run_scoped3A_164 = tpu.sem_alloc : memref<!tpu.dma_semaphore, #tpu.memory_space<semaphore_mem>>
      %dma_start3A_165 = arith.constant 0 : i32
      %dma_start3A_166 = arith.constant 0 : i32
      %dma_start3A_167 = tpu.memref_slice %arg14[%add3A_16, %dma_start3A_165, %dma_start3A_166] : memref<5120x2x128xf32, #tpu.memory_space<vmem_shared>> -> memref<64x2x128xf32, #tpu.memory_space<vmem_shared>>
      %dma_start3A_168 = arith.constant 0 : i32
      %dma_start3A_169 = arith.constant 0 : i32
      %dma_start3A_170 = tpu.memref_slice %arg14[%add3A_16, %dma_start3A_168, %dma_start3A_169] : memref<5120x2x128xf32, #tpu.memory_space<vmem_shared>> -> memref<64x2x128xf32, #tpu.memory_space<vmem_shared>>
      tpu.enqueue_dma source(%arg12 : memref<64x2x128xf32, #tpu.memory_space<vmem>>) target(%dma_start3A_170 : memref<64x2x128xf32, #tpu.memory_space<vmem_shared>>) target_semaphore(%run_scoped3A_164 : memref<!tpu.dma_semaphore, #tpu.memory_space<semaphore_mem>>)
      %dma_wait3A_171 = arith.constant 0 : i32
      %dma_wait3A_172 = arith.constant 0 : i32
      %dma_wait3A_173 = tpu.memref_slice %arg14[%add3A_16, %dma_wait3A_171, %dma_wait3A_172] : memref<5120x2x128xf32, #tpu.memory_space<vmem_shared>> -> memref<64x2x128xf32, #tpu.memory_space<vmem_shared>>
      %dma_wait3A_174 = arith.constant 0 : i32
      %dma_wait3A_175 = arith.constant 0 : i32
      %dma_wait3A_176 = tpu.memref_slice %arg14[%add3A_16, %dma_wait3A_174, %dma_wait3A_175] : memref<5120x2x128xf32, #tpu.memory_space<vmem_shared>> -> memref<64x2x128xf32, #tpu.memory_space<vmem_shared>>
      tpu.wait_dma2 semaphore(%run_scoped3A_164 : memref<!tpu.dma_semaphore, #tpu.memory_space<semaphore_mem>>) src(%arg12 : memref<64x2x128xf32, #tpu.memory_space<vmem>>) dst(%dma_wait3A_176 : memref<64x2x128xf32, #tpu.memory_space<vmem_shared>>)
      tpu.yield
    }) : () -> ()
    %mul3A_17 = arith.constant 320 : i32
    %mul3A_18 = arith.muli %arg1, %mul3A_17 : i32
    %add3A_19 = arith.constant 192 : i32
    %add3A_20 = arith.addi %mul3A_18, %add3A_19 : i32
    "tpu.region"() ({
      %run_scoped3A_164 = tpu.sem_alloc : memref<!tpu.dma_semaphore, #tpu.memory_space<semaphore_mem>>
      %dma_start3A_165 = arith.constant 0 : i32
      %dma_start3A_166 = arith.constant 0 : i32
      %dma_start3A_167 = tpu.memref_slice %arg14[%add3A_20, %dma_start3A_165, %dma_start3A_166] : memref<5120x2x128xf32, #tpu.memory_space<vmem_shared>> -> memref<64x2x128xf32, #tpu.memory_space<vmem_shared>>
      %dma_start3A_168 = arith.constant 0 : i32
      %dma_start3A_169 = arith.constant 0 : i32
      %dma_start3A_170 = tpu.memref_slice %arg14[%add3A_20, %dma_start3A_168, %dma_start3A_169] : memref<5120x2x128xf32, #tpu.memory_space<vmem_shared>> -> memref<64x2x128xf32, #tpu.memory_space<vmem_shared>>
      tpu.enqueue_dma source(%arg12 : memref<64x2x128xf32, #tpu.memory_space<vmem>>) target(%dma_start3A_170 : memref<64x2x128xf32, #tpu.memory_space<vmem_shared>>) target_semaphore(%run_scoped3A_164 : memref<!tpu.dma_semaphore, #tpu.memory_space<semaphore_mem>>)
      %dma_wait3A_171 = arith.constant 0 : i32
      %dma_wait3A_172 = arith.constant 0 : i32
      %dma_wait3A_173 = tpu.memref_slice %arg14[%add3A_20, %dma_wait3A_171, %dma_wait3A_172] : memref<5120x2x128xf32, #tpu.memory_space<vmem_shared>> -> memref<64x2x128xf32, #tpu.memory_space<vmem_shared>>
      %dma_wait3A_174 = arith.constant 0 : i32
      %dma_wait3A_175 = arith.constant 0 : i32
      %dma_wait3A_176 = tpu.memref_slice %arg14[%add3A_20, %dma_wait3A_174, %dma_wait3A_175] : memref<5120x2x128xf32, #tpu.memory_space<vmem_shared>> -> memref<64x2x128xf32, #tpu.memory_space<vmem_shared>>
      tpu.wait_dma2 semaphore(%run_scoped3A_164 : memref<!tpu.dma_semaphore, #tpu.memory_space<semaphore_mem>>) src(%arg12 : memref<64x2x128xf32, #tpu.memory_space<vmem>>) dst(%dma_wait3A_176 : memref<64x2x128xf32, #tpu.memory_space<vmem_shared>>)
      tpu.yield
    }) : () -> ()
    %mul3A_21 = arith.constant 320 : i32
    %mul3A_22 = arith.muli %arg1, %mul3A_21 : i32
    %add3A_23 = arith.constant 256 : i32
    %add3A_24 = arith.addi %mul3A_22, %add3A_23 : i32
    "tpu.region"() ({
      %run_scoped3A_164 = tpu.sem_alloc : memref<!tpu.dma_semaphore, #tpu.memory_space<semaphore_mem>>
      %dma_start3A_165 = arith.constant 0 : i32
      %dma_start3A_166 = arith.constant 0 : i32
      %dma_start3A_167 = tpu.memref_slice %arg14[%add3A_24, %dma_start3A_165, %dma_start3A_166] : memref<5120x2x128xf32, #tpu.memory_space<vmem_shared>> -> memref<64x2x128xf32, #tpu.memory_space<vmem_shared>>
      %dma_start3A_168 = arith.constant 0 : i32
      %dma_start3A_169 = arith.constant 0 : i32
      %dma_start3A_170 = tpu.memref_slice %arg14[%add3A_24, %dma_start3A_168, %dma_start3A_169] : memref<5120x2x128xf32, #tpu.memory_space<vmem_shared>> -> memref<64x2x128xf32, #tpu.memory_space<vmem_shared>>
      tpu.enqueue_dma source(%arg12 : memref<64x2x128xf32, #tpu.memory_space<vmem>>) target(%dma_start3A_170 : memref<64x2x128xf32, #tpu.memory_space<vmem_shared>>) target_semaphore(%run_scoped3A_164 : memref<!tpu.dma_semaphore, #tpu.memory_space<semaphore_mem>>)
      %dma_wait3A_171 = arith.constant 0 : i32
      %dma_wait3A_172 = arith.constant 0 : i32
      %dma_wait3A_173 = tpu.memref_slice %arg14[%add3A_24, %dma_wait3A_171, %dma_wait3A_172] : memref<5120x2x128xf32, #tpu.memory_space<vmem_shared>> -> memref<64x2x128xf32, #tpu.memory_space<vmem_shared>>
      %dma_wait3A_174 = arith.constant 0 : i32
      %dma_wait3A_175 = arith.constant 0 : i32
      %dma_wait3A_176 = tpu.memref_slice %arg14[%add3A_24, %dma_wait3A_174, %dma_wait3A_175] : memref<5120x2x128xf32, #tpu.memory_space<vmem_shared>> -> memref<64x2x128xf32, #tpu.memory_space<vmem_shared>>
      tpu.wait_dma2 semaphore(%run_scoped3A_164 : memref<!tpu.dma_semaphore, #tpu.memory_space<semaphore_mem>>) src(%arg12 : memref<64x2x128xf32, #tpu.memory_space<vmem>>) dst(%dma_wait3A_176 : memref<64x2x128xf32, #tpu.memory_space<vmem_shared>>)
      tpu.yield
    }) : () -> ()
    %barrier3A = arith.constant 0 : index
    tpu.barrier barrier_id(%barrier3A)
    %dma_start3A = arith.constant 0 : i32
    %dma_start3A_25 = tpu.memref_slice %arg10[%dma_start3A] : memref<5120xi32, #tpu.memory_space<vmem>> -> memref<64xi32, #tpu.memory_space<vmem>>
    %dma_start3A_26 = arith.constant 0 : i32
    %dma_start3A_27 = arith.constant 0 : i32
    %dma_start3A_28 = arith.constant 0 : i32
    %dma_start3A_29 = tpu.memref_slice %arg6[%arg0, %dma_start3A_26, %dma_start3A_27, %dma_start3A_28] : memref<2x5120x2x128xf32, #tpu.memory_space<hbm>> -> memref<1x5120x2x128xf32, #tpu.memory_space<hbm>>
    %dma_start3A_30 = tpu.memref_squeeze %dma_start3A_29 : memref<1x5120x2x128xf32, #tpu.memory_space<hbm>> -> memref<5120x2x128xf32, #tpu.memory_space<hbm>>
    %dma_start3A_31 = arith.constant 0 : i32
    %dma_start3A_32 = arith.constant 0 : i32
    %dma_start3A_33 = arith.constant 0 : i32
    %dma_start3A_34 = tpu.memref_slice %dma_start3A_30[%dma_start3A_31, %dma_start3A_32, %dma_start3A_33] : memref<5120x2x128xf32, #tpu.memory_space<hbm>> -> memref<5120x2x128xf32, #tpu.memory_space<hbm>>
    tpu.enqueue_indirect_dma source(%dma_start3A_34 : memref<5120x2x128xf32, #tpu.memory_space<hbm>>) target(%arg12 : memref<64x2x128xf32, #tpu.memory_space<vmem>>) offsets(%dma_start3A_25 : memref<64xi32, #tpu.memory_space<vmem>>) semaphore(%arg15 : memref<!tpu.dma_semaphore, #tpu.memory_space<semaphore_mem>>)
    %scan3A_35 = arith.constant 0 : i32
    %scan3A_36 = arith.constant 39 : i32
    %scan3A_37 = arith.addi %scan3A_35, %scan3A_36 : i32
    %scan3A_38 = arith.constant 1 : i32
    scf.for %scan3A_164 = %scan3A_35 to %scan3A_37 step %scan3A_38  : i32 {
      %mul3A_165 = arith.constant 2 : i32
      %mul3A_166 = arith.muli %scan3A_164, %mul3A_165 : i32
      %add3A_167 = arith.constant 1 : i32
      %add3A_168 = arith.addi %mul3A_166, %add3A_167 : i32
      %mul3A_169 = arith.constant 64 : i32
      %mul3A_170 = arith.muli %add3A_168, %mul3A_169 : i32
      %dma_start3A_171 = tpu.memref_slice %arg10[%mul3A_170] : memref<5120xi32, #tpu.memory_space<vmem>> -> memref<64xi32, #tpu.memory_space<vmem>>
      %dma_start3A_172 = arith.constant 0 : i32
      %dma_start3A_173 = arith.constant 0 : i32
      %dma_start3A_174 = arith.constant 0 : i32
      %dma_start3A_175 = tpu.memref_slice %arg6[%arg0, %dma_start3A_172, %dma_start3A_173, %dma_start3A_174] : memref<2x5120x2x128xf32, #tpu.memory_space<hbm>> -> memref<1x5120x2x128xf32, #tpu.memory_space<hbm>>
      %dma_start3A_176 = tpu.memref_squeeze %dma_start3A_175 : memref<1x5120x2x128xf32, #tpu.memory_space<hbm>> -> memref<5120x2x128xf32, #tpu.memory_space<hbm>>
      %dma_start3A_177 = arith.constant 0 : i32
      %dma_start3A_178 = arith.constant 0 : i32
      %dma_start3A_179 = arith.constant 0 : i32
      %dma_start3A_180 = tpu.memref_slice %dma_start3A_176[%dma_start3A_177, %dma_start3A_178, %dma_start3A_179] : memref<5120x2x128xf32, #tpu.memory_space<hbm>> -> memref<5120x2x128xf32, #tpu.memory_space<hbm>>
      tpu.enqueue_indirect_dma source(%dma_start3A_180 : memref<5120x2x128xf32, #tpu.memory_space<hbm>>) target(%arg13 : memref<64x2x128xf32, #tpu.memory_space<vmem>>) offsets(%dma_start3A_171 : memref<64xi32, #tpu.memory_space<vmem>>) semaphore(%arg16 : memref<!tpu.dma_semaphore, #tpu.memory_space<semaphore_mem>>)
      %mul3A_181 = arith.constant 64 : i32
      %mul3A_182 = arith.muli %mul3A_166, %mul3A_181 : i32
      %dma_wait3A_183 = tpu.memref_slice %arg10[%mul3A_182] : memref<5120xi32, #tpu.memory_space<vmem>> -> memref<64xi32, #tpu.memory_space<vmem>>
      %dma_wait3A_184 = arith.constant 0 : i32
      %dma_wait3A_185 = arith.constant 0 : i32
      %dma_wait3A_186 = arith.constant 0 : i32
      %dma_wait3A_187 = tpu.memref_slice %arg6[%arg0, %dma_wait3A_184, %dma_wait3A_185, %dma_wait3A_186] : memref<2x5120x2x128xf32, #tpu.memory_space<hbm>> -> memref<1x5120x2x128xf32, #tpu.memory_space<hbm>>
      %dma_wait3A_188 = tpu.memref_squeeze %dma_wait3A_187 : memref<1x5120x2x128xf32, #tpu.memory_space<hbm>> -> memref<5120x2x128xf32, #tpu.memory_space<hbm>>
      %dma_wait3A_189 = arith.constant 0 : i32
      %dma_wait3A_190 = arith.constant 0 : i32
      %dma_wait3A_191 = arith.constant 0 : i32
      %dma_wait3A_192 = tpu.memref_slice %dma_wait3A_188[%dma_wait3A_189, %dma_wait3A_190, %dma_wait3A_191] : memref<5120x2x128xf32, #tpu.memory_space<hbm>> -> memref<5120x2x128xf32, #tpu.memory_space<hbm>>
      tpu.wait_indirect_dma semaphore(%arg15 : memref<!tpu.dma_semaphore, #tpu.memory_space<semaphore_mem>>) src(%dma_wait3A_192 : memref<5120x2x128xf32, #tpu.memory_space<hbm>>) dst(%arg12 : memref<64x2x128xf32, #tpu.memory_space<vmem>>)
      "tpu.region"() ({
        %run_scoped3A_221 = tpu.sem_alloc : memref<!tpu.dma_semaphore, #tpu.memory_space<semaphore_mem>>
        %dma_start3A_222 = arith.constant 0 : i32
        %dma_start3A_223 = tpu.memref_slice %arg11[%mul3A_166, %dma_start3A_222] : memref<80x64xi32, #tpu.memory_space<vmem>> -> memref<1x64xi32, #tpu.memory_space<vmem>>
        %dma_start3A_224 = tpu.memref_squeeze %dma_start3A_223 : memref<1x64xi32, #tpu.memory_space<vmem>> -> memref<64xi32, #tpu.memory_space<vmem>>
        %dma_start3A_225 = arith.constant 0 : i32
        %dma_start3A_226 = arith.constant 0 : i32
        %dma_start3A_227 = arith.constant 0 : i32
        %dma_start3A_228 = tpu.memref_slice %arg14[%dma_start3A_225, %dma_start3A_226, %dma_start3A_227] : memref<5120x2x128xf32, #tpu.memory_space<vmem_shared>> -> memref<5120x2x128xf32, #tpu.memory_space<vmem_shared>>
        tpu.enqueue_indirect_dma source(%arg12 : memref<64x2x128xf32, #tpu.memory_space<vmem>>) target(%dma_start3A_228 : memref<5120x2x128xf32, #tpu.memory_space<vmem_shared>>) offsets(%dma_start3A_224 : memref<64xi32, #tpu.memory_space<vmem>>) semaphore(%run_scoped3A_221 : memref<!tpu.dma_semaphore, #tpu.memory_space<semaphore_mem>>) {add = true}
        %dma_wait3A_229 = arith.constant 0 : i32
        %dma_wait3A_230 = tpu.memref_slice %arg11[%mul3A_166, %dma_wait3A_229] : memref<80x64xi32, #tpu.memory_space<vmem>> -> memref<1x64xi32, #tpu.memory_space<vmem>>
        %dma_wait3A_231 = tpu.memref_squeeze %dma_wait3A_230 : memref<1x64xi32, #tpu.memory_space<vmem>> -> memref<64xi32, #tpu.memory_space<vmem>>
        %dma_wait3A_232 = arith.constant 0 : i32
        %dma_wait3A_233 = arith.constant 0 : i32
        %dma_wait3A_234 = arith.constant 0 : i32
        %dma_wait3A_235 = tpu.memref_slice %arg14[%dma_wait3A_232, %dma_wait3A_233, %dma_wait3A_234] : memref<5120x2x128xf32, #tpu.memory_space<vmem_shared>> -> memref<5120x2x128xf32, #tpu.memory_space<vmem_shared>>
        tpu.wait_indirect_dma semaphore(%run_scoped3A_221 : memref<!tpu.dma_semaphore, #tpu.memory_space<semaphore_mem>>) src(%arg12 : memref<64x2x128xf32, #tpu.memory_space<vmem>>) dst(%dma_wait3A_235 : memref<5120x2x128xf32, #tpu.memory_space<vmem_shared>>)
        tpu.yield
      }) : () -> ()
      %add3A_193 = arith.constant 2 : i32
      %add3A_194 = arith.addi %mul3A_166, %add3A_193 : i32
      %mul3A_195 = arith.constant 64 : i32
      %mul3A_196 = arith.muli %add3A_194, %mul3A_195 : i32
      %dma_start3A_197 = tpu.memref_slice %arg10[%mul3A_196] : memref<5120xi32, #tpu.memory_space<vmem>> -> memref<64xi32, #tpu.memory_space<vmem>>
      %dma_start3A_198 = arith.constant 0 : i32
      %dma_start3A_199 = arith.constant 0 : i32
      %dma_start3A_200 = arith.constant 0 : i32
      %dma_start3A_201 = tpu.memref_slice %arg6[%arg0, %dma_start3A_198, %dma_start3A_199, %dma_start3A_200] : memref<2x5120x2x128xf32, #tpu.memory_space<hbm>> -> memref<1x5120x2x128xf32, #tpu.memory_space<hbm>>
      %dma_start3A_202 = tpu.memref_squeeze %dma_start3A_201 : memref<1x5120x2x128xf32, #tpu.memory_space<hbm>> -> memref<5120x2x128xf32, #tpu.memory_space<hbm>>
      %dma_start3A_203 = arith.constant 0 : i32
      %dma_start3A_204 = arith.constant 0 : i32
      %dma_start3A_205 = arith.constant 0 : i32
      %dma_start3A_206 = tpu.memref_slice %dma_start3A_202[%dma_start3A_203, %dma_start3A_204, %dma_start3A_205] : memref<5120x2x128xf32, #tpu.memory_space<hbm>> -> memref<5120x2x128xf32, #tpu.memory_space<hbm>>
      tpu.enqueue_indirect_dma source(%dma_start3A_206 : memref<5120x2x128xf32, #tpu.memory_space<hbm>>) target(%arg12 : memref<64x2x128xf32, #tpu.memory_space<vmem>>) offsets(%dma_start3A_197 : memref<64xi32, #tpu.memory_space<vmem>>) semaphore(%arg15 : memref<!tpu.dma_semaphore, #tpu.memory_space<semaphore_mem>>)
      %add3A_207 = arith.constant 1 : i32
      %add3A_208 = arith.addi %mul3A_166, %add3A_207 : i32
      %mul3A_209 = arith.constant 64 : i32
      %mul3A_210 = arith.muli %add3A_208, %mul3A_209 : i32
      %dma_wait3A_211 = tpu.memref_slice %arg10[%mul3A_210] : memref<5120xi32, #tpu.memory_space<vmem>> -> memref<64xi32, #tpu.memory_space<vmem>>
      %dma_wait3A_212 = arith.constant 0 : i32
      %dma_wait3A_213 = arith.constant 0 : i32
      %dma_wait3A_214 = arith.constant 0 : i32
      %dma_wait3A_215 = tpu.memref_slice %arg6[%arg0, %dma_wait3A_212, %dma_wait3A_213, %dma_wait3A_214] : memref<2x5120x2x128xf32, #tpu.memory_space<hbm>> -> memref<1x5120x2x128xf32, #tpu.memory_space<hbm>>
      %dma_wait3A_216 = tpu.memref_squeeze %dma_wait3A_215 : memref<1x5120x2x128xf32, #tpu.memory_space<hbm>> -> memref<5120x2x128xf32, #tpu.memory_space<hbm>>
      %dma_wait3A_217 = arith.constant 0 : i32
      %dma_wait3A_218 = arith.constant 0 : i32
      %dma_wait3A_219 = arith.constant 0 : i32
      %dma_wait3A_220 = tpu.memref_slice %dma_wait3A_216[%dma_wait3A_217, %dma_wait3A_218, %dma_wait3A_219] : memref<5120x2x128xf32, #tpu.memory_space<hbm>> -> memref<5120x2x128xf32, #tpu.memory_space<hbm>>
      tpu.wait_indirect_dma semaphore(%arg16 : memref<!tpu.dma_semaphore, #tpu.memory_space<semaphore_mem>>) src(%dma_wait3A_220 : memref<5120x2x128xf32, #tpu.memory_space<hbm>>) dst(%arg13 : memref<64x2x128xf32, #tpu.memory_space<vmem>>)
      "tpu.region"() ({
        %run_scoped3A_221 = tpu.sem_alloc : memref<!tpu.dma_semaphore, #tpu.memory_space<semaphore_mem>>
        %dma_start3A_222 = arith.constant 0 : i32
        %dma_start3A_223 = tpu.memref_slice %arg11[%add3A_208, %dma_start3A_222] : memref<80x64xi32, #tpu.memory_space<vmem>> -> memref<1x64xi32, #tpu.memory_space<vmem>>
        %dma_start3A_224 = tpu.memref_squeeze %dma_start3A_223 : memref<1x64xi32, #tpu.memory_space<vmem>> -> memref<64xi32, #tpu.memory_space<vmem>>
        %dma_start3A_225 = arith.constant 0 : i32
        %dma_start3A_226 = arith.constant 0 : i32
        %dma_start3A_227 = arith.constant 0 : i32
        %dma_start3A_228 = tpu.memref_slice %arg14[%dma_start3A_225, %dma_start3A_226, %dma_start3A_227] : memref<5120x2x128xf32, #tpu.memory_space<vmem_shared>> -> memref<5120x2x128xf32, #tpu.memory_space<vmem_shared>>
        tpu.enqueue_indirect_dma source(%arg13 : memref<64x2x128xf32, #tpu.memory_space<vmem>>) target(%dma_start3A_228 : memref<5120x2x128xf32, #tpu.memory_space<vmem_shared>>) offsets(%dma_start3A_224 : memref<64xi32, #tpu.memory_space<vmem>>) semaphore(%run_scoped3A_221 : memref<!tpu.dma_semaphore, #tpu.memory_space<semaphore_mem>>) {add = true}
        %dma_wait3A_229 = arith.constant 0 : i32
        %dma_wait3A_230 = tpu.memref_slice %arg11[%add3A_208, %dma_wait3A_229] : memref<80x64xi32, #tpu.memory_space<vmem>> -> memref<1x64xi32, #tpu.memory_space<vmem>>
        %dma_wait3A_231 = tpu.memref_squeeze %dma_wait3A_230 : memref<1x64xi32, #tpu.memory_space<vmem>> -> memref<64xi32, #tpu.memory_space<vmem>>
        %dma_wait3A_232 = arith.constant 0 : i32
        %dma_wait3A_233 = arith.constant 0 : i32
        %dma_wait3A_234 = arith.constant 0 : i32
        %dma_wait3A_235 = tpu.memref_slice %arg14[%dma_wait3A_232, %dma_wait3A_233, %dma_wait3A_234] : memref<5120x2x128xf32, #tpu.memory_space<vmem_shared>> -> memref<5120x2x128xf32, #tpu.memory_space<vmem_shared>>
        tpu.wait_indirect_dma semaphore(%run_scoped3A_221 : memref<!tpu.dma_semaphore, #tpu.memory_space<semaphore_mem>>) src(%arg13 : memref<64x2x128xf32, #tpu.memory_space<vmem>>) dst(%dma_wait3A_235 : memref<5120x2x128xf32, #tpu.memory_space<vmem_shared>>)
        tpu.yield
      }) : () -> ()
    }
    %scan3A_39 = arith.constant 39 : i32
    %dma_start3A_40 = arith.constant 5056 : i32
    %dma_start3A_41 = tpu.memref_slice %arg10[%dma_start3A_40] : memref<5120xi32, #tpu.memory_space<vmem>> -> memref<64xi32, #tpu.memory_space<vmem>>
    %dma_start3A_42 = arith.constant 0 : i32
    %dma_start3A_43 = arith.constant 0 : i32
    %dma_start3A_44 = arith.constant 0 : i32
    %dma_start3A_45 = tpu.memref_slice %arg6[%arg0, %dma_start3A_42, %dma_start3A_43, %dma_start3A_44] : memref<2x5120x2x128xf32, #tpu.memory_space<hbm>> -> memref<1x5120x2x128xf32, #tpu.memory_space<hbm>>
    %dma_start3A_46 = tpu.memref_squeeze %dma_start3A_45 : memref<1x5120x2x128xf32, #tpu.memory_space<hbm>> -> memref<5120x2x128xf32, #tpu.memory_space<hbm>>
    %dma_start3A_47 = arith.constant 0 : i32
    %dma_start3A_48 = arith.constant 0 : i32
    %dma_start3A_49 = arith.constant 0 : i32
    %dma_start3A_50 = tpu.memref_slice %dma_start3A_46[%dma_start3A_47, %dma_start3A_48, %dma_start3A_49] : memref<5120x2x128xf32, #tpu.memory_space<hbm>> -> memref<5120x2x128xf32, #tpu.memory_space<hbm>>
    tpu.enqueue_indirect_dma source(%dma_start3A_50 : memref<5120x2x128xf32, #tpu.memory_space<hbm>>) target(%arg13 : memref<64x2x128xf32, #tpu.memory_space<vmem>>) offsets(%dma_start3A_41 : memref<64xi32, #tpu.memory_space<vmem>>) semaphore(%arg16 : memref<!tpu.dma_semaphore, #tpu.memory_space<semaphore_mem>>)
    %dma_wait3A = arith.constant 4992 : i32
    %dma_wait3A_51 = tpu.memref_slice %arg10[%dma_wait3A] : memref<5120xi32, #tpu.memory_space<vmem>> -> memref<64xi32, #tpu.memory_space<vmem>>
    %dma_wait3A_52 = arith.constant 0 : i32
    %dma_wait3A_53 = arith.constant 0 : i32
    %dma_wait3A_54 = arith.constant 0 : i32
    %dma_wait3A_55 = tpu.memref_slice %arg6[%arg0, %dma_wait3A_52, %dma_wait3A_53, %dma_wait3A_54] : memref<2x5120x2x128xf32, #tpu.memory_space<hbm>> -> memref<1x5120x2x128xf32, #tpu.memory_space<hbm>>
    %dma_wait3A_56 = tpu.memref_squeeze %dma_wait3A_55 : memref<1x5120x2x128xf32, #tpu.memory_space<hbm>> -> memref<5120x2x128xf32, #tpu.memory_space<hbm>>
    %dma_wait3A_57 = arith.constant 0 : i32
    %dma_wait3A_58 = arith.constant 0 : i32
    %dma_wait3A_59 = arith.constant 0 : i32
    %dma_wait3A_60 = tpu.memref_slice %dma_wait3A_56[%dma_wait3A_57, %dma_wait3A_58, %dma_wait3A_59] : memref<5120x2x128xf32, #tpu.memory_space<hbm>> -> memref<5120x2x128xf32, #tpu.memory_space<hbm>>
    tpu.wait_indirect_dma semaphore(%arg15 : memref<!tpu.dma_semaphore, #tpu.memory_space<semaphore_mem>>) src(%dma_wait3A_60 : memref<5120x2x128xf32, #tpu.memory_space<hbm>>) dst(%arg12 : memref<64x2x128xf32, #tpu.memory_space<vmem>>)
    %run_scoped3A = arith.constant 78 : i32
    "tpu.region"() ({
      %run_scoped3A_164 = tpu.sem_alloc : memref<!tpu.dma_semaphore, #tpu.memory_space<semaphore_mem>>
      %dma_start3A_165 = arith.constant 0 : i32
      %dma_start3A_166 = tpu.memref_slice %arg11[%run_scoped3A, %dma_start3A_165] : memref<80x64xi32, #tpu.memory_space<vmem>> -> memref<1x64xi32, #tpu.memory_space<vmem>>
      %dma_start3A_167 = tpu.memref_squeeze %dma_start3A_166 : memref<1x64xi32, #tpu.memory_space<vmem>> -> memref<64xi32, #tpu.memory_space<vmem>>
      %dma_start3A_168 = arith.constant 0 : i32
      %dma_start3A_169 = arith.constant 0 : i32
      %dma_start3A_170 = arith.constant 0 : i32
      %dma_start3A_171 = tpu.memref_slice %arg14[%dma_start3A_168, %dma_start3A_169, %dma_start3A_170] : memref<5120x2x128xf32, #tpu.memory_space<vmem_shared>> -> memref<5120x2x128xf32, #tpu.memory_space<vmem_shared>>
      tpu.enqueue_indirect_dma source(%arg12 : memref<64x2x128xf32, #tpu.memory_space<vmem>>) target(%dma_start3A_171 : memref<5120x2x128xf32, #tpu.memory_space<vmem_shared>>) offsets(%dma_start3A_167 : memref<64xi32, #tpu.memory_space<vmem>>) semaphore(%run_scoped3A_164 : memref<!tpu.dma_semaphore, #tpu.memory_space<semaphore_mem>>) {add = true}
      %dma_wait3A_172 = arith.constant 0 : i32
      %dma_wait3A_173 = tpu.memref_slice %arg11[%run_scoped3A, %dma_wait3A_172] : memref<80x64xi32, #tpu.memory_space<vmem>> -> memref<1x64xi32, #tpu.memory_space<vmem>>
      %dma_wait3A_174 = tpu.memref_squeeze %dma_wait3A_173 : memref<1x64xi32, #tpu.memory_space<vmem>> -> memref<64xi32, #tpu.memory_space<vmem>>
      %dma_wait3A_175 = arith.constant 0 : i32
      %dma_wait3A_176 = arith.constant 0 : i32
      %dma_wait3A_177 = arith.constant 0 : i32
      %dma_wait3A_178 = tpu.memref_slice %arg14[%dma_wait3A_175, %dma_wait3A_176, %dma_wait3A_177] : memref<5120x2x128xf32, #tpu.memory_space<vmem_shared>> -> memref<5120x2x128xf32, #tpu.memory_space<vmem_shared>>
      tpu.wait_indirect_dma semaphore(%run_scoped3A_164 : memref<!tpu.dma_semaphore, #tpu.memory_space<semaphore_mem>>) src(%arg12 : memref<64x2x128xf32, #tpu.memory_space<vmem>>) dst(%dma_wait3A_178 : memref<5120x2x128xf32, #tpu.memory_space<vmem_shared>>)
      tpu.yield
    }) : () -> ()
    %dma_wait3A_61 = arith.constant 5056 : i32
    %dma_wait3A_62 = tpu.memref_slice %arg10[%dma_wait3A_61] : memref<5120xi32, #tpu.memory_space<vmem>> -> memref<64xi32, #tpu.memory_space<vmem>>
    %dma_wait3A_63 = arith.constant 0 : i32
    %dma_wait3A_64 = arith.constant 0 : i32
    %dma_wait3A_65 = arith.constant 0 : i32
    %dma_wait3A_66 = tpu.memref_slice %arg6[%arg0, %dma_wait3A_63, %dma_wait3A_64, %dma_wait3A_65] : memref<2x5120x2x128xf32, #tpu.memory_space<hbm>> -> memref<1x5120x2x128xf32, #tpu.memory_space<hbm>>
    %dma_wait3A_67 = tpu.memref_squeeze %dma_wait3A_66 : memref<1x5120x2x128xf32, #tpu.memory_space<hbm>> -> memref<5120x2x128xf32, #tpu.memory_space<hbm>>
    %dma_wait3A_68 = arith.constant 0 : i32
    %dma_wait3A_69 = arith.constant 0 : i32
    %dma_wait3A_70 = arith.constant 0 : i32
    %dma_wait3A_71 = tpu.memref_slice %dma_wait3A_67[%dma_wait3A_68, %dma_wait3A_69, %dma_wait3A_70] : memref<5120x2x128xf32, #tpu.memory_space<hbm>> -> memref<5120x2x128xf32, #tpu.memory_space<hbm>>
    tpu.wait_indirect_dma semaphore(%arg16 : memref<!tpu.dma_semaphore, #tpu.memory_space<semaphore_mem>>) src(%dma_wait3A_71 : memref<5120x2x128xf32, #tpu.memory_space<hbm>>) dst(%arg13 : memref<64x2x128xf32, #tpu.memory_space<vmem>>)
    %run_scoped3A_72 = arith.constant 79 : i32
    "tpu.region"() ({
      %run_scoped3A_164 = tpu.sem_alloc : memref<!tpu.dma_semaphore, #tpu.memory_space<semaphore_mem>>
      %dma_start3A_165 = arith.constant 0 : i32
      %dma_start3A_166 = tpu.memref_slice %arg11[%run_scoped3A_72, %dma_start3A_165] : memref<80x64xi32, #tpu.memory_space<vmem>> -> memref<1x64xi32, #tpu.memory_space<vmem>>
      %dma_start3A_167 = tpu.memref_squeeze %dma_start3A_166 : memref<1x64xi32, #tpu.memory_space<vmem>> -> memref<64xi32, #tpu.memory_space<vmem>>
      %dma_start3A_168 = arith.constant 0 : i32
      %dma_start3A_169 = arith.constant 0 : i32
      %dma_start3A_170 = arith.constant 0 : i32
      %dma_start3A_171 = tpu.memref_slice %arg14[%dma_start3A_168, %dma_start3A_169, %dma_start3A_170] : memref<5120x2x128xf32, #tpu.memory_space<vmem_shared>> -> memref<5120x2x128xf32, #tpu.memory_space<vmem_shared>>
      tpu.enqueue_indirect_dma source(%arg13 : memref<64x2x128xf32, #tpu.memory_space<vmem>>) target(%dma_start3A_171 : memref<5120x2x128xf32, #tpu.memory_space<vmem_shared>>) offsets(%dma_start3A_167 : memref<64xi32, #tpu.memory_space<vmem>>) semaphore(%run_scoped3A_164 : memref<!tpu.dma_semaphore, #tpu.memory_space<semaphore_mem>>) {add = true}
      %dma_wait3A_172 = arith.constant 0 : i32
      %dma_wait3A_173 = tpu.memref_slice %arg11[%run_scoped3A_72, %dma_wait3A_172] : memref<80x64xi32, #tpu.memory_space<vmem>> -> memref<1x64xi32, #tpu.memory_space<vmem>>
      %dma_wait3A_174 = tpu.memref_squeeze %dma_wait3A_173 : memref<1x64xi32, #tpu.memory_space<vmem>> -> memref<64xi32, #tpu.memory_space<vmem>>
      %dma_wait3A_175 = arith.constant 0 : i32
      %dma_wait3A_176 = arith.constant 0 : i32
      %dma_wait3A_177 = arith.constant 0 : i32
      %dma_wait3A_178 = tpu.memref_slice %arg14[%dma_wait3A_175, %dma_wait3A_176, %dma_wait3A_177] : memref<5120x2x128xf32, #tpu.memory_space<vmem_shared>> -> memref<5120x2x128xf32, #tpu.memory_space<vmem_shared>>
      tpu.wait_indirect_dma semaphore(%run_scoped3A_164 : memref<!tpu.dma_semaphore, #tpu.memory_space<semaphore_mem>>) src(%arg13 : memref<64x2x128xf32, #tpu.memory_space<vmem>>) dst(%dma_wait3A_178 : memref<5120x2x128xf32, #tpu.memory_space<vmem_shared>>)
      tpu.yield
    }) : () -> ()
    %barrier3A_73 = arith.constant 0 : index
    tpu.barrier barrier_id(%barrier3A_73)
    %mul3A_74 = arith.constant 320 : i32
    %mul3A_75 = arith.muli %arg1, %mul3A_74 : i32
    %mul3A_76 = arith.constant 320 : i32
    %mul3A_77 = arith.muli %arg1, %mul3A_76 : i32
    "tpu.region"() ({
      %run_scoped3A_164 = tpu.sem_alloc : memref<!tpu.dma_semaphore, #tpu.memory_space<semaphore_mem>>
      %dma_start3A_165 = arith.constant 0 : i32
      %dma_start3A_166 = arith.constant 0 : i32
      %dma_start3A_167 = tpu.memref_slice %arg8[%arg0, %mul3A_77, %dma_start3A_165, %dma_start3A_166] : memref<2x5120x2x128xf32, #tpu.memory_space<hbm>> -> memref<1x320x2x128xf32, #tpu.memory_space<hbm>>
      %dma_start3A_168 = tpu.memref_squeeze %dma_start3A_167 : memref<1x320x2x128xf32, #tpu.memory_space<hbm>> -> memref<320x2x128xf32, #tpu.memory_space<hbm>>
      %dma_start3A_169 = arith.constant 0 : i32
      %dma_start3A_170 = arith.constant 0 : i32
      %dma_start3A_171 = tpu.memref_slice %arg14[%mul3A_75, %dma_start3A_169, %dma_start3A_170] : memref<5120x2x128xf32, #tpu.memory_space<vmem_shared>> -> memref<320x2x128xf32, #tpu.memory_space<vmem_shared>>
      tpu.enqueue_dma source(%dma_start3A_171 : memref<320x2x128xf32, #tpu.memory_space<vmem_shared>>) target(%dma_start3A_168 : memref<320x2x128xf32, #tpu.memory_space<hbm>>) target_semaphore(%run_scoped3A_164 : memref<!tpu.dma_semaphore, #tpu.memory_space<semaphore_mem>>)
      %dma_wait3A_172 = arith.constant 0 : i32
      %dma_wait3A_173 = arith.constant 0 : i32
      %dma_wait3A_174 = tpu.memref_slice %arg8[%arg0, %mul3A_77, %dma_wait3A_172, %dma_wait3A_173] : memref<2x5120x2x128xf32, #tpu.memory_space<hbm>> -> memref<1x320x2x128xf32, #tpu.memory_space<hbm>>
      %dma_wait3A_175 = tpu.memref_squeeze %dma_wait3A_174 : memref<1x320x2x128xf32, #tpu.memory_space<hbm>> -> memref<320x2x128xf32, #tpu.memory_space<hbm>>
      %dma_wait3A_176 = arith.constant 0 : i32
      %dma_wait3A_177 = arith.constant 0 : i32
      %dma_wait3A_178 = tpu.memref_slice %arg14[%mul3A_75, %dma_wait3A_176, %dma_wait3A_177] : memref<5120x2x128xf32, #tpu.memory_space<vmem_shared>> -> memref<320x2x128xf32, #tpu.memory_space<vmem_shared>>
      tpu.wait_dma2 semaphore(%run_scoped3A_164 : memref<!tpu.dma_semaphore, #tpu.memory_space<semaphore_mem>>) src(%dma_wait3A_178 : memref<320x2x128xf32, #tpu.memory_space<vmem_shared>>) dst(%dma_wait3A_175 : memref<320x2x128xf32, #tpu.memory_space<hbm>>)
      tpu.yield
    }) : () -> ()
    %barrier3A_78 = arith.constant 0 : index
    tpu.barrier barrier_id(%barrier3A_78)
    %mul3A_79 = arith.constant 5120 : i32
    %mul3A_80 = arith.muli %arg1, %mul3A_79 : i32
    "tpu.region"() ({
      %run_scoped3A_164 = tpu.sem_alloc : memref<!tpu.dma_semaphore, #tpu.memory_space<semaphore_mem>>
      %dma_start3A_165 = tpu.memref_slice %arg3[%mul3A_80] : memref<81920xi32, #tpu.memory_space<hbm>> -> memref<5120xi32, #tpu.memory_space<hbm>>
      %dma_start3A_166 = tpu.memref_slice %arg3[%mul3A_80] : memref<81920xi32, #tpu.memory_space<hbm>> -> memref<5120xi32, #tpu.memory_space<hbm>>
      tpu.enqueue_dma source(%dma_start3A_166 : memref<5120xi32, #tpu.memory_space<hbm>>) target(%arg10 : memref<5120xi32, #tpu.memory_space<vmem>>) target_semaphore(%run_scoped3A_164 : memref<!tpu.dma_semaphore, #tpu.memory_space<semaphore_mem>>)
      %dma_wait3A_167 = tpu.memref_slice %arg3[%mul3A_80] : memref<81920xi32, #tpu.memory_space<hbm>> -> memref<5120xi32, #tpu.memory_space<hbm>>
      %dma_wait3A_168 = tpu.memref_slice %arg3[%mul3A_80] : memref<81920xi32, #tpu.memory_space<hbm>> -> memref<5120xi32, #tpu.memory_space<hbm>>
      tpu.wait_dma2 semaphore(%run_scoped3A_164 : memref<!tpu.dma_semaphore, #tpu.memory_space<semaphore_mem>>) src(%dma_wait3A_168 : memref<5120xi32, #tpu.memory_space<hbm>>) dst(%arg10 : memref<5120xi32, #tpu.memory_space<vmem>>)
      tpu.yield
    }) : () -> ()
    "tpu.region"() ({
      %run_scoped3A_164 = tpu.sem_alloc : memref<!tpu.dma_semaphore, #tpu.memory_space<semaphore_mem>>
      %dma_start3A_165 = arith.constant 0 : i32
      %dma_start3A_166 = arith.constant 0 : i32
      %dma_start3A_167 = tpu.memref_slice %arg4[%arg1, %dma_start3A_165, %dma_start3A_166] : memref<16x80x64xi32, #tpu.memory_space<hbm>> -> memref<1x80x64xi32, #tpu.memory_space<hbm>>
      %dma_start3A_168 = tpu.memref_squeeze %dma_start3A_167 : memref<1x80x64xi32, #tpu.memory_space<hbm>> -> memref<80x64xi32, #tpu.memory_space<hbm>>
      %dma_start3A_169 = arith.constant 0 : i32
      %dma_start3A_170 = arith.constant 0 : i32
      %dma_start3A_171 = tpu.memref_slice %arg4[%arg1, %dma_start3A_169, %dma_start3A_170] : memref<16x80x64xi32, #tpu.memory_space<hbm>> -> memref<1x80x64xi32, #tpu.memory_space<hbm>>
      %dma_start3A_172 = tpu.memref_squeeze %dma_start3A_171 : memref<1x80x64xi32, #tpu.memory_space<hbm>> -> memref<80x64xi32, #tpu.memory_space<hbm>>
      tpu.enqueue_dma source(%dma_start3A_172 : memref<80x64xi32, #tpu.memory_space<hbm>>) target(%arg11 : memref<80x64xi32, #tpu.memory_space<vmem>>) target_semaphore(%run_scoped3A_164 : memref<!tpu.dma_semaphore, #tpu.memory_space<semaphore_mem>>)
      %dma_wait3A_173 = arith.constant 0 : i32
      %dma_wait3A_174 = arith.constant 0 : i32
      %dma_wait3A_175 = tpu.memref_slice %arg4[%arg1, %dma_wait3A_173, %dma_wait3A_174] : memref<16x80x64xi32, #tpu.memory_space<hbm>> -> memref<1x80x64xi32, #tpu.memory_space<hbm>>
      %dma_wait3A_176 = tpu.memref_squeeze %dma_wait3A_175 : memref<1x80x64xi32, #tpu.memory_space<hbm>> -> memref<80x64xi32, #tpu.memory_space<hbm>>
      %dma_wait3A_177 = arith.constant 0 : i32
      %dma_wait3A_178 = arith.constant 0 : i32
      %dma_wait3A_179 = tpu.memref_slice %arg4[%arg1, %dma_wait3A_177, %dma_wait3A_178] : memref<16x80x64xi32, #tpu.memory_space<hbm>> -> memref<1x80x64xi32, #tpu.memory_space<hbm>>
      %dma_wait3A_180 = tpu.memref_squeeze %dma_wait3A_179 : memref<1x80x64xi32, #tpu.memory_space<hbm>> -> memref<80x64xi32, #tpu.memory_space<hbm>>
      tpu.wait_dma2 semaphore(%run_scoped3A_164 : memref<!tpu.dma_semaphore, #tpu.memory_space<semaphore_mem>>) src(%dma_wait3A_180 : memref<80x64xi32, #tpu.memory_space<hbm>>) dst(%arg11 : memref<80x64xi32, #tpu.memory_space<vmem>>)
      tpu.yield
    }) : () -> ()
    %scan3A_81 = arith.constant 0 : i32
    %scan3A_82 = arith.constant 128 : i32
    %scan3A_83 = arith.addi %scan3A_81, %scan3A_82 : i32
    %scan3A_84 = arith.constant 1 : i32
    scf.for %scan3A_164 = %scan3A_81 to %scan3A_83 step %scan3A_84  : i32 {
      %mul3A_165 = arith.constant 8 : i32
      %mul3A_166 = arith.muli %scan3A_164, %mul3A_165 : i32
      %add3A_167 = arith.constant 0 : i32
      %add3A_168 = arith.addi %mul3A_166, %add3A_167 : i32
      %jit3A = arith.constant 16 : i32
      %div3A = arith.divsi %add3A_168, %jit3A : i32
      %sign3A = arith.constant 0 : i32
      %sign3A_169 = arith.cmpi sgt, %add3A_168, %sign3A : i32
      %sign3A_170 = arith.extui %sign3A_169 : i1 to i32
      %sign3A_171 = arith.constant 0 : i32
      %sign3A_172 = arith.cmpi slt, %add3A_168, %sign3A_171 : i32
      %sign3A_173 = arith.extui %sign3A_172 : i1 to i32
      %sign3A_174 = arith.subi %sign3A_170, %sign3A_173 : i32
      %sign3A_175 = arith.constant 0 : i32
      %sign3A_176 = arith.cmpi sgt, %jit3A, %sign3A_175 : i32
      %sign3A_177 = arith.extui %sign3A_176 : i1 to i32
      %sign3A_178 = arith.constant 0 : i32
      %sign3A_179 = arith.cmpi slt, %jit3A, %sign3A_178 : i32
      %sign3A_180 = arith.extui %sign3A_179 : i1 to i32
      %sign3A_181 = arith.subi %sign3A_177, %sign3A_180 : i32
      %ne3A = arith.cmpi ne, %sign3A_174, %sign3A_181 : i32
      %rem3A = arith.remsi %add3A_168, %jit3A : i32
      %ne3A_182 = arith.constant 0 : i32
      %ne3A_183 = arith.cmpi ne, %rem3A, %ne3A_182 : i32
      %and3A = arith.andi %ne3A, %ne3A_183 : i1
      %sub3A = arith.constant 1 : i32
      %sub3A_184 = arith.subi %div3A, %sub3A : i32
      %select_n3A = arith.select %and3A, %sub3A_184, %div3A : i32
      %jit3A_185 = arith.constant 16 : i32
      %eq3A = arith.constant 0 : i32
      %eq3A_186 = arith.cmpi eq, %jit3A_185, %eq3A : i32
      %jit3A_187 = arith.constant 1 : i32
      %select_n3A_188 = arith.select %eq3A_186, %jit3A_187, %jit3A_185 : i32
      %rem3A_189 = arith.remsi %add3A_168, %select_n3A_188 : i32
      %ne3A_190 = arith.constant 0 : i32
      %ne3A_191 = arith.cmpi ne, %rem3A_189, %ne3A_190 : i32
      %lt3A = arith.constant 0 : i32
      %lt3A_192 = arith.cmpi slt, %rem3A_189, %lt3A : i32
      %lt3A_193 = arith.constant 0 : i32
      %lt3A_194 = arith.cmpi slt, %select_n3A_188, %lt3A_193 : i32
      %ne3A_195 = arith.xori %lt3A_192, %lt3A_194 : i1
      %and3A_196 = arith.andi %ne3A_195, %ne3A_191 : i1
      %add3A_197 = arith.addi %rem3A_189, %select_n3A_188 : i32
      %select_n3A_198 = arith.select %and3A_196, %add3A_197, %rem3A_189 : i32
      %jit3A_199 = arith.constant 8 : i32
      %div3A_200 = arith.divsi %select_n3A_198, %jit3A_199 : i32
      %sign3A_201 = arith.constant 0 : i32
      %sign3A_202 = arith.cmpi sgt, %select_n3A_198, %sign3A_201 : i32
      %sign3A_203 = arith.extui %sign3A_202 : i1 to i32
      %sign3A_204 = arith.constant 0 : i32
      %sign3A_205 = arith.cmpi slt, %select_n3A_198, %sign3A_204 : i32
      %sign3A_206 = arith.extui %sign3A_205 : i1 to i32
      %sign3A_207 = arith.subi %sign3A_203, %sign3A_206 : i32
      %sign3A_208 = arith.constant 0 : i32
      %sign3A_209 = arith.cmpi sgt, %jit3A_199, %sign3A_208 : i32
      %sign3A_210 = arith.extui %sign3A_209 : i1 to i32
      %sign3A_211 = arith.constant 0 : i32
      %sign3A_212 = arith.cmpi slt, %jit3A_199, %sign3A_211 : i32
      %sign3A_213 = arith.extui %sign3A_212 : i1 to i32
      %sign3A_214 = arith.subi %sign3A_210, %sign3A_213 : i32
      %ne3A_215 = arith.cmpi ne, %sign3A_207, %sign3A_214 : i32
      %rem3A_216 = arith.remsi %select_n3A_198, %jit3A_199 : i32
      %ne3A_217 = arith.constant 0 : i32
      %ne3A_218 = arith.cmpi ne, %rem3A_216, %ne3A_217 : i32
      %and3A_219 = arith.andi %ne3A_215, %ne3A_218 : i1
      %sub3A_220 = arith.constant 1 : i32
      %sub3A_221 = arith.subi %div3A_200, %sub3A_220 : i32
      %select_n3A_222 = arith.select %and3A_219, %sub3A_221, %div3A_200 : i32
      %jit3A_223 = arith.constant 16 : i32
      %eq3A_224 = arith.constant 0 : i32
      %eq3A_225 = arith.cmpi eq, %jit3A_223, %eq3A_224 : i32
      %jit3A_226 = arith.constant 1 : i32
      %select_n3A_227 = arith.select %eq3A_225, %jit3A_226, %jit3A_223 : i32
      %rem3A_228 = arith.remsi %add3A_168, %select_n3A_227 : i32
      %ne3A_229 = arith.constant 0 : i32
      %ne3A_230 = arith.cmpi ne, %rem3A_228, %ne3A_229 : i32
      %lt3A_231 = arith.constant 0 : i32
      %lt3A_232 = arith.cmpi slt, %rem3A_228, %lt3A_231 : i32
      %lt3A_233 = arith.constant 0 : i32
      %lt3A_234 = arith.cmpi slt, %select_n3A_227, %lt3A_233 : i32
      %ne3A_235 = arith.xori %lt3A_232, %lt3A_234 : i1
      %and3A_236 = arith.andi %ne3A_235, %ne3A_230 : i1
      %add3A_237 = arith.addi %rem3A_228, %select_n3A_227 : i32
      %select_n3A_238 = arith.select %and3A_236, %add3A_237, %rem3A_228 : i32
      %jit3A_239 = arith.constant 8 : i32
      %eq3A_240 = arith.constant 0 : i32
      %eq3A_241 = arith.cmpi eq, %jit3A_239, %eq3A_240 : i32
      %jit3A_242 = arith.constant 1 : i32
      %select_n3A_243 = arith.select %eq3A_241, %jit3A_242, %jit3A_239 : i32
      %rem3A_244 = arith.remsi %select_n3A_238, %select_n3A_243 : i32
      %ne3A_245 = arith.constant 0 : i32
      %ne3A_246 = arith.cmpi ne, %rem3A_244, %ne3A_245 : i32
      %lt3A_247 = arith.constant 0 : i32
      %lt3A_248 = arith.cmpi slt, %rem3A_244, %lt3A_247 : i32
      %lt3A_249 = arith.constant 0 : i32
      %lt3A_250 = arith.cmpi slt, %select_n3A_243, %lt3A_249 : i32
      %ne3A_251 = arith.xori %lt3A_248, %lt3A_250 : i1
      %and3A_252 = arith.andi %ne3A_251, %ne3A_246 : i1
      %add3A_253 = arith.addi %rem3A_244, %select_n3A_243 : i32
      %select_n3A_254 = arith.select %and3A_252, %add3A_253, %rem3A_244 : i32
      %mul3A_255 = arith.constant 16 : i32
      %mul3A_256 = arith.muli %select_n3A_254, %mul3A_255 : i32
      %swap3A = arith.index_cast %select_n3A : i32 to index
      %swap3A_257 = arith.index_cast %select_n3A_222 : i32 to index
      %swap3A_258 = arith.index_cast %mul3A_256 : i32 to index
      %swap3A_259 = tpu.vector_load %arg12[%swap3A, %swap3A_257, %swap3A_258] {strides = array<i32>} : memref<64x2x128xf32, #tpu.memory_space<vmem>>, vector<16xf32>,
      tpu.vector_store %arg12[%swap3A, %swap3A_257, %swap3A_258], %broadcast_in_dim3A_0 {strides = array<i32>} : memref<64x2x128xf32, #tpu.memory_space<vmem>>, vector<16xf32>,
      %mul3A_260 = arith.constant 8 : i32
      %mul3A_261 = arith.muli %scan3A_164, %mul3A_260 : i32
      %add3A_262 = arith.constant 1 : i32
      %add3A_263 = arith.addi %mul3A_261, %add3A_262 : i32
      %jit3A_264 = arith.constant 16 : i32
      %div3A_265 = arith.divsi %add3A_263, %jit3A_264 : i32
      %sign3A_266 = arith.constant 0 : i32
      %sign3A_267 = arith.cmpi sgt, %add3A_263, %sign3A_266 : i32
      %sign3A_268 = arith.extui %sign3A_267 : i1 to i32
      %sign3A_269 = arith.constant 0 : i32
      %sign3A_270 = arith.cmpi slt, %add3A_263, %sign3A_269 : i32
      %sign3A_271 = arith.extui %sign3A_270 : i1 to i32
      %sign3A_272 = arith.subi %sign3A_268, %sign3A_271 : i32
      %sign3A_273 = arith.constant 0 : i32
      %sign3A_274 = arith.cmpi sgt, %jit3A_264, %sign3A_273 : i32
      %sign3A_275 = arith.extui %sign3A_274 : i1 to i32
      %sign3A_276 = arith.constant 0 : i32
      %sign3A_277 = arith.cmpi slt, %jit3A_264, %sign3A_276 : i32
      %sign3A_278 = arith.extui %sign3A_277 : i1 to i32
      %sign3A_279 = arith.subi %sign3A_275, %sign3A_278 : i32
      %ne3A_280 = arith.cmpi ne, %sign3A_272, %sign3A_279 : i32
      %rem3A_281 = arith.remsi %add3A_263, %jit3A_264 : i32
      %ne3A_282 = arith.constant 0 : i32
      %ne3A_283 = arith.cmpi ne, %rem3A_281, %ne3A_282 : i32
      %and3A_284 = arith.andi %ne3A_280, %ne3A_283 : i1
      %sub3A_285 = arith.constant 1 : i32
      %sub3A_286 = arith.subi %div3A_265, %sub3A_285 : i32
      %select_n3A_287 = arith.select %and3A_284, %sub3A_286, %div3A_265 : i32
      %jit3A_288 = arith.constant 16 : i32
      %eq3A_289 = arith.constant 0 : i32
      %eq3A_290 = arith.cmpi eq, %jit3A_288, %eq3A_289 : i32
      %jit3A_291 = arith.constant 1 : i32
      %select_n3A_292 = arith.select %eq3A_290, %jit3A_291, %jit3A_288 : i32
      %rem3A_293 = arith.remsi %add3A_263, %select_n3A_292 : i32
      %ne3A_294 = arith.constant 0 : i32
      %ne3A_295 = arith.cmpi ne, %rem3A_293, %ne3A_294 : i32
      %lt3A_296 = arith.constant 0 : i32
      %lt3A_297 = arith.cmpi slt, %rem3A_293, %lt3A_296 : i32
      %lt3A_298 = arith.constant 0 : i32
      %lt3A_299 = arith.cmpi slt, %select_n3A_292, %lt3A_298 : i32
      %ne3A_300 = arith.xori %lt3A_297, %lt3A_299 : i1
      %and3A_301 = arith.andi %ne3A_300, %ne3A_295 : i1
      %add3A_302 = arith.addi %rem3A_293, %select_n3A_292 : i32
      %select_n3A_303 = arith.select %and3A_301, %add3A_302, %rem3A_293 : i32
      %jit3A_304 = arith.constant 8 : i32
      %div3A_305 = arith.divsi %select_n3A_303, %jit3A_304 : i32
      %sign3A_306 = arith.constant 0 : i32
      %sign3A_307 = arith.cmpi sgt, %select_n3A_303, %sign3A_306 : i32
      %sign3A_308 = arith.extui %sign3A_307 : i1 to i32
      %sign3A_309 = arith.constant 0 : i32
      %sign3A_310 = arith.cmpi slt, %select_n3A_303, %sign3A_309 : i32
      %sign3A_311 = arith.extui %sign3A_310 : i1 to i32
      %sign3A_312 = arith.subi %sign3A_308, %sign3A_311 : i32
      %sign3A_313 = arith.constant 0 : i32
      %sign3A_314 = arith.cmpi sgt, %jit3A_304, %sign3A_313 : i32
      %sign3A_315 = arith.extui %sign3A_314 : i1 to i32
      %sign3A_316 = arith.constant 0 : i32
      %sign3A_317 = arith.cmpi slt, %jit3A_304, %sign3A_316 : i32
      %sign3A_318 = arith.extui %sign3A_317 : i1 to i32
      %sign3A_319 = arith.subi %sign3A_315, %sign3A_318 : i32
      %ne3A_320 = arith.cmpi ne, %sign3A_312, %sign3A_319 : i32
      %rem3A_321 = arith.remsi %select_n3A_303, %jit3A_304 : i32
      %ne3A_322 = arith.constant 0 : i32
      %ne3A_323 = arith.cmpi ne, %rem3A_321, %ne3A_322 : i32
      %and3A_324 = arith.andi %ne3A_320, %ne3A_323 : i1
      %sub3A_325 = arith.constant 1 : i32
      %sub3A_326 = arith.subi %div3A_305, %sub3A_325 : i32
      %select_n3A_327 = arith.select %and3A_324, %sub3A_326, %div3A_305 : i32
      %jit3A_328 = arith.constant 16 : i32
      %eq3A_329 = arith.constant 0 : i32
      %eq3A_330 = arith.cmpi eq, %jit3A_328, %eq3A_329 : i32
      %jit3A_331 = arith.constant 1 : i32
      %select_n3A_332 = arith.select %eq3A_330, %jit3A_331, %jit3A_328 : i32
      %rem3A_333 = arith.remsi %add3A_263, %select_n3A_332 : i32
      %ne3A_334 = arith.constant 0 : i32
      %ne3A_335 = arith.cmpi ne, %rem3A_333, %ne3A_334 : i32
      %lt3A_336 = arith.constant 0 : i32
      %lt3A_337 = arith.cmpi slt, %rem3A_333, %lt3A_336 : i32
      %lt3A_338 = arith.constant 0 : i32
      %lt3A_339 = arith.cmpi slt, %select_n3A_332, %lt3A_338 : i32
      %ne3A_340 = arith.xori %lt3A_337, %lt3A_339 : i1
      %and3A_341 = arith.andi %ne3A_340, %ne3A_335 : i1
      %add3A_342 = arith.addi %rem3A_333, %select_n3A_332 : i32
      %select_n3A_343 = arith.select %and3A_341, %add3A_342, %rem3A_333 : i32
      %jit3A_344 = arith.constant 8 : i32
      %eq3A_345 = arith.constant 0 : i32
      %eq3A_346 = arith.cmpi eq, %jit3A_344, %eq3A_345 : i32
      %jit3A_347 = arith.constant 1 : i32
      %select_n3A_348 = arith.select %eq3A_346, %jit3A_347, %jit3A_344 : i32
      %rem3A_349 = arith.remsi %select_n3A_343, %select_n3A_348 : i32
      %ne3A_350 = arith.constant 0 : i32
      %ne3A_351 = arith.cmpi ne, %rem3A_349, %ne3A_350 : i32
      %lt3A_352 = arith.constant 0 : i32
      %lt3A_353 = arith.cmpi slt, %rem3A_349, %lt3A_352 : i32
      %lt3A_354 = arith.constant 0 : i32
      %lt3A_355 = arith.cmpi slt, %select_n3A_348, %lt3A_354 : i32
      %ne3A_356 = arith.xori %lt3A_353, %lt3A_355 : i1
      %and3A_357 = arith.andi %ne3A_356, %ne3A_351 : i1
      %add3A_358 = arith.addi %rem3A_349, %select_n3A_348 : i32
      %select_n3A_359 = arith.select %and3A_357, %add3A_358, %rem3A_349 : i32
      %mul3A_360 = arith.constant 16 : i32
      %mul3A_361 = arith.muli %select_n3A_359, %mul3A_360 : i32
      %swap3A_362 = arith.index_cast %select_n3A_287 : i32 to index
      %swap3A_363 = arith.index_cast %select_n3A_327 : i32 to index
      %swap3A_364 = arith.index_cast %mul3A_361 : i32 to index
      %swap3A_365 = tpu.vector_load %arg12[%swap3A_362, %swap3A_363, %swap3A_364] {strides = array<i32>} : memref<64x2x128xf32, #tpu.memory_space<vmem>>, vector<16xf32>,
      tpu.vector_store %arg12[%swap3A_362, %swap3A_363, %swap3A_364], %broadcast_in_dim3A_0 {strides = array<i32>} : memref<64x2x128xf32, #tpu.memory_space<vmem>>, vector<16xf32>,
      %mul3A_366 = arith.constant 8 : i32
      %mul3A_367 = arith.muli %scan3A_164, %mul3A_366 : i32
      %add3A_368 = arith.constant 2 : i32
      %add3A_369 = arith.addi %mul3A_367, %add3A_368 : i32
      %jit3A_370 = arith.constant 16 : i32
      %div3A_371 = arith.divsi %add3A_369, %jit3A_370 : i32
      %sign3A_372 = arith.constant 0 : i32
      %sign3A_373 = arith.cmpi sgt, %add3A_369, %sign3A_372 : i32
      %sign3A_374 = arith.extui %sign3A_373 : i1 to i32
      %sign3A_375 = arith.constant 0 : i32
      %sign3A_376 = arith.cmpi slt, %add3A_369, %sign3A_375 : i32
      %sign3A_377 = arith.extui %sign3A_376 : i1 to i32
      %sign3A_378 = arith.subi %sign3A_374, %sign3A_377 : i32
      %sign3A_379 = arith.constant 0 : i32
      %sign3A_380 = arith.cmpi sgt, %jit3A_370, %sign3A_379 : i32
      %sign3A_381 = arith.extui %sign3A_380 : i1 to i32
      %sign3A_382 = arith.constant 0 : i32
      %sign3A_383 = arith.cmpi slt, %jit3A_370, %sign3A_382 : i32
      %sign3A_384 = arith.extui %sign3A_383 : i1 to i32
      %sign3A_385 = arith.subi %sign3A_381, %sign3A_384 : i32
      %ne3A_386 = arith.cmpi ne, %sign3A_378, %sign3A_385 : i32
      %rem3A_387 = arith.remsi %add3A_369, %jit3A_370 : i32
      %ne3A_388 = arith.constant 0 : i32
      %ne3A_389 = arith.cmpi ne, %rem3A_387, %ne3A_388 : i32
      %and3A_390 = arith.andi %ne3A_386, %ne3A_389 : i1
      %sub3A_391 = arith.constant 1 : i32
      %sub3A_392 = arith.subi %div3A_371, %sub3A_391 : i32
      %select_n3A_393 = arith.select %and3A_390, %sub3A_392, %div3A_371 : i32
      %jit3A_394 = arith.constant 16 : i32
      %eq3A_395 = arith.constant 0 : i32
      %eq3A_396 = arith.cmpi eq, %jit3A_394, %eq3A_395 : i32
      %jit3A_397 = arith.constant 1 : i32
      %select_n3A_398 = arith.select %eq3A_396, %jit3A_397, %jit3A_394 : i32
      %rem3A_399 = arith.remsi %add3A_369, %select_n3A_398 : i32
      %ne3A_400 = arith.constant 0 : i32
      %ne3A_401 = arith.cmpi ne, %rem3A_399, %ne3A_400 : i32
      %lt3A_402 = arith.constant 0 : i32
      %lt3A_403 = arith.cmpi slt, %rem3A_399, %lt3A_402 : i32
      %lt3A_404 = arith.constant 0 : i32
      %lt3A_405 = arith.cmpi slt, %select_n3A_398, %lt3A_404 : i32
      %ne3A_406 = arith.xori %lt3A_403, %lt3A_405 : i1
      %and3A_407 = arith.andi %ne3A_406, %ne3A_401 : i1
      %add3A_408 = arith.addi %rem3A_399, %select_n3A_398 : i32
      %select_n3A_409 = arith.select %and3A_407, %add3A_408, %rem3A_399 : i32
      %jit3A_410 = arith.constant 8 : i32
      %div3A_411 = arith.divsi %select_n3A_409, %jit3A_410 : i32
      %sign3A_412 = arith.constant 0 : i32
      %sign3A_413 = arith.cmpi sgt, %select_n3A_409, %sign3A_412 : i32
      %sign3A_414 = arith.extui %sign3A_413 : i1 to i32
      %sign3A_415 = arith.constant 0 : i32
      %sign3A_416 = arith.cmpi slt, %select_n3A_409, %sign3A_415 : i32
      %sign3A_417 = arith.extui %sign3A_416 : i1 to i32
      %sign3A_418 = arith.subi %sign3A_414, %sign3A_417 : i32
      %sign3A_419 = arith.constant 0 : i32
      %sign3A_420 = arith.cmpi sgt, %jit3A_410, %sign3A_419 : i32
      %sign3A_421 = arith.extui %sign3A_420 : i1 to i32
      %sign3A_422 = arith.constant 0 : i32
      %sign3A_423 = arith.cmpi slt, %jit3A_410, %sign3A_422 : i32
      %sign3A_424 = arith.extui %sign3A_423 : i1 to i32
      %sign3A_425 = arith.subi %sign3A_421, %sign3A_424 : i32
      %ne3A_426 = arith.cmpi ne, %sign3A_418, %sign3A_425 : i32
      %rem3A_427 = arith.remsi %select_n3A_409, %jit3A_410 : i32
      %ne3A_428 = arith.constant 0 : i32
      %ne3A_429 = arith.cmpi ne, %rem3A_427, %ne3A_428 : i32
      %and3A_430 = arith.andi %ne3A_426, %ne3A_429 : i1
      %sub3A_431 = arith.constant 1 : i32
      %sub3A_432 = arith.subi %div3A_411, %sub3A_431 : i32
      %select_n3A_433 = arith.select %and3A_430, %sub3A_432, %div3A_411 : i32
      %jit3A_434 = arith.constant 16 : i32
      %eq3A_435 = arith.constant 0 : i32
      %eq3A_436 = arith.cmpi eq, %jit3A_434, %eq3A_435 : i32
      %jit3A_437 = arith.constant 1 : i32
      %select_n3A_438 = arith.select %eq3A_436, %jit3A_437, %jit3A_434 : i32
      %rem3A_439 = arith.remsi %add3A_369, %select_n3A_438 : i32
      %ne3A_440 = arith.constant 0 : i32
      %ne3A_441 = arith.cmpi ne, %rem3A_439, %ne3A_440 : i32
      %lt3A_442 = arith.constant 0 : i32
      %lt3A_443 = arith.cmpi slt, %rem3A_439, %lt3A_442 : i32
      %lt3A_444 = arith.constant 0 : i32
      %lt3A_445 = arith.cmpi slt, %select_n3A_438, %lt3A_444 : i32
      %ne3A_446 = arith.xori %lt3A_443, %lt3A_445 : i1
      %and3A_447 = arith.andi %ne3A_446, %ne3A_441 : i1
      %add3A_448 = arith.addi %rem3A_439, %select_n3A_438 : i32
      %select_n3A_449 = arith.select %and3A_447, %add3A_448, %rem3A_439 : i32
      %jit3A_450 = arith.constant 8 : i32
      %eq3A_451 = arith.constant 0 : i32
      %eq3A_452 = arith.cmpi eq, %jit3A_450, %eq3A_451 : i32
      %jit3A_453 = arith.constant 1 : i32
      %select_n3A_454 = arith.select %eq3A_452, %jit3A_453, %jit3A_450 : i32
      %rem3A_455 = arith.remsi %select_n3A_449, %select_n3A_454 : i32
      %ne3A_456 = arith.constant 0 : i32
      %ne3A_457 = arith.cmpi ne, %rem3A_455, %ne3A_456 : i32
      %lt3A_458 = arith.constant 0 : i32
      %lt3A_459 = arith.cmpi slt, %rem3A_455, %lt3A_458 : i32
      %lt3A_460 = arith.constant 0 : i32
      %lt3A_461 = arith.cmpi slt, %select_n3A_454, %lt3A_460 : i32
      %ne3A_462 = arith.xori %lt3A_459, %lt3A_461 : i1
      %and3A_463 = arith.andi %ne3A_462, %ne3A_457 : i1
      %add3A_464 = arith.addi %rem3A_455, %select_n3A_454 : i32
      %select_n3A_465 = arith.select %and3A_463, %add3A_464, %rem3A_455 : i32
      %mul3A_466 = arith.constant 16 : i32
      %mul3A_467 = arith.muli %select_n3A_465, %mul3A_466 : i32
      %swap3A_468 = arith.index_cast %select_n3A_393 : i32 to index
      %swap3A_469 = arith.index_cast %select_n3A_433 : i32 to index
      %swap3A_470 = arith.index_cast %mul3A_467 : i32 to index
      %swap3A_471 = tpu.vector_load %arg12[%swap3A_468, %swap3A_469, %swap3A_470] {strides = array<i32>} : memref<64x2x128xf32, #tpu.memory_space<vmem>>, vector<16xf32>,
      tpu.vector_store %arg12[%swap3A_468, %swap3A_469, %swap3A_470], %broadcast_in_dim3A_0 {strides = array<i32>} : memref<64x2x128xf32, #tpu.memory_space<vmem>>, vector<16xf32>,
      %mul3A_472 = arith.constant 8 : i32
      %mul3A_473 = arith.muli %scan3A_164, %mul3A_472 : i32
      %add3A_474 = arith.constant 3 : i32
      %add3A_475 = arith.addi %mul3A_473, %add3A_474 : i32
      %jit3A_476 = arith.constant 16 : i32
      %div3A_477 = arith.divsi %add3A_475, %jit3A_476 : i32
      %sign3A_478 = arith.constant 0 : i32
      %sign3A_479 = arith.cmpi sgt, %add3A_475, %sign3A_478 : i32
      %sign3A_480 = arith.extui %sign3A_479 : i1 to i32
      %sign3A_481 = arith.constant 0 : i32
      %sign3A_482 = arith.cmpi slt, %add3A_475, %sign3A_481 : i32
      %sign3A_483 = arith.extui %sign3A_482 : i1 to i32
      %sign3A_484 = arith.subi %sign3A_480, %sign3A_483 : i32
      %sign3A_485 = arith.constant 0 : i32
      %sign3A_486 = arith.cmpi sgt, %jit3A_476, %sign3A_485 : i32
      %sign3A_487 = arith.extui %sign3A_486 : i1 to i32
      %sign3A_488 = arith.constant 0 : i32
      %sign3A_489 = arith.cmpi slt, %jit3A_476, %sign3A_488 : i32
      %sign3A_490 = arith.extui %sign3A_489 : i1 to i32
      %sign3A_491 = arith.subi %sign3A_487, %sign3A_490 : i32
      %ne3A_492 = arith.cmpi ne, %sign3A_484, %sign3A_491 : i32
      %rem3A_493 = arith.remsi %add3A_475, %jit3A_476 : i32
      %ne3A_494 = arith.constant 0 : i32
      %ne3A_495 = arith.cmpi ne, %rem3A_493, %ne3A_494 : i32
      %and3A_496 = arith.andi %ne3A_492, %ne3A_495 : i1
      %sub3A_497 = arith.constant 1 : i32
      %sub3A_498 = arith.subi %div3A_477, %sub3A_497 : i32
      %select_n3A_499 = arith.select %and3A_496, %sub3A_498, %div3A_477 : i32
      %jit3A_500 = arith.constant 16 : i32
      %eq3A_501 = arith.constant 0 : i32
      %eq3A_502 = arith.cmpi eq, %jit3A_500, %eq3A_501 : i32
      %jit3A_503 = arith.constant 1 : i32
      %select_n3A_504 = arith.select %eq3A_502, %jit3A_503, %jit3A_500 : i32
      %rem3A_505 = arith.remsi %add3A_475, %select_n3A_504 : i32
      %ne3A_506 = arith.constant 0 : i32
      %ne3A_507 = arith.cmpi ne, %rem3A_505, %ne3A_506 : i32
      %lt3A_508 = arith.constant 0 : i32
      %lt3A_509 = arith.cmpi slt, %rem3A_505, %lt3A_508 : i32
      %lt3A_510 = arith.constant 0 : i32
      %lt3A_511 = arith.cmpi slt, %select_n3A_504, %lt3A_510 : i32
      %ne3A_512 = arith.xori %lt3A_509, %lt3A_511 : i1
      %and3A_513 = arith.andi %ne3A_512, %ne3A_507 : i1
      %add3A_514 = arith.addi %rem3A_505, %select_n3A_504 : i32
      %select_n3A_515 = arith.select %and3A_513, %add3A_514, %rem3A_505 : i32
      %jit3A_516 = arith.constant 8 : i32
      %div3A_517 = arith.divsi %select_n3A_515, %jit3A_516 : i32
      %sign3A_518 = arith.constant 0 : i32
      %sign3A_519 = arith.cmpi sgt, %select_n3A_515, %sign3A_518 : i32
      %sign3A_520 = arith.extui %sign3A_519 : i1 to i32
      %sign3A_521 = arith.constant 0 : i32
      %sign3A_522 = arith.cmpi slt, %select_n3A_515, %sign3A_521 : i32
      %sign3A_523 = arith.extui %sign3A_522 : i1 to i32
      %sign3A_524 = arith.subi %sign3A_520, %sign3A_523 : i32
      %sign3A_525 = arith.constant 0 : i32
      %sign3A_526 = arith.cmpi sgt, %jit3A_516, %sign3A_525 : i32
      %sign3A_527 = arith.extui %sign3A_526 : i1 to i32
      %sign3A_528 = arith.constant 0 : i32
      %sign3A_529 = arith.cmpi slt, %jit3A_516, %sign3A_528 : i32
      %sign3A_530 = arith.extui %sign3A_529 : i1 to i32
      %sign3A_531 = arith.subi %sign3A_527, %sign3A_530 : i32
      %ne3A_532 = arith.cmpi ne, %sign3A_524, %sign3A_531 : i32
      %rem3A_533 = arith.remsi %select_n3A_515, %jit3A_516 : i32
      %ne3A_534 = arith.constant 0 : i32
      %ne3A_535 = arith.cmpi ne, %rem3A_533, %ne3A_534 : i32
      %and3A_536 = arith.andi %ne3A_532, %ne3A_535 : i1
      %sub3A_537 = arith.constant 1 : i32
      %sub3A_538 = arith.subi %div3A_517, %sub3A_537 : i32
      %select_n3A_539 = arith.select %and3A_536, %sub3A_538, %div3A_517 : i32
      %jit3A_540 = arith.constant 16 : i32
      %eq3A_541 = arith.constant 0 : i32
      %eq3A_542 = arith.cmpi eq, %jit3A_540, %eq3A_541 : i32
      %jit3A_543 = arith.constant 1 : i32
      %select_n3A_544 = arith.select %eq3A_542, %jit3A_543, %jit3A_540 : i32
      %rem3A_545 = arith.remsi %add3A_475, %select_n3A_544 : i32
      %ne3A_546 = arith.constant 0 : i32
      %ne3A_547 = arith.cmpi ne, %rem3A_545, %ne3A_546 : i32
      %lt3A_548 = arith.constant 0 : i32
      %lt3A_549 = arith.cmpi slt, %rem3A_545, %lt3A_548 : i32
      %lt3A_550 = arith.constant 0 : i32
      %lt3A_551 = arith.cmpi slt, %select_n3A_544, %lt3A_550 : i32
      %ne3A_552 = arith.xori %lt3A_549, %lt3A_551 : i1
      %and3A_553 = arith.andi %ne3A_552, %ne3A_547 : i1
      %add3A_554 = arith.addi %rem3A_545, %select_n3A_544 : i32
      %select_n3A_555 = arith.select %and3A_553, %add3A_554, %rem3A_545 : i32
      %jit3A_556 = arith.constant 8 : i32
      %eq3A_557 = arith.constant 0 : i32
      %eq3A_558 = arith.cmpi eq, %jit3A_556, %eq3A_557 : i32
      %jit3A_559 = arith.constant 1 : i32
      %select_n3A_560 = arith.select %eq3A_558, %jit3A_559, %jit3A_556 : i32
      %rem3A_561 = arith.remsi %select_n3A_555, %select_n3A_560 : i32
      %ne3A_562 = arith.constant 0 : i32
      %ne3A_563 = arith.cmpi ne, %rem3A_561, %ne3A_562 : i32
      %lt3A_564 = arith.constant 0 : i32
      %lt3A_565 = arith.cmpi slt, %rem3A_561, %lt3A_564 : i32
      %lt3A_566 = arith.constant 0 : i32
      %lt3A_567 = arith.cmpi slt, %select_n3A_560, %lt3A_566 : i32
      %ne3A_568 = arith.xori %lt3A_565, %lt3A_567 : i1
      %and3A_569 = arith.andi %ne3A_568, %ne3A_563 : i1
      %add3A_570 = arith.addi %rem3A_561, %select_n3A_560 : i32
      %select_n3A_571 = arith.select %and3A_569, %add3A_570, %rem3A_561 : i32
      %mul3A_572 = arith.constant 16 : i32
      %mul3A_573 = arith.muli %select_n3A_571, %mul3A_572 : i32
      %swap3A_574 = arith.index_cast %select_n3A_499 : i32 to index
      %swap3A_575 = arith.index_cast %select_n3A_539 : i32 to index
      %swap3A_576 = arith.index_cast %mul3A_573 : i32 to index
      %swap3A_577 = tpu.vector_load %arg12[%swap3A_574, %swap3A_575, %swap3A_576] {strides = array<i32>} : memref<64x2x128xf32, #tpu.memory_space<vmem>>, vector<16xf32>,
      tpu.vector_store %arg12[%swap3A_574, %swap3A_575, %swap3A_576], %broadcast_in_dim3A_0 {strides = array<i32>} : memref<64x2x128xf32, #tpu.memory_space<vmem>>, vector<16xf32>,
      %mul3A_578 = arith.constant 8 : i32
      %mul3A_579 = arith.muli %scan3A_164, %mul3A_578 : i32
      %add3A_580 = arith.constant 4 : i32
      %add3A_581 = arith.addi %mul3A_579, %add3A_580 : i32
      %jit3A_582 = arith.constant 16 : i32
      %div3A_583 = arith.divsi %add3A_581, %jit3A_582 : i32
      %sign3A_584 = arith.constant 0 : i32
      %sign3A_585 = arith.cmpi sgt, %add3A_581, %sign3A_584 : i32
      %sign3A_586 = arith.extui %sign3A_585 : i1 to i32
      %sign3A_587 = arith.constant 0 : i32
      %sign3A_588 = arith.cmpi slt, %add3A_581, %sign3A_587 : i32
      %sign3A_589 = arith.extui %sign3A_588 : i1 to i32
      %sign3A_590 = arith.subi %sign3A_586, %sign3A_589 : i32
      %sign3A_591 = arith.constant 0 : i32
      %sign3A_592 = arith.cmpi sgt, %jit3A_582, %sign3A_591 : i32
      %sign3A_593 = arith.extui %sign3A_592 : i1 to i32
      %sign3A_594 = arith.constant 0 : i32
      %sign3A_595 = arith.cmpi slt, %jit3A_582, %sign3A_594 : i32
      %sign3A_596 = arith.extui %sign3A_595 : i1 to i32
      %sign3A_597 = arith.subi %sign3A_593, %sign3A_596 : i32
      %ne3A_598 = arith.cmpi ne, %sign3A_590, %sign3A_597 : i32
      %rem3A_599 = arith.remsi %add3A_581, %jit3A_582 : i32
      %ne3A_600 = arith.constant 0 : i32
      %ne3A_601 = arith.cmpi ne, %rem3A_599, %ne3A_600 : i32
      %and3A_602 = arith.andi %ne3A_598, %ne3A_601 : i1
      %sub3A_603 = arith.constant 1 : i32
      %sub3A_604 = arith.subi %div3A_583, %sub3A_603 : i32
      %select_n3A_605 = arith.select %and3A_602, %sub3A_604, %div3A_583 : i32
      %jit3A_606 = arith.constant 16 : i32
      %eq3A_607 = arith.constant 0 : i32
      %eq3A_608 = arith.cmpi eq, %jit3A_606, %eq3A_607 : i32
      %jit3A_609 = arith.constant 1 : i32
      %select_n3A_610 = arith.select %eq3A_608, %jit3A_609, %jit3A_606 : i32
      %rem3A_611 = arith.remsi %add3A_581, %select_n3A_610 : i32
      %ne3A_612 = arith.constant 0 : i32
      %ne3A_613 = arith.cmpi ne, %rem3A_611, %ne3A_612 : i32
      %lt3A_614 = arith.constant 0 : i32
      %lt3A_615 = arith.cmpi slt, %rem3A_611, %lt3A_614 : i32
      %lt3A_616 = arith.constant 0 : i32
      %lt3A_617 = arith.cmpi slt, %select_n3A_610, %lt3A_616 : i32
      %ne3A_618 = arith.xori %lt3A_615, %lt3A_617 : i1
      %and3A_619 = arith.andi %ne3A_618, %ne3A_613 : i1
      %add3A_620 = arith.addi %rem3A_611, %select_n3A_610 : i32
      %select_n3A_621 = arith.select %and3A_619, %add3A_620, %rem3A_611 : i32
      %jit3A_622 = arith.constant 8 : i32
      %div3A_623 = arith.divsi %select_n3A_621, %jit3A_622 : i32
      %sign3A_624 = arith.constant 0 : i32
      %sign3A_625 = arith.cmpi sgt, %select_n3A_621, %sign3A_624 : i32
      %sign3A_626 = arith.extui %sign3A_625 : i1 to i32
      %sign3A_627 = arith.constant 0 : i32
      %sign3A_628 = arith.cmpi slt, %select_n3A_621, %sign3A_627 : i32
      %sign3A_629 = arith.extui %sign3A_628 : i1 to i32
      %sign3A_630 = arith.subi %sign3A_626, %sign3A_629 : i32
      %sign3A_631 = arith.constant 0 : i32
      %sign3A_632 = arith.cmpi sgt, %jit3A_622, %sign3A_631 : i32
      %sign3A_633 = arith.extui %sign3A_632 : i1 to i32
      %sign3A_634 = arith.constant 0 : i32
      %sign3A_635 = arith.cmpi slt, %jit3A_622, %sign3A_634 : i32
      %sign3A_636 = arith.extui %sign3A_635 : i1 to i32
      %sign3A_637 = arith.subi %sign3A_633, %sign3A_636 : i32
      %ne3A_638 = arith.cmpi ne, %sign3A_630, %sign3A_637 : i32
      %rem3A_639 = arith.remsi %select_n3A_621, %jit3A_622 : i32
      %ne3A_640 = arith.constant 0 : i32
      %ne3A_641 = arith.cmpi ne, %rem3A_639, %ne3A_640 : i32
      %and3A_642 = arith.andi %ne3A_638, %ne3A_641 : i1
      %sub3A_643 = arith.constant 1 : i32
      %sub3A_644 = arith.subi %div3A_623, %sub3A_643 : i32
      %select_n3A_645 = arith.select %and3A_642, %sub3A_644, %div3A_623 : i32
      %jit3A_646 = arith.constant 16 : i32
      %eq3A_647 = arith.constant 0 : i32
      %eq3A_648 = arith.cmpi eq, %jit3A_646, %eq3A_647 : i32
      %jit3A_649 = arith.constant 1 : i32
      %select_n3A_650 = arith.select %eq3A_648, %jit3A_649, %jit3A_646 : i32
      %rem3A_651 = arith.remsi %add3A_581, %select_n3A_650 : i32
      %ne3A_652 = arith.constant 0 : i32
      %ne3A_653 = arith.cmpi ne, %rem3A_651, %ne3A_652 : i32
      %lt3A_654 = arith.constant 0 : i32
      %lt3A_655 = arith.cmpi slt, %rem3A_651, %lt3A_654 : i32
      %lt3A_656 = arith.constant 0 : i32
      %lt3A_657 = arith.cmpi slt, %select_n3A_650, %lt3A_656 : i32
      %ne3A_658 = arith.xori %lt3A_655, %lt3A_657 : i1
      %and3A_659 = arith.andi %ne3A_658, %ne3A_653 : i1
      %add3A_660 = arith.addi %rem3A_651, %select_n3A_650 : i32
      %select_n3A_661 = arith.select %and3A_659, %add3A_660, %rem3A_651 : i32
      %jit3A_662 = arith.constant 8 : i32
      %eq3A_663 = arith.constant 0 : i32
      %eq3A_664 = arith.cmpi eq, %jit3A_662, %eq3A_663 : i32
      %jit3A_665 = arith.constant 1 : i32
      %select_n3A_666 = arith.select %eq3A_664, %jit3A_665, %jit3A_662 : i32
      %rem3A_667 = arith.remsi %select_n3A_661, %select_n3A_666 : i32
      %ne3A_668 = arith.constant 0 : i32
      %ne3A_669 = arith.cmpi ne, %rem3A_667, %ne3A_668 : i32
      %lt3A_670 = arith.constant 0 : i32
      %lt3A_671 = arith.cmpi slt, %rem3A_667, %lt3A_670 : i32
      %lt3A_672 = arith.constant 0 : i32
      %lt3A_673 = arith.cmpi slt, %select_n3A_666, %lt3A_672 : i32
      %ne3A_674 = arith.xori %lt3A_671, %lt3A_673 : i1
      %and3A_675 = arith.andi %ne3A_674, %ne3A_669 : i1
      %add3A_676 = arith.addi %rem3A_667, %select_n3A_666 : i32
      %select_n3A_677 = arith.select %and3A_675, %add3A_676, %rem3A_667 : i32
      %mul3A_678 = arith.constant 16 : i32
      %mul3A_679 = arith.muli %select_n3A_677, %mul3A_678 : i32
      %swap3A_680 = arith.index_cast %select_n3A_605 : i32 to index
      %swap3A_681 = arith.index_cast %select_n3A_645 : i32 to index
      %swap3A_682 = arith.index_cast %mul3A_679 : i32 to index
      %swap3A_683 = tpu.vector_load %arg12[%swap3A_680, %swap3A_681, %swap3A_682] {strides = array<i32>} : memref<64x2x128xf32, #tpu.memory_space<vmem>>, vector<16xf32>,
      tpu.vector_store %arg12[%swap3A_680, %swap3A_681, %swap3A_682], %broadcast_in_dim3A_0 {strides = array<i32>} : memref<64x2x128xf32, #tpu.memory_space<vmem>>, vector<16xf32>,
      %mul3A_684 = arith.constant 8 : i32
      %mul3A_685 = arith.muli %scan3A_164, %mul3A_684 : i32
      %add3A_686 = arith.constant 5 : i32
      %add3A_687 = arith.addi %mul3A_685, %add3A_686 : i32
      %jit3A_688 = arith.constant 16 : i32
      %div3A_689 = arith.divsi %add3A_687, %jit3A_688 : i32
      %sign3A_690 = arith.constant 0 : i32
      %sign3A_691 = arith.cmpi sgt, %add3A_687, %sign3A_690 : i32
      %sign3A_692 = arith.extui %sign3A_691 : i1 to i32
      %sign3A_693 = arith.constant 0 : i32
      %sign3A_694 = arith.cmpi slt, %add3A_687, %sign3A_693 : i32
      %sign3A_695 = arith.extui %sign3A_694 : i1 to i32
      %sign3A_696 = arith.subi %sign3A_692, %sign3A_695 : i32
      %sign3A_697 = arith.constant 0 : i32
      %sign3A_698 = arith.cmpi sgt, %jit3A_688, %sign3A_697 : i32
      %sign3A_699 = arith.extui %sign3A_698 : i1 to i32
      %sign3A_700 = arith.constant 0 : i32
      %sign3A_701 = arith.cmpi slt, %jit3A_688, %sign3A_700 : i32
      %sign3A_702 = arith.extui %sign3A_701 : i1 to i32
      %sign3A_703 = arith.subi %sign3A_699, %sign3A_702 : i32
      %ne3A_704 = arith.cmpi ne, %sign3A_696, %sign3A_703 : i32
      %rem3A_705 = arith.remsi %add3A_687, %jit3A_688 : i32
      %ne3A_706 = arith.constant 0 : i32
      %ne3A_707 = arith.cmpi ne, %rem3A_705, %ne3A_706 : i32
      %and3A_708 = arith.andi %ne3A_704, %ne3A_707 : i1
      %sub3A_709 = arith.constant 1 : i32
      %sub3A_710 = arith.subi %div3A_689, %sub3A_709 : i32
      %select_n3A_711 = arith.select %and3A_708, %sub3A_710, %div3A_689 : i32
      %jit3A_712 = arith.constant 16 : i32
      %eq3A_713 = arith.constant 0 : i32
      %eq3A_714 = arith.cmpi eq, %jit3A_712, %eq3A_713 : i32
      %jit3A_715 = arith.constant 1 : i32
      %select_n3A_716 = arith.select %eq3A_714, %jit3A_715, %jit3A_712 : i32
      %rem3A_717 = arith.remsi %add3A_687, %select_n3A_716 : i32
      %ne3A_718 = arith.constant 0 : i32
      %ne3A_719 = arith.cmpi ne, %rem3A_717, %ne3A_718 : i32
      %lt3A_720 = arith.constant 0 : i32
      %lt3A_721 = arith.cmpi slt, %rem3A_717, %lt3A_720 : i32
      %lt3A_722 = arith.constant 0 : i32
      %lt3A_723 = arith.cmpi slt, %select_n3A_716, %lt3A_722 : i32
      %ne3A_724 = arith.xori %lt3A_721, %lt3A_723 : i1
      %and3A_725 = arith.andi %ne3A_724, %ne3A_719 : i1
      %add3A_726 = arith.addi %rem3A_717, %select_n3A_716 : i32
      %select_n3A_727 = arith.select %and3A_725, %add3A_726, %rem3A_717 : i32
      %jit3A_728 = arith.constant 8 : i32
      %div3A_729 = arith.divsi %select_n3A_727, %jit3A_728 : i32
      %sign3A_730 = arith.constant 0 : i32
      %sign3A_731 = arith.cmpi sgt, %select_n3A_727, %sign3A_730 : i32
      %sign3A_732 = arith.extui %sign3A_731 : i1 to i32
      %sign3A_733 = arith.constant 0 : i32
      %sign3A_734 = arith.cmpi slt, %select_n3A_727, %sign3A_733 : i32
      %sign3A_735 = arith.extui %sign3A_734 : i1 to i32
      %sign3A_736 = arith.subi %sign3A_732, %sign3A_735 : i32
      %sign3A_737 = arith.constant 0 : i32
      %sign3A_738 = arith.cmpi sgt, %jit3A_728, %sign3A_737 : i32
      %sign3A_739 = arith.extui %sign3A_738 : i1 to i32
      %sign3A_740 = arith.constant 0 : i32
      %sign3A_741 = arith.cmpi slt, %jit3A_728, %sign3A_740 : i32
      %sign3A_742 = arith.extui %sign3A_741 : i1 to i32
      %sign3A_743 = arith.subi %sign3A_739, %sign3A_742 : i32
      %ne3A_744 = arith.cmpi ne, %sign3A_736, %sign3A_743 : i32
      %rem3A_745 = arith.remsi %select_n3A_727, %jit3A_728 : i32
      %ne3A_746 = arith.constant 0 : i32
      %ne3A_747 = arith.cmpi ne, %rem3A_745, %ne3A_746 : i32
      %and3A_748 = arith.andi %ne3A_744, %ne3A_747 : i1
      %sub3A_749 = arith.constant 1 : i32
      %sub3A_750 = arith.subi %div3A_729, %sub3A_749 : i32
      %select_n3A_751 = arith.select %and3A_748, %sub3A_750, %div3A_729 : i32
      %jit3A_752 = arith.constant 16 : i32
      %eq3A_753 = arith.constant 0 : i32
      %eq3A_754 = arith.cmpi eq, %jit3A_752, %eq3A_753 : i32
      %jit3A_755 = arith.constant 1 : i32
      %select_n3A_756 = arith.select %eq3A_754, %jit3A_755, %jit3A_752 : i32
      %rem3A_757 = arith.remsi %add3A_687, %select_n3A_756 : i32
      %ne3A_758 = arith.constant 0 : i32
      %ne3A_759 = arith.cmpi ne, %rem3A_757, %ne3A_758 : i32
      %lt3A_760 = arith.constant 0 : i32
      %lt3A_761 = arith.cmpi slt, %rem3A_757, %lt3A_760 : i32
      %lt3A_762 = arith.constant 0 : i32
      %lt3A_763 = arith.cmpi slt, %select_n3A_756, %lt3A_762 : i32
      %ne3A_764 = arith.xori %lt3A_761, %lt3A_763 : i1
      %and3A_765 = arith.andi %ne3A_764, %ne3A_759 : i1
      %add3A_766 = arith.addi %rem3A_757, %select_n3A_756 : i32
      %select_n3A_767 = arith.select %and3A_765, %add3A_766, %rem3A_757 : i32
      %jit3A_768 = arith.constant 8 : i32
      %eq3A_769 = arith.constant 0 : i32
      %eq3A_770 = arith.cmpi eq, %jit3A_768, %eq3A_769 : i32
      %jit3A_771 = arith.constant 1 : i32
      %select_n3A_772 = arith.select %eq3A_770, %jit3A_771, %jit3A_768 : i32
      %rem3A_773 = arith.remsi %select_n3A_767, %select_n3A_772 : i32
      %ne3A_774 = arith.constant 0 : i32
      %ne3A_775 = arith.cmpi ne, %rem3A_773, %ne3A_774 : i32
      %lt3A_776 = arith.constant 0 : i32
      %lt3A_777 = arith.cmpi slt, %rem3A_773, %lt3A_776 : i32
      %lt3A_778 = arith.constant 0 : i32
      %lt3A_779 = arith.cmpi slt, %select_n3A_772, %lt3A_778 : i32
      %ne3A_780 = arith.xori %lt3A_777, %lt3A_779 : i1
      %and3A_781 = arith.andi %ne3A_780, %ne3A_775 : i1
      %add3A_782 = arith.addi %rem3A_773, %select_n3A_772 : i32
      %select_n3A_783 = arith.select %and3A_781, %add3A_782, %rem3A_773 : i32
      %mul3A_784 = arith.constant 16 : i32
      %mul3A_785 = arith.muli %select_n3A_783, %mul3A_784 : i32
      %swap3A_786 = arith.index_cast %select_n3A_711 : i32 to index
      %swap3A_787 = arith.index_cast %select_n3A_751 : i32 to index
      %swap3A_788 = arith.index_cast %mul3A_785 : i32 to index
      %swap3A_789 = tpu.vector_load %arg12[%swap3A_786, %swap3A_787, %swap3A_788] {strides = array<i32>} : memref<64x2x128xf32, #tpu.memory_space<vmem>>, vector<16xf32>,
      tpu.vector_store %arg12[%swap3A_786, %swap3A_787, %swap3A_788], %broadcast_in_dim3A_0 {strides = array<i32>} : memref<64x2x128xf32, #tpu.memory_space<vmem>>, vector<16xf32>,
      %mul3A_790 = arith.constant 8 : i32
      %mul3A_791 = arith.muli %scan3A_164, %mul3A_790 : i32
      %add3A_792 = arith.constant 6 : i32
      %add3A_793 = arith.addi %mul3A_791, %add3A_792 : i32
      %jit3A_794 = arith.constant 16 : i32
      %div3A_795 = arith.divsi %add3A_793, %jit3A_794 : i32
      %sign3A_796 = arith.constant 0 : i32
      %sign3A_797 = arith.cmpi sgt, %add3A_793, %sign3A_796 : i32
      %sign3A_798 = arith.extui %sign3A_797 : i1 to i32
      %sign3A_799 = arith.constant 0 : i32
      %sign3A_800 = arith.cmpi slt, %add3A_793, %sign3A_799 : i32
      %sign3A_801 = arith.extui %sign3A_800 : i1 to i32
      %sign3A_802 = arith.subi %sign3A_798, %sign3A_801 : i32
      %sign3A_803 = arith.constant 0 : i32
      %sign3A_804 = arith.cmpi sgt, %jit3A_794, %sign3A_803 : i32
      %sign3A_805 = arith.extui %sign3A_804 : i1 to i32
      %sign3A_806 = arith.constant 0 : i32
      %sign3A_807 = arith.cmpi slt, %jit3A_794, %sign3A_806 : i32
      %sign3A_808 = arith.extui %sign3A_807 : i1 to i32
      %sign3A_809 = arith.subi %sign3A_805, %sign3A_808 : i32
      %ne3A_810 = arith.cmpi ne, %sign3A_802, %sign3A_809 : i32
      %rem3A_811 = arith.remsi %add3A_793, %jit3A_794 : i32
      %ne3A_812 = arith.constant 0 : i32
      %ne3A_813 = arith.cmpi ne, %rem3A_811, %ne3A_812 : i32
      %and3A_814 = arith.andi %ne3A_810, %ne3A_813 : i1
      %sub3A_815 = arith.constant 1 : i32
      %sub3A_816 = arith.subi %div3A_795, %sub3A_815 : i32
      %select_n3A_817 = arith.select %and3A_814, %sub3A_816, %div3A_795 : i32
      %jit3A_818 = arith.constant 16 : i32
      %eq3A_819 = arith.constant 0 : i32
      %eq3A_820 = arith.cmpi eq, %jit3A_818, %eq3A_819 : i32
      %jit3A_821 = arith.constant 1 : i32
      %select_n3A_822 = arith.select %eq3A_820, %jit3A_821, %jit3A_818 : i32
      %rem3A_823 = arith.remsi %add3A_793, %select_n3A_822 : i32
      %ne3A_824 = arith.constant 0 : i32
      %ne3A_825 = arith.cmpi ne, %rem3A_823, %ne3A_824 : i32
      %lt3A_826 = arith.constant 0 : i32
      %lt3A_827 = arith.cmpi slt, %rem3A_823, %lt3A_826 : i32
      %lt3A_828 = arith.constant 0 : i32
      %lt3A_829 = arith.cmpi slt, %select_n3A_822, %lt3A_828 : i32
      %ne3A_830 = arith.xori %lt3A_827, %lt3A_829 : i1
      %and3A_831 = arith.andi %ne3A_830, %ne3A_825 : i1
      %add3A_832 = arith.addi %rem3A_823, %select_n3A_822 : i32
      %select_n3A_833 = arith.select %and3A_831, %add3A_832, %rem3A_823 : i32
      %jit3A_834 = arith.constant 8 : i32
      %div3A_835 = arith.divsi %select_n3A_833, %jit3A_834 : i32
      %sign3A_836 = arith.constant 0 : i32
      %sign3A_837 = arith.cmpi sgt, %select_n3A_833, %sign3A_836 : i32
      %sign3A_838 = arith.extui %sign3A_837 : i1 to i32
      %sign3A_839 = arith.constant 0 : i32
      %sign3A_840 = arith.cmpi slt, %select_n3A_833, %sign3A_839 : i32
      %sign3A_841 = arith.extui %sign3A_840 : i1 to i32
      %sign3A_842 = arith.subi %sign3A_838, %sign3A_841 : i32
      %sign3A_843 = arith.constant 0 : i32
      %sign3A_844 = arith.cmpi sgt, %jit3A_834, %sign3A_843 : i32
      %sign3A_845 = arith.extui %sign3A_844 : i1 to i32
      %sign3A_846 = arith.constant 0 : i32
      %sign3A_847 = arith.cmpi slt, %jit3A_834, %sign3A_846 : i32
      %sign3A_848 = arith.extui %sign3A_847 : i1 to i32
      %sign3A_849 = arith.subi %sign3A_845, %sign3A_848 : i32
      %ne3A_850 = arith.cmpi ne, %sign3A_842, %sign3A_849 : i32
      %rem3A_851 = arith.remsi %select_n3A_833, %jit3A_834 : i32
      %ne3A_852 = arith.constant 0 : i32
      %ne3A_853 = arith.cmpi ne, %rem3A_851, %ne3A_852 : i32
      %and3A_854 = arith.andi %ne3A_850, %ne3A_853 : i1
      %sub3A_855 = arith.constant 1 : i32
      %sub3A_856 = arith.subi %div3A_835, %sub3A_855 : i32
      %select_n3A_857 = arith.select %and3A_854, %sub3A_856, %div3A_835 : i32
      %jit3A_858 = arith.constant 16 : i32
      %eq3A_859 = arith.constant 0 : i32
      %eq3A_860 = arith.cmpi eq, %jit3A_858, %eq3A_859 : i32
      %jit3A_861 = arith.constant 1 : i32
      %select_n3A_862 = arith.select %eq3A_860, %jit3A_861, %jit3A_858 : i32
      %rem3A_863 = arith.remsi %add3A_793, %select_n3A_862 : i32
      %ne3A_864 = arith.constant 0 : i32
      %ne3A_865 = arith.cmpi ne, %rem3A_863, %ne3A_864 : i32
      %lt3A_866 = arith.constant 0 : i32
      %lt3A_867 = arith.cmpi slt, %rem3A_863, %lt3A_866 : i32
      %lt3A_868 = arith.constant 0 : i32
      %lt3A_869 = arith.cmpi slt, %select_n3A_862, %lt3A_868 : i32
      %ne3A_870 = arith.xori %lt3A_867, %lt3A_869 : i1
      %and3A_871 = arith.andi %ne3A_870, %ne3A_865 : i1
      %add3A_872 = arith.addi %rem3A_863, %select_n3A_862 : i32
      %select_n3A_873 = arith.select %and3A_871, %add3A_872, %rem3A_863 : i32
      %jit3A_874 = arith.constant 8 : i32
      %eq3A_875 = arith.constant 0 : i32
      %eq3A_876 = arith.cmpi eq, %jit3A_874, %eq3A_875 : i32
      %jit3A_877 = arith.constant 1 : i32
      %select_n3A_878 = arith.select %eq3A_876, %jit3A_877, %jit3A_874 : i32
      %rem3A_879 = arith.remsi %select_n3A_873, %select_n3A_878 : i32
      %ne3A_880 = arith.constant 0 : i32
      %ne3A_881 = arith.cmpi ne, %rem3A_879, %ne3A_880 : i32
      %lt3A_882 = arith.constant 0 : i32
      %lt3A_883 = arith.cmpi slt, %rem3A_879, %lt3A_882 : i32
      %lt3A_884 = arith.constant 0 : i32
      %lt3A_885 = arith.cmpi slt, %select_n3A_878, %lt3A_884 : i32
      %ne3A_886 = arith.xori %lt3A_883, %lt3A_885 : i1
      %and3A_887 = arith.andi %ne3A_886, %ne3A_881 : i1
      %add3A_888 = arith.addi %rem3A_879, %select_n3A_878 : i32
      %select_n3A_889 = arith.select %and3A_887, %add3A_888, %rem3A_879 : i32
      %mul3A_890 = arith.constant 16 : i32
      %mul3A_891 = arith.muli %select_n3A_889, %mul3A_890 : i32
      %swap3A_892 = arith.index_cast %select_n3A_817 : i32 to index
      %swap3A_893 = arith.index_cast %select_n3A_857 : i32 to index
      %swap3A_894 = arith.index_cast %mul3A_891 : i32 to index
      %swap3A_895 = tpu.vector_load %arg12[%swap3A_892, %swap3A_893, %swap3A_894] {strides = array<i32>} : memref<64x2x128xf32, #tpu.memory_space<vmem>>, vector<16xf32>,
      tpu.vector_store %arg12[%swap3A_892, %swap3A_893, %swap3A_894], %broadcast_in_dim3A_0 {strides = array<i32>} : memref<64x2x128xf32, #tpu.memory_space<vmem>>, vector<16xf32>,
      %mul3A_896 = arith.constant 8 : i32
      %mul3A_897 = arith.muli %scan3A_164, %mul3A_896 : i32
      %add3A_898 = arith.constant 7 : i32
      %add3A_899 = arith.addi %mul3A_897, %add3A_898 : i32
      %jit3A_900 = arith.constant 16 : i32
      %div3A_901 = arith.divsi %add3A_899, %jit3A_900 : i32
      %sign3A_902 = arith.constant 0 : i32
      %sign3A_903 = arith.cmpi sgt, %add3A_899, %sign3A_902 : i32
      %sign3A_904 = arith.extui %sign3A_903 : i1 to i32
      %sign3A_905 = arith.constant 0 : i32
      %sign3A_906 = arith.cmpi slt, %add3A_899, %sign3A_905 : i32
      %sign3A_907 = arith.extui %sign3A_906 : i1 to i32
      %sign3A_908 = arith.subi %sign3A_904, %sign3A_907 : i32
      %sign3A_909 = arith.constant 0 : i32
      %sign3A_910 = arith.cmpi sgt, %jit3A_900, %sign3A_909 : i32
      %sign3A_911 = arith.extui %sign3A_910 : i1 to i32
      %sign3A_912 = arith.constant 0 : i32
      %sign3A_913 = arith.cmpi slt, %jit3A_900, %sign3A_912 : i32
      %sign3A_914 = arith.extui %sign3A_913 : i1 to i32
      %sign3A_915 = arith.subi %sign3A_911, %sign3A_914 : i32
      %ne3A_916 = arith.cmpi ne, %sign3A_908, %sign3A_915 : i32
      %rem3A_917 = arith.remsi %add3A_899, %jit3A_900 : i32
      %ne3A_918 = arith.constant 0 : i32
      %ne3A_919 = arith.cmpi ne, %rem3A_917, %ne3A_918 : i32
      %and3A_920 = arith.andi %ne3A_916, %ne3A_919 : i1
      %sub3A_921 = arith.constant 1 : i32
      %sub3A_922 = arith.subi %div3A_901, %sub3A_921 : i32
      %select_n3A_923 = arith.select %and3A_920, %sub3A_922, %div3A_901 : i32
      %jit3A_924 = arith.constant 16 : i32
      %eq3A_925 = arith.constant 0 : i32
      %eq3A_926 = arith.cmpi eq, %jit3A_924, %eq3A_925 : i32
      %jit3A_927 = arith.constant 1 : i32
      %select_n3A_928 = arith.select %eq3A_926, %jit3A_927, %jit3A_924 : i32
      %rem3A_929 = arith.remsi %add3A_899, %select_n3A_928 : i32
      %ne3A_930 = arith.constant 0 : i32
      %ne3A_931 = arith.cmpi ne, %rem3A_929, %ne3A_930 : i32
      %lt3A_932 = arith.constant 0 : i32
      %lt3A_933 = arith.cmpi slt, %rem3A_929, %lt3A_932 : i32
      %lt3A_934 = arith.constant 0 : i32
      %lt3A_935 = arith.cmpi slt, %select_n3A_928, %lt3A_934 : i32
      %ne3A_936 = arith.xori %lt3A_933, %lt3A_935 : i1
      %and3A_937 = arith.andi %ne3A_936, %ne3A_931 : i1
      %add3A_938 = arith.addi %rem3A_929, %select_n3A_928 : i32
      %select_n3A_939 = arith.select %and3A_937, %add3A_938, %rem3A_929 : i32
      %jit3A_940 = arith.constant 8 : i32
      %div3A_941 = arith.divsi %select_n3A_939, %jit3A_940 : i32
      %sign3A_942 = arith.constant 0 : i32
      %sign3A_943 = arith.cmpi sgt, %select_n3A_939, %sign3A_942 : i32
      %sign3A_944 = arith.extui %sign3A_943 : i1 to i32
      %sign3A_945 = arith.constant 0 : i32
      %sign3A_946 = arith.cmpi slt, %select_n3A_939, %sign3A_945 : i32
      %sign3A_947 = arith.extui %sign3A_946 : i1 to i32
      %sign3A_948 = arith.subi %sign3A_944, %sign3A_947 : i32
      %sign3A_949 = arith.constant 0 : i32
      %sign3A_950 = arith.cmpi sgt, %jit3A_940, %sign3A_949 : i32
      %sign3A_951 = arith.extui %sign3A_950 : i1 to i32
      %sign3A_952 = arith.constant 0 : i32
      %sign3A_953 = arith.cmpi slt, %jit3A_940, %sign3A_952 : i32
      %sign3A_954 = arith.extui %sign3A_953 : i1 to i32
      %sign3A_955 = arith.subi %sign3A_951, %sign3A_954 : i32
      %ne3A_956 = arith.cmpi ne, %sign3A_948, %sign3A_955 : i32
      %rem3A_957 = arith.remsi %select_n3A_939, %jit3A_940 : i32
      %ne3A_958 = arith.constant 0 : i32
      %ne3A_959 = arith.cmpi ne, %rem3A_957, %ne3A_958 : i32
      %and3A_960 = arith.andi %ne3A_956, %ne3A_959 : i1
      %sub3A_961 = arith.constant 1 : i32
      %sub3A_962 = arith.subi %div3A_941, %sub3A_961 : i32
      %select_n3A_963 = arith.select %and3A_960, %sub3A_962, %div3A_941 : i32
      %jit3A_964 = arith.constant 16 : i32
      %eq3A_965 = arith.constant 0 : i32
      %eq3A_966 = arith.cmpi eq, %jit3A_964, %eq3A_965 : i32
      %jit3A_967 = arith.constant 1 : i32
      %select_n3A_968 = arith.select %eq3A_966, %jit3A_967, %jit3A_964 : i32
      %rem3A_969 = arith.remsi %add3A_899, %select_n3A_968 : i32
      %ne3A_970 = arith.constant 0 : i32
      %ne3A_971 = arith.cmpi ne, %rem3A_969, %ne3A_970 : i32
      %lt3A_972 = arith.constant 0 : i32
      %lt3A_973 = arith.cmpi slt, %rem3A_969, %lt3A_972 : i32
      %lt3A_974 = arith.constant 0 : i32
      %lt3A_975 = arith.cmpi slt, %select_n3A_968, %lt3A_974 : i32
      %ne3A_976 = arith.xori %lt3A_973, %lt3A_975 : i1
      %and3A_977 = arith.andi %ne3A_976, %ne3A_971 : i1
      %add3A_978 = arith.addi %rem3A_969, %select_n3A_968 : i32
      %select_n3A_979 = arith.select %and3A_977, %add3A_978, %rem3A_969 : i32
      %jit3A_980 = arith.constant 8 : i32
      %eq3A_981 = arith.constant 0 : i32
      %eq3A_982 = arith.cmpi eq, %jit3A_980, %eq3A_981 : i32
      %jit3A_983 = arith.constant 1 : i32
      %select_n3A_984 = arith.select %eq3A_982, %jit3A_983, %jit3A_980 : i32
      %rem3A_985 = arith.remsi %select_n3A_979, %select_n3A_984 : i32
      %ne3A_986 = arith.constant 0 : i32
      %ne3A_987 = arith.cmpi ne, %rem3A_985, %ne3A_986 : i32
      %lt3A_988 = arith.constant 0 : i32
      %lt3A_989 = arith.cmpi slt, %rem3A_985, %lt3A_988 : i32
      %lt3A_990 = arith.constant 0 : i32
      %lt3A_991 = arith.cmpi slt, %select_n3A_984, %lt3A_990 : i32
      %ne3A_992 = arith.xori %lt3A_989, %lt3A_991 : i1
      %and3A_993 = arith.andi %ne3A_992, %ne3A_987 : i1
      %add3A_994 = arith.addi %rem3A_985, %select_n3A_984 : i32
      %select_n3A_995 = arith.select %and3A_993, %add3A_994, %rem3A_985 : i32
      %mul3A_996 = arith.constant 16 : i32
      %mul3A_997 = arith.muli %select_n3A_995, %mul3A_996 : i32
      %swap3A_998 = arith.index_cast %select_n3A_923 : i32 to index
      %swap3A_999 = arith.index_cast %select_n3A_963 : i32 to index
      %swap3A_1000 = arith.index_cast %mul3A_997 : i32 to index
      %swap3A_1001 = tpu.vector_load %arg12[%swap3A_998, %swap3A_999, %swap3A_1000] {strides = array<i32>} : memref<64x2x128xf32, #tpu.memory_space<vmem>>, vector<16xf32>,
      tpu.vector_store %arg12[%swap3A_998, %swap3A_999, %swap3A_1000], %broadcast_in_dim3A_0 {strides = array<i32>} : memref<64x2x128xf32, #tpu.memory_space<vmem>>, vector<16xf32>,
    }
    %scan3A_85 = arith.constant 128 : i32
    %mul3A_86 = arith.constant 320 : i32
    %mul3A_87 = arith.muli %arg1, %mul3A_86 : i32
    %add3A_88 = arith.constant 0 : i32
    %add3A_89 = arith.addi %mul3A_87, %add3A_88 : i32
    "tpu.region"() ({
      %run_scoped3A_164 = tpu.sem_alloc : memref<!tpu.dma_semaphore, #tpu.memory_space<semaphore_mem>>
      %dma_start3A_165 = arith.constant 0 : i32
      %dma_start3A_166 = arith.constant 0 : i32
      %dma_start3A_167 = tpu.memref_slice %arg14[%add3A_89, %dma_start3A_165, %dma_start3A_166] : memref<5120x2x128xf32, #tpu.memory_space<vmem_shared>> -> memref<64x2x128xf32, #tpu.memory_space<vmem_shared>>
      %dma_start3A_168 = arith.constant 0 : i32
      %dma_start3A_169 = arith.constant 0 : i32
      %dma_start3A_170 = tpu.memref_slice %arg14[%add3A_89, %dma_start3A_168, %dma_start3A_169] : memref<5120x2x128xf32, #tpu.memory_space<vmem_shared>> -> memref<64x2x128xf32, #tpu.memory_space<vmem_shared>>
      tpu.enqueue_dma source(%arg12 : memref<64x2x128xf32, #tpu.memory_space<vmem>>) target(%dma_start3A_170 : memref<64x2x128xf32, #tpu.memory_space<vmem_shared>>) target_semaphore(%run_scoped3A_164 : memref<!tpu.dma_semaphore, #tpu.memory_space<semaphore_mem>>)
      %dma_wait3A_171 = arith.constant 0 : i32
      %dma_wait3A_172 = arith.constant 0 : i32
      %dma_wait3A_173 = tpu.memref_slice %arg14[%add3A_89, %dma_wait3A_171, %dma_wait3A_172] : memref<5120x2x128xf32, #tpu.memory_space<vmem_shared>> -> memref<64x2x128xf32, #tpu.memory_space<vmem_shared>>
      %dma_wait3A_174 = arith.constant 0 : i32
      %dma_wait3A_175 = arith.constant 0 : i32
      %dma_wait3A_176 = tpu.memref_slice %arg14[%add3A_89, %dma_wait3A_174, %dma_wait3A_175] : memref<5120x2x128xf32, #tpu.memory_space<vmem_shared>> -> memref<64x2x128xf32, #tpu.memory_space<vmem_shared>>
      tpu.wait_dma2 semaphore(%run_scoped3A_164 : memref<!tpu.dma_semaphore, #tpu.memory_space<semaphore_mem>>) src(%arg12 : memref<64x2x128xf32, #tpu.memory_space<vmem>>) dst(%dma_wait3A_176 : memref<64x2x128xf32, #tpu.memory_space<vmem_shared>>)
      tpu.yield
    }) : () -> ()
    %mul3A_90 = arith.constant 320 : i32
    %mul3A_91 = arith.muli %arg1, %mul3A_90 : i32
    %add3A_92 = arith.constant 64 : i32
    %add3A_93 = arith.addi %mul3A_91, %add3A_92 : i32
    "tpu.region"() ({
      %run_scoped3A_164 = tpu.sem_alloc : memref<!tpu.dma_semaphore, #tpu.memory_space<semaphore_mem>>
      %dma_start3A_165 = arith.constant 0 : i32
      %dma_start3A_166 = arith.constant 0 : i32
      %dma_start3A_167 = tpu.memref_slice %arg14[%add3A_93, %dma_start3A_165, %dma_start3A_166] : memref<5120x2x128xf32, #tpu.memory_space<vmem_shared>> -> memref<64x2x128xf32, #tpu.memory_space<vmem_shared>>
      %dma_start3A_168 = arith.constant 0 : i32
      %dma_start3A_169 = arith.constant 0 : i32
      %dma_start3A_170 = tpu.memref_slice %arg14[%add3A_93, %dma_start3A_168, %dma_start3A_169] : memref<5120x2x128xf32, #tpu.memory_space<vmem_shared>> -> memref<64x2x128xf32, #tpu.memory_space<vmem_shared>>
      tpu.enqueue_dma source(%arg12 : memref<64x2x128xf32, #tpu.memory_space<vmem>>) target(%dma_start3A_170 : memref<64x2x128xf32, #tpu.memory_space<vmem_shared>>) target_semaphore(%run_scoped3A_164 : memref<!tpu.dma_semaphore, #tpu.memory_space<semaphore_mem>>)
      %dma_wait3A_171 = arith.constant 0 : i32
      %dma_wait3A_172 = arith.constant 0 : i32
      %dma_wait3A_173 = tpu.memref_slice %arg14[%add3A_93, %dma_wait3A_171, %dma_wait3A_172] : memref<5120x2x128xf32, #tpu.memory_space<vmem_shared>> -> memref<64x2x128xf32, #tpu.memory_space<vmem_shared>>
      %dma_wait3A_174 = arith.constant 0 : i32
      %dma_wait3A_175 = arith.constant 0 : i32
      %dma_wait3A_176 = tpu.memref_slice %arg14[%add3A_93, %dma_wait3A_174, %dma_wait3A_175] : memref<5120x2x128xf32, #tpu.memory_space<vmem_shared>> -> memref<64x2x128xf32, #tpu.memory_space<vmem_shared>>
      tpu.wait_dma2 semaphore(%run_scoped3A_164 : memref<!tpu.dma_semaphore, #tpu.memory_space<semaphore_mem>>) src(%arg12 : memref<64x2x128xf32, #tpu.memory_space<vmem>>) dst(%dma_wait3A_176 : memref<64x2x128xf32, #tpu.memory_space<vmem_shared>>)
      tpu.yield
    }) : () -> ()
    %mul3A_94 = arith.constant 320 : i32
    %mul3A_95 = arith.muli %arg1, %mul3A_94 : i32
    %add3A_96 = arith.constant 128 : i32
    %add3A_97 = arith.addi %mul3A_95, %add3A_96 : i32
    "tpu.region"() ({
      %run_scoped3A_164 = tpu.sem_alloc : memref<!tpu.dma_semaphore, #tpu.memory_space<semaphore_mem>>
      %dma_start3A_165 = arith.constant 0 : i32
      %dma_start3A_166 = arith.constant 0 : i32
      %dma_start3A_167 = tpu.memref_slice %arg14[%add3A_97, %dma_start3A_165, %dma_start3A_166] : memref<5120x2x128xf32, #tpu.memory_space<vmem_shared>> -> memref<64x2x128xf32, #tpu.memory_space<vmem_shared>>
      %dma_start3A_168 = arith.constant 0 : i32
      %dma_start3A_169 = arith.constant 0 : i32
      %dma_start3A_170 = tpu.memref_slice %arg14[%add3A_97, %dma_start3A_168, %dma_start3A_169] : memref<5120x2x128xf32, #tpu.memory_space<vmem_shared>> -> memref<64x2x128xf32, #tpu.memory_space<vmem_shared>>
      tpu.enqueue_dma source(%arg12 : memref<64x2x128xf32, #tpu.memory_space<vmem>>) target(%dma_start3A_170 : memref<64x2x128xf32, #tpu.memory_space<vmem_shared>>) target_semaphore(%run_scoped3A_164 : memref<!tpu.dma_semaphore, #tpu.memory_space<semaphore_mem>>)
      %dma_wait3A_171 = arith.constant 0 : i32
      %dma_wait3A_172 = arith.constant 0 : i32
      %dma_wait3A_173 = tpu.memref_slice %arg14[%add3A_97, %dma_wait3A_171, %dma_wait3A_172] : memref<5120x2x128xf32, #tpu.memory_space<vmem_shared>> -> memref<64x2x128xf32, #tpu.memory_space<vmem_shared>>
      %dma_wait3A_174 = arith.constant 0 : i32
      %dma_wait3A_175 = arith.constant 0 : i32
      %dma_wait3A_176 = tpu.memref_slice %arg14[%add3A_97, %dma_wait3A_174, %dma_wait3A_175] : memref<5120x2x128xf32, #tpu.memory_space<vmem_shared>> -> memref<64x2x128xf32, #tpu.memory_space<vmem_shared>>
      tpu.wait_dma2 semaphore(%run_scoped3A_164 : memref<!tpu.dma_semaphore, #tpu.memory_space<semaphore_mem>>) src(%arg12 : memref<64x2x128xf32, #tpu.memory_space<vmem>>) dst(%dma_wait3A_176 : memref<64x2x128xf32, #tpu.memory_space<vmem_shared>>)
      tpu.yield
    }) : () -> ()
    %mul3A_98 = arith.constant 320 : i32
    %mul3A_99 = arith.muli %arg1, %mul3A_98 : i32
    %add3A_100 = arith.constant 192 : i32
    %add3A_101 = arith.addi %mul3A_99, %add3A_100 : i32
    "tpu.region"() ({
      %run_scoped3A_164 = tpu.sem_alloc : memref<!tpu.dma_semaphore, #tpu.memory_space<semaphore_mem>>
      %dma_start3A_165 = arith.constant 0 : i32
      %dma_start3A_166 = arith.constant 0 : i32
      %dma_start3A_167 = tpu.memref_slice %arg14[%add3A_101, %dma_start3A_165, %dma_start3A_166] : memref<5120x2x128xf32, #tpu.memory_space<vmem_shared>> -> memref<64x2x128xf32, #tpu.memory_space<vmem_shared>>
      %dma_start3A_168 = arith.constant 0 : i32
      %dma_start3A_169 = arith.constant 0 : i32
      %dma_start3A_170 = tpu.memref_slice %arg14[%add3A_101, %dma_start3A_168, %dma_start3A_169] : memref<5120x2x128xf32, #tpu.memory_space<vmem_shared>> -> memref<64x2x128xf32, #tpu.memory_space<vmem_shared>>
      tpu.enqueue_dma source(%arg12 : memref<64x2x128xf32, #tpu.memory_space<vmem>>) target(%dma_start3A_170 : memref<64x2x128xf32, #tpu.memory_space<vmem_shared>>) target_semaphore(%run_scoped3A_164 : memref<!tpu.dma_semaphore, #tpu.memory_space<semaphore_mem>>)
      %dma_wait3A_171 = arith.constant 0 : i32
      %dma_wait3A_172 = arith.constant 0 : i32
      %dma_wait3A_173 = tpu.memref_slice %arg14[%add3A_101, %dma_wait3A_171, %dma_wait3A_172] : memref<5120x2x128xf32, #tpu.memory_space<vmem_shared>> -> memref<64x2x128xf32, #tpu.memory_space<vmem_shared>>
      %dma_wait3A_174 = arith.constant 0 : i32
      %dma_wait3A_175 = arith.constant 0 : i32
      %dma_wait3A_176 = tpu.memref_slice %arg14[%add3A_101, %dma_wait3A_174, %dma_wait3A_175] : memref<5120x2x128xf32, #tpu.memory_space<vmem_shared>> -> memref<64x2x128xf32, #tpu.memory_space<vmem_shared>>
      tpu.wait_dma2 semaphore(%run_scoped3A_164 : memref<!tpu.dma_semaphore, #tpu.memory_space<semaphore_mem>>) src(%arg12 : memref<64x2x128xf32, #tpu.memory_space<vmem>>) dst(%dma_wait3A_176 : memref<64x2x128xf32, #tpu.memory_space<vmem_shared>>)
      tpu.yield
    }) : () -> ()
    %mul3A_102 = arith.constant 320 : i32
    %mul3A_103 = arith.muli %arg1, %mul3A_102 : i32
    %add3A_104 = arith.constant 256 : i32
    %add3A_105 = arith.addi %mul3A_103, %add3A_104 : i32
    "tpu.region"() ({
      %run_scoped3A_164 = tpu.sem_alloc : memref<!tpu.dma_semaphore, #tpu.memory_space<semaphore_mem>>
      %dma_start3A_165 = arith.constant 0 : i32
      %dma_start3A_166 = arith.constant 0 : i32
      %dma_start3A_167 = tpu.memref_slice %arg14[%add3A_105, %dma_start3A_165, %dma_start3A_166] : memref<5120x2x128xf32, #tpu.memory_space<vmem_shared>> -> memref<64x2x128xf32, #tpu.memory_space<vmem_shared>>
      %dma_start3A_168 = arith.constant 0 : i32
      %dma_start3A_169 = arith.constant 0 : i32
      %dma_start3A_170 = tpu.memref_slice %arg14[%add3A_105, %dma_start3A_168, %dma_start3A_169] : memref<5120x2x128xf32, #tpu.memory_space<vmem_shared>> -> memref<64x2x128xf32, #tpu.memory_space<vmem_shared>>
      tpu.enqueue_dma source(%arg12 : memref<64x2x128xf32, #tpu.memory_space<vmem>>) target(%dma_start3A_170 : memref<64x2x128xf32, #tpu.memory_space<vmem_shared>>) target_semaphore(%run_scoped3A_164 : memref<!tpu.dma_semaphore, #tpu.memory_space<semaphore_mem>>)
      %dma_wait3A_171 = arith.constant 0 : i32
      %dma_wait3A_172 = arith.constant 0 : i32
      %dma_wait3A_173 = tpu.memref_slice %arg14[%add3A_105, %dma_wait3A_171, %dma_wait3A_172] : memref<5120x2x128xf32, #tpu.memory_space<vmem_shared>> -> memref<64x2x128xf32, #tpu.memory_space<vmem_shared>>
      %dma_wait3A_174 = arith.constant 0 : i32
      %dma_wait3A_175 = arith.constant 0 : i32
      %dma_wait3A_176 = tpu.memref_slice %arg14[%add3A_105, %dma_wait3A_174, %dma_wait3A_175] : memref<5120x2x128xf32, #tpu.memory_space<vmem_shared>> -> memref<64x2x128xf32, #tpu.memory_space<vmem_shared>>
      tpu.wait_dma2 semaphore(%run_scoped3A_164 : memref<!tpu.dma_semaphore, #tpu.memory_space<semaphore_mem>>) src(%arg12 : memref<64x2x128xf32, #tpu.memory_space<vmem>>) dst(%dma_wait3A_176 : memref<64x2x128xf32, #tpu.memory_space<vmem_shared>>)
      tpu.yield
    }) : () -> ()
    %barrier3A_106 = arith.constant 0 : index
    tpu.barrier barrier_id(%barrier3A_106)
    %dma_start3A_107 = arith.constant 0 : i32
    %dma_start3A_108 = tpu.memref_slice %arg10[%dma_start3A_107] : memref<5120xi32, #tpu.memory_space<vmem>> -> memref<64xi32, #tpu.memory_space<vmem>>
    %dma_start3A_109 = arith.constant 0 : i32
    %dma_start3A_110 = arith.constant 0 : i32
    %dma_start3A_111 = arith.constant 0 : i32
    %dma_start3A_112 = tpu.memref_slice %arg7[%arg0, %dma_start3A_109, %dma_start3A_110, %dma_start3A_111] : memref<2x5120x2x128xf32, #tpu.memory_space<hbm>> -> memref<1x5120x2x128xf32, #tpu.memory_space<hbm>>
    %dma_start3A_113 = tpu.memref_squeeze %dma_start3A_112 : memref<1x5120x2x128xf32, #tpu.memory_space<hbm>> -> memref<5120x2x128xf32, #tpu.memory_space<hbm>>
    %dma_start3A_114 = arith.constant 0 : i32
    %dma_start3A_115 = arith.constant 0 : i32
    %dma_start3A_116 = arith.constant 0 : i32
    %dma_start3A_117 = tpu.memref_slice %dma_start3A_113[%dma_start3A_114, %dma_start3A_115, %dma_start3A_116] : memref<5120x2x128xf32, #tpu.memory_space<hbm>> -> memref<5120x2x128xf32, #tpu.memory_space<hbm>>
    tpu.enqueue_indirect_dma source(%dma_start3A_117 : memref<5120x2x128xf32, #tpu.memory_space<hbm>>) target(%arg12 : memref<64x2x128xf32, #tpu.memory_space<vmem>>) offsets(%dma_start3A_108 : memref<64xi32, #tpu.memory_space<vmem>>) semaphore(%arg15 : memref<!tpu.dma_semaphore, #tpu.memory_space<semaphore_mem>>)
    %scan3A_118 = arith.constant 0 : i32
    %scan3A_119 = arith.constant 39 : i32
    %scan3A_120 = arith.addi %scan3A_118, %scan3A_119 : i32
    %scan3A_121 = arith.constant 1 : i32
    scf.for %scan3A_164 = %scan3A_118 to %scan3A_120 step %scan3A_121  : i32 {
      %mul3A_165 = arith.constant 2 : i32
      %mul3A_166 = arith.muli %scan3A_164, %mul3A_165 : i32
      %add3A_167 = arith.constant 1 : i32
      %add3A_168 = arith.addi %mul3A_166, %add3A_167 : i32
      %mul3A_169 = arith.constant 64 : i32
      %mul3A_170 = arith.muli %add3A_168, %mul3A_169 : i32
      %dma_start3A_171 = tpu.memref_slice %arg10[%mul3A_170] : memref<5120xi32, #tpu.memory_space<vmem>> -> memref<64xi32, #tpu.memory_space<vmem>>
      %dma_start3A_172 = arith.constant 0 : i32
      %dma_start3A_173 = arith.constant 0 : i32
      %dma_start3A_174 = arith.constant 0 : i32
      %dma_start3A_175 = tpu.memref_slice %arg7[%arg0, %dma_start3A_172, %dma_start3A_173, %dma_start3A_174] : memref<2x5120x2x128xf32, #tpu.memory_space<hbm>> -> memref<1x5120x2x128xf32, #tpu.memory_space<hbm>>
      %dma_start3A_176 = tpu.memref_squeeze %dma_start3A_175 : memref<1x5120x2x128xf32, #tpu.memory_space<hbm>> -> memref<5120x2x128xf32, #tpu.memory_space<hbm>>
      %dma_start3A_177 = arith.constant 0 : i32
      %dma_start3A_178 = arith.constant 0 : i32
      %dma_start3A_179 = arith.constant 0 : i32
      %dma_start3A_180 = tpu.memref_slice %dma_start3A_176[%dma_start3A_177, %dma_start3A_178, %dma_start3A_179] : memref<5120x2x128xf32, #tpu.memory_space<hbm>> -> memref<5120x2x128xf32, #tpu.memory_space<hbm>>
      tpu.enqueue_indirect_dma source(%dma_start3A_180 : memref<5120x2x128xf32, #tpu.memory_space<hbm>>) target(%arg13 : memref<64x2x128xf32, #tpu.memory_space<vmem>>) offsets(%dma_start3A_171 : memref<64xi32, #tpu.memory_space<vmem>>) semaphore(%arg16 : memref<!tpu.dma_semaphore, #tpu.memory_space<semaphore_mem>>)
      %mul3A_181 = arith.constant 64 : i32
      %mul3A_182 = arith.muli %mul3A_166, %mul3A_181 : i32
      %dma_wait3A_183 = tpu.memref_slice %arg10[%mul3A_182] : memref<5120xi32, #tpu.memory_space<vmem>> -> memref<64xi32, #tpu.memory_space<vmem>>
      %dma_wait3A_184 = arith.constant 0 : i32
      %dma_wait3A_185 = arith.constant 0 : i32
      %dma_wait3A_186 = arith.constant 0 : i32
      %dma_wait3A_187 = tpu.memref_slice %arg7[%arg0, %dma_wait3A_184, %dma_wait3A_185, %dma_wait3A_186] : memref<2x5120x2x128xf32, #tpu.memory_space<hbm>> -> memref<1x5120x2x128xf32, #tpu.memory_space<hbm>>
      %dma_wait3A_188 = tpu.memref_squeeze %dma_wait3A_187 : memref<1x5120x2x128xf32, #tpu.memory_space<hbm>> -> memref<5120x2x128xf32, #tpu.memory_space<hbm>>
      %dma_wait3A_189 = arith.constant 0 : i32
      %dma_wait3A_190 = arith.constant 0 : i32
      %dma_wait3A_191 = arith.constant 0 : i32
      %dma_wait3A_192 = tpu.memref_slice %dma_wait3A_188[%dma_wait3A_189, %dma_wait3A_190, %dma_wait3A_191] : memref<5120x2x128xf32, #tpu.memory_space<hbm>> -> memref<5120x2x128xf32, #tpu.memory_space<hbm>>
      tpu.wait_indirect_dma semaphore(%arg15 : memref<!tpu.dma_semaphore, #tpu.memory_space<semaphore_mem>>) src(%dma_wait3A_192 : memref<5120x2x128xf32, #tpu.memory_space<hbm>>) dst(%arg12 : memref<64x2x128xf32, #tpu.memory_space<vmem>>)
      "tpu.region"() ({
        %run_scoped3A_221 = tpu.sem_alloc : memref<!tpu.dma_semaphore, #tpu.memory_space<semaphore_mem>>
        %dma_start3A_222 = arith.constant 0 : i32
        %dma_start3A_223 = tpu.memref_slice %arg11[%mul3A_166, %dma_start3A_222] : memref<80x64xi32, #tpu.memory_space<vmem>> -> memref<1x64xi32, #tpu.memory_space<vmem>>
        %dma_start3A_224 = tpu.memref_squeeze %dma_start3A_223 : memref<1x64xi32, #tpu.memory_space<vmem>> -> memref<64xi32, #tpu.memory_space<vmem>>
        %dma_start3A_225 = arith.constant 0 : i32
        %dma_start3A_226 = arith.constant 0 : i32
        %dma_start3A_227 = arith.constant 0 : i32
        %dma_start3A_228 = tpu.memref_slice %arg14[%dma_start3A_225, %dma_start3A_226, %dma_start3A_227] : memref<5120x2x128xf32, #tpu.memory_space<vmem_shared>> -> memref<5120x2x128xf32, #tpu.memory_space<vmem_shared>>
        tpu.enqueue_indirect_dma source(%arg12 : memref<64x2x128xf32, #tpu.memory_space<vmem>>) target(%dma_start3A_228 : memref<5120x2x128xf32, #tpu.memory_space<vmem_shared>>) offsets(%dma_start3A_224 : memref<64xi32, #tpu.memory_space<vmem>>) semaphore(%run_scoped3A_221 : memref<!tpu.dma_semaphore, #tpu.memory_space<semaphore_mem>>) {add = true}
        %dma_wait3A_229 = arith.constant 0 : i32
        %dma_wait3A_230 = tpu.memref_slice %arg11[%mul3A_166, %dma_wait3A_229] : memref<80x64xi32, #tpu.memory_space<vmem>> -> memref<1x64xi32, #tpu.memory_space<vmem>>
        %dma_wait3A_231 = tpu.memref_squeeze %dma_wait3A_230 : memref<1x64xi32, #tpu.memory_space<vmem>> -> memref<64xi32, #tpu.memory_space<vmem>>
        %dma_wait3A_232 = arith.constant 0 : i32
        %dma_wait3A_233 = arith.constant 0 : i32
        %dma_wait3A_234 = arith.constant 0 : i32
        %dma_wait3A_235 = tpu.memref_slice %arg14[%dma_wait3A_232, %dma_wait3A_233, %dma_wait3A_234] : memref<5120x2x128xf32, #tpu.memory_space<vmem_shared>> -> memref<5120x2x128xf32, #tpu.memory_space<vmem_shared>>
        tpu.wait_indirect_dma semaphore(%run_scoped3A_221 : memref<!tpu.dma_semaphore, #tpu.memory_space<semaphore_mem>>) src(%arg12 : memref<64x2x128xf32, #tpu.memory_space<vmem>>) dst(%dma_wait3A_235 : memref<5120x2x128xf32, #tpu.memory_space<vmem_shared>>)
        tpu.yield
      }) : () -> ()
      %add3A_193 = arith.constant 2 : i32
      %add3A_194 = arith.addi %mul3A_166, %add3A_193 : i32
      %mul3A_195 = arith.constant 64 : i32
      %mul3A_196 = arith.muli %add3A_194, %mul3A_195 : i32
      %dma_start3A_197 = tpu.memref_slice %arg10[%mul3A_196] : memref<5120xi32, #tpu.memory_space<vmem>> -> memref<64xi32, #tpu.memory_space<vmem>>
      %dma_start3A_198 = arith.constant 0 : i32
      %dma_start3A_199 = arith.constant 0 : i32
      %dma_start3A_200 = arith.constant 0 : i32
      %dma_start3A_201 = tpu.memref_slice %arg7[%arg0, %dma_start3A_198, %dma_start3A_199, %dma_start3A_200] : memref<2x5120x2x128xf32, #tpu.memory_space<hbm>> -> memref<1x5120x2x128xf32, #tpu.memory_space<hbm>>
      %dma_start3A_202 = tpu.memref_squeeze %dma_start3A_201 : memref<1x5120x2x128xf32, #tpu.memory_space<hbm>> -> memref<5120x2x128xf32, #tpu.memory_space<hbm>>
      %dma_start3A_203 = arith.constant 0 : i32
      %dma_start3A_204 = arith.constant 0 : i32
      %dma_start3A_205 = arith.constant 0 : i32
      %dma_start3A_206 = tpu.memref_slice %dma_start3A_202[%dma_start3A_203, %dma_start3A_204, %dma_start3A_205] : memref<5120x2x128xf32, #tpu.memory_space<hbm>> -> memref<5120x2x128xf32, #tpu.memory_space<hbm>>
      tpu.enqueue_indirect_dma source(%dma_start3A_206 : memref<5120x2x128xf32, #tpu.memory_space<hbm>>) target(%arg12 : memref<64x2x128xf32, #tpu.memory_space<vmem>>) offsets(%dma_start3A_197 : memref<64xi32, #tpu.memory_space<vmem>>) semaphore(%arg15 : memref<!tpu.dma_semaphore, #tpu.memory_space<semaphore_mem>>)
      %add3A_207 = arith.constant 1 : i32
      %add3A_208 = arith.addi %mul3A_166, %add3A_207 : i32
      %mul3A_209 = arith.constant 64 : i32
      %mul3A_210 = arith.muli %add3A_208, %mul3A_209 : i32
      %dma_wait3A_211 = tpu.memref_slice %arg10[%mul3A_210] : memref<5120xi32, #tpu.memory_space<vmem>> -> memref<64xi32, #tpu.memory_space<vmem>>
      %dma_wait3A_212 = arith.constant 0 : i32
      %dma_wait3A_213 = arith.constant 0 : i32
      %dma_wait3A_214 = arith.constant 0 : i32
      %dma_wait3A_215 = tpu.memref_slice %arg7[%arg0, %dma_wait3A_212, %dma_wait3A_213, %dma_wait3A_214] : memref<2x5120x2x128xf32, #tpu.memory_space<hbm>> -> memref<1x5120x2x128xf32, #tpu.memory_space<hbm>>
      %dma_wait3A_216 = tpu.memref_squeeze %dma_wait3A_215 : memref<1x5120x2x128xf32, #tpu.memory_space<hbm>> -> memref<5120x2x128xf32, #tpu.memory_space<hbm>>
      %dma_wait3A_217 = arith.constant 0 : i32
      %dma_wait3A_218 = arith.constant 0 : i32
      %dma_wait3A_219 = arith.constant 0 : i32
      %dma_wait3A_220 = tpu.memref_slice %dma_wait3A_216[%dma_wait3A_217, %dma_wait3A_218, %dma_wait3A_219] : memref<5120x2x128xf32, #tpu.memory_space<hbm>> -> memref<5120x2x128xf32, #tpu.memory_space<hbm>>
      tpu.wait_indirect_dma semaphore(%arg16 : memref<!tpu.dma_semaphore, #tpu.memory_space<semaphore_mem>>) src(%dma_wait3A_220 : memref<5120x2x128xf32, #tpu.memory_space<hbm>>) dst(%arg13 : memref<64x2x128xf32, #tpu.memory_space<vmem>>)
      "tpu.region"() ({
        %run_scoped3A_221 = tpu.sem_alloc : memref<!tpu.dma_semaphore, #tpu.memory_space<semaphore_mem>>
        %dma_start3A_222 = arith.constant 0 : i32
        %dma_start3A_223 = tpu.memref_slice %arg11[%add3A_208, %dma_start3A_222] : memref<80x64xi32, #tpu.memory_space<vmem>> -> memref<1x64xi32, #tpu.memory_space<vmem>>
        %dma_start3A_224 = tpu.memref_squeeze %dma_start3A_223 : memref<1x64xi32, #tpu.memory_space<vmem>> -> memref<64xi32, #tpu.memory_space<vmem>>
        %dma_start3A_225 = arith.constant 0 : i32
        %dma_start3A_226 = arith.constant 0 : i32
        %dma_start3A_227 = arith.constant 0 : i32
        %dma_start3A_228 = tpu.memref_slice %arg14[%dma_start3A_225, %dma_start3A_226, %dma_start3A_227] : memref<5120x2x128xf32, #tpu.memory_space<vmem_shared>> -> memref<5120x2x128xf32, #tpu.memory_space<vmem_shared>>
        tpu.enqueue_indirect_dma source(%arg13 : memref<64x2x128xf32, #tpu.memory_space<vmem>>) target(%dma_start3A_228 : memref<5120x2x128xf32, #tpu.memory_space<vmem_shared>>) offsets(%dma_start3A_224 : memref<64xi32, #tpu.memory_space<vmem>>) semaphore(%run_scoped3A_221 : memref<!tpu.dma_semaphore, #tpu.memory_space<semaphore_mem>>) {add = true}
        %dma_wait3A_229 = arith.constant 0 : i32
        %dma_wait3A_230 = tpu.memref_slice %arg11[%add3A_208, %dma_wait3A_229] : memref<80x64xi32, #tpu.memory_space<vmem>> -> memref<1x64xi32, #tpu.memory_space<vmem>>
        %dma_wait3A_231 = tpu.memref_squeeze %dma_wait3A_230 : memref<1x64xi32, #tpu.memory_space<vmem>> -> memref<64xi32, #tpu.memory_space<vmem>>
        %dma_wait3A_232 = arith.constant 0 : i32
        %dma_wait3A_233 = arith.constant 0 : i32
        %dma_wait3A_234 = arith.constant 0 : i32
        %dma_wait3A_235 = tpu.memref_slice %arg14[%dma_wait3A_232, %dma_wait3A_233, %dma_wait3A_234] : memref<5120x2x128xf32, #tpu.memory_space<vmem_shared>> -> memref<5120x2x128xf32, #tpu.memory_space<vmem_shared>>
        tpu.wait_indirect_dma semaphore(%run_scoped3A_221 : memref<!tpu.dma_semaphore, #tpu.memory_space<semaphore_mem>>) src(%arg13 : memref<64x2x128xf32, #tpu.memory_space<vmem>>) dst(%dma_wait3A_235 : memref<5120x2x128xf32, #tpu.memory_space<vmem_shared>>)
        tpu.yield
      }) : () -> ()
    }
    %scan3A_122 = arith.constant 39 : i32
    %dma_start3A_123 = arith.constant 5056 : i32
    %dma_start3A_124 = tpu.memref_slice %arg10[%dma_start3A_123] : memref<5120xi32, #tpu.memory_space<vmem>> -> memref<64xi32, #tpu.memory_space<vmem>>
    %dma_start3A_125 = arith.constant 0 : i32
    %dma_start3A_126 = arith.constant 0 : i32
    %dma_start3A_127 = arith.constant 0 : i32
    %dma_start3A_128 = tpu.memref_slice %arg7[%arg0, %dma_start3A_125, %dma_start3A_126, %dma_start3A_127] : memref<2x5120x2x128xf32, #tpu.memory_space<hbm>> -> memref<1x5120x2x128xf32, #tpu.memory_space<hbm>>
    %dma_start3A_129 = tpu.memref_squeeze %dma_start3A_128 : memref<1x5120x2x128xf32, #tpu.memory_space<hbm>> -> memref<5120x2x128xf32, #tpu.memory_space<hbm>>
    %dma_start3A_130 = arith.constant 0 : i32
    %dma_start3A_131 = arith.constant 0 : i32
    %dma_start3A_132 = arith.constant 0 : i32
    %dma_start3A_133 = tpu.memref_slice %dma_start3A_129[%dma_start3A_130, %dma_start3A_131, %dma_start3A_132] : memref<5120x2x128xf32, #tpu.memory_space<hbm>> -> memref<5120x2x128xf32, #tpu.memory_space<hbm>>
    tpu.enqueue_indirect_dma source(%dma_start3A_133 : memref<5120x2x128xf32, #tpu.memory_space<hbm>>) target(%arg13 : memref<64x2x128xf32, #tpu.memory_space<vmem>>) offsets(%dma_start3A_124 : memref<64xi32, #tpu.memory_space<vmem>>) semaphore(%arg16 : memref<!tpu.dma_semaphore, #tpu.memory_space<semaphore_mem>>)
    %dma_wait3A_134 = arith.constant 4992 : i32
    %dma_wait3A_135 = tpu.memref_slice %arg10[%dma_wait3A_134] : memref<5120xi32, #tpu.memory_space<vmem>> -> memref<64xi32, #tpu.memory_space<vmem>>
    %dma_wait3A_136 = arith.constant 0 : i32
    %dma_wait3A_137 = arith.constant 0 : i32
    %dma_wait3A_138 = arith.constant 0 : i32
    %dma_wait3A_139 = tpu.memref_slice %arg7[%arg0, %dma_wait3A_136, %dma_wait3A_137, %dma_wait3A_138] : memref<2x5120x2x128xf32, #tpu.memory_space<hbm>> -> memref<1x5120x2x128xf32, #tpu.memory_space<hbm>>
    %dma_wait3A_140 = tpu.memref_squeeze %dma_wait3A_139 : memref<1x5120x2x128xf32, #tpu.memory_space<hbm>> -> memref<5120x2x128xf32, #tpu.memory_space<hbm>>
    %dma_wait3A_141 = arith.constant 0 : i32
    %dma_wait3A_142 = arith.constant 0 : i32
    %dma_wait3A_143 = arith.constant 0 : i32
    %dma_wait3A_144 = tpu.memref_slice %dma_wait3A_140[%dma_wait3A_141, %dma_wait3A_142, %dma_wait3A_143] : memref<5120x2x128xf32, #tpu.memory_space<hbm>> -> memref<5120x2x128xf32, #tpu.memory_space<hbm>>
    tpu.wait_indirect_dma semaphore(%arg15 : memref<!tpu.dma_semaphore, #tpu.memory_space<semaphore_mem>>) src(%dma_wait3A_144 : memref<5120x2x128xf32, #tpu.memory_space<hbm>>) dst(%arg12 : memref<64x2x128xf32, #tpu.memory_space<vmem>>)
    %run_scoped3A_145 = arith.constant 78 : i32
    "tpu.region"() ({
      %run_scoped3A_164 = tpu.sem_alloc : memref<!tpu.dma_semaphore, #tpu.memory_space<semaphore_mem>>
      %dma_start3A_165 = arith.constant 0 : i32
      %dma_start3A_166 = tpu.memref_slice %arg11[%run_scoped3A_145, %dma_start3A_165] : memref<80x64xi32, #tpu.memory_space<vmem>> -> memref<1x64xi32, #tpu.memory_space<vmem>>
      %dma_start3A_167 = tpu.memref_squeeze %dma_start3A_166 : memref<1x64xi32, #tpu.memory_space<vmem>> -> memref<64xi32, #tpu.memory_space<vmem>>
      %dma_start3A_168 = arith.constant 0 : i32
      %dma_start3A_169 = arith.constant 0 : i32
      %dma_start3A_170 = arith.constant 0 : i32
      %dma_start3A_171 = tpu.memref_slice %arg14[%dma_start3A_168, %dma_start3A_169, %dma_start3A_170] : memref<5120x2x128xf32, #tpu.memory_space<vmem_shared>> -> memref<5120x2x128xf32, #tpu.memory_space<vmem_shared>>
      tpu.enqueue_indirect_dma source(%arg12 : memref<64x2x128xf32, #tpu.memory_space<vmem>>) target(%dma_start3A_171 : memref<5120x2x128xf32, #tpu.memory_space<vmem_shared>>) offsets(%dma_start3A_167 : memref<64xi32, #tpu.memory_space<vmem>>) semaphore(%run_scoped3A_164 : memref<!tpu.dma_semaphore, #tpu.memory_space<semaphore_mem>>) {add = true}
      %dma_wait3A_172 = arith.constant 0 : i32
      %dma_wait3A_173 = tpu.memref_slice %arg11[%run_scoped3A_145, %dma_wait3A_172] : memref<80x64xi32, #tpu.memory_space<vmem>> -> memref<1x64xi32, #tpu.memory_space<vmem>>
      %dma_wait3A_174 = tpu.memref_squeeze %dma_wait3A_173 : memref<1x64xi32, #tpu.memory_space<vmem>> -> memref<64xi32, #tpu.memory_space<vmem>>
      %dma_wait3A_175 = arith.constant 0 : i32
      %dma_wait3A_176 = arith.constant 0 : i32
      %dma_wait3A_177 = arith.constant 0 : i32
      %dma_wait3A_178 = tpu.memref_slice %arg14[%dma_wait3A_175, %dma_wait3A_176, %dma_wait3A_177] : memref<5120x2x128xf32, #tpu.memory_space<vmem_shared>> -> memref<5120x2x128xf32, #tpu.memory_space<vmem_shared>>
      tpu.wait_indirect_dma semaphore(%run_scoped3A_164 : memref<!tpu.dma_semaphore, #tpu.memory_space<semaphore_mem>>) src(%arg12 : memref<64x2x128xf32, #tpu.memory_space<vmem>>) dst(%dma_wait3A_178 : memref<5120x2x128xf32, #tpu.memory_space<vmem_shared>>)
      tpu.yield
    }) : () -> ()
    %dma_wait3A_146 = arith.constant 5056 : i32
    %dma_wait3A_147 = tpu.memref_slice %arg10[%dma_wait3A_146] : memref<5120xi32, #tpu.memory_space<vmem>> -> memref<64xi32, #tpu.memory_space<vmem>>
    %dma_wait3A_148 = arith.constant 0 : i32
    %dma_wait3A_149 = arith.constant 0 : i32
    %dma_wait3A_150 = arith.constant 0 : i32
    %dma_wait3A_151 = tpu.memref_slice %arg7[%arg0, %dma_wait3A_148, %dma_wait3A_149, %dma_wait3A_150] : memref<2x5120x2x128xf32, #tpu.memory_space<hbm>> -> memref<1x5120x2x128xf32, #tpu.memory_space<hbm>>
    %dma_wait3A_152 = tpu.memref_squeeze %dma_wait3A_151 : memref<1x5120x2x128xf32, #tpu.memory_space<hbm>> -> memref<5120x2x128xf32, #tpu.memory_space<hbm>>
    %dma_wait3A_153 = arith.constant 0 : i32
    %dma_wait3A_154 = arith.constant 0 : i32
    %dma_wait3A_155 = arith.constant 0 : i32
    %dma_wait3A_156 = tpu.memref_slice %dma_wait3A_152[%dma_wait3A_153, %dma_wait3A_154, %dma_wait3A_155] : memref<5120x2x128xf32, #tpu.memory_space<hbm>> -> memref<5120x2x128xf32, #tpu.memory_space<hbm>>
    tpu.wait_indirect_dma semaphore(%arg16 : memref<!tpu.dma_semaphore, #tpu.memory_space<semaphore_mem>>) src(%dma_wait3A_156 : memref<5120x2x128xf32, #tpu.memory_space<hbm>>) dst(%arg13 : memref<64x2x128xf32, #tpu.memory_space<vmem>>)
    %run_scoped3A_157 = arith.constant 79 : i32
    "tpu.region"() ({
      %run_scoped3A_164 = tpu.sem_alloc : memref<!tpu.dma_semaphore, #tpu.memory_space<semaphore_mem>>
      %dma_start3A_165 = arith.constant 0 : i32
      %dma_start3A_166 = tpu.memref_slice %arg11[%run_scoped3A_157, %dma_start3A_165] : memref<80x64xi32, #tpu.memory_space<vmem>> -> memref<1x64xi32, #tpu.memory_space<vmem>>
      %dma_start3A_167 = tpu.memref_squeeze %dma_start3A_166 : memref<1x64xi32, #tpu.memory_space<vmem>> -> memref<64xi32, #tpu.memory_space<vmem>>
      %dma_start3A_168 = arith.constant 0 : i32
      %dma_start3A_169 = arith.constant 0 : i32
      %dma_start3A_170 = arith.constant 0 : i32
      %dma_start3A_171 = tpu.memref_slice %arg14[%dma_start3A_168, %dma_start3A_169, %dma_start3A_170] : memref<5120x2x128xf32, #tpu.memory_space<vmem_shared>> -> memref<5120x2x128xf32, #tpu.memory_space<vmem_shared>>
      tpu.enqueue_indirect_dma source(%arg13 : memref<64x2x128xf32, #tpu.memory_space<vmem>>) target(%dma_start3A_171 : memref<5120x2x128xf32, #tpu.memory_space<vmem_shared>>) offsets(%dma_start3A_167 : memref<64xi32, #tpu.memory_space<vmem>>) semaphore(%run_scoped3A_164 : memref<!tpu.dma_semaphore, #tpu.memory_space<semaphore_mem>>) {add = true}
      %dma_wait3A_172 = arith.constant 0 : i32
      %dma_wait3A_173 = tpu.memref_slice %arg11[%run_scoped3A_157, %dma_wait3A_172] : memref<80x64xi32, #tpu.memory_space<vmem>> -> memref<1x64xi32, #tpu.memory_space<vmem>>
      %dma_wait3A_174 = tpu.memref_squeeze %dma_wait3A_173 : memref<1x64xi32, #tpu.memory_space<vmem>> -> memref<64xi32, #tpu.memory_space<vmem>>
      %dma_wait3A_175 = arith.constant 0 : i32
      %dma_wait3A_176 = arith.constant 0 : i32
      %dma_wait3A_177 = arith.constant 0 : i32
      %dma_wait3A_178 = tpu.memref_slice %arg14[%dma_wait3A_175, %dma_wait3A_176, %dma_wait3A_177] : memref<5120x2x128xf32, #tpu.memory_space<vmem_shared>> -> memref<5120x2x128xf32, #tpu.memory_space<vmem_shared>>
      tpu.wait_indirect_dma semaphore(%run_scoped3A_164 : memref<!tpu.dma_semaphore, #tpu.memory_space<semaphore_mem>>) src(%arg13 : memref<64x2x128xf32, #tpu.memory_space<vmem>>) dst(%dma_wait3A_178 : memref<5120x2x128xf32, #tpu.memory_space<vmem_shared>>)
      tpu.yield
    }) : () -> ()
    %barrier3A_158 = arith.constant 0 : index
    tpu.barrier barrier_id(%barrier3A_158)
    %mul3A_159 = arith.constant 320 : i32
    %mul3A_160 = arith.muli %arg1, %mul3A_159 : i32
    %mul3A_161 = arith.constant 320 : i32
    %mul3A_162 = arith.muli %arg1, %mul3A_161 : i32
    "tpu.region"() ({
      %run_scoped3A_164 = tpu.sem_alloc : memref<!tpu.dma_semaphore, #tpu.memory_space<semaphore_mem>>
      %dma_start3A_165 = arith.constant 0 : i32
      %dma_start3A_166 = arith.constant 0 : i32
      %dma_start3A_167 = tpu.memref_slice %arg9[%arg0, %mul3A_162, %dma_start3A_165, %dma_start3A_166] : memref<2x5120x2x128xf32, #tpu.memory_space<hbm>> -> memref<1x320x2x128xf32, #tpu.memory_space<hbm>>
      %dma_start3A_168 = tpu.memref_squeeze %dma_start3A_167 : memref<1x320x2x128xf32, #tpu.memory_space<hbm>> -> memref<320x2x128xf32, #tpu.memory_space<hbm>>
      %dma_start3A_169 = arith.constant 0 : i32
      %dma_start3A_170 = arith.constant 0 : i32
      %dma_start3A_171 = tpu.memref_slice %arg14[%mul3A_160, %dma_start3A_169, %dma_start3A_170] : memref<5120x2x128xf32, #tpu.memory_space<vmem_shared>> -> memref<320x2x128xf32, #tpu.memory_space<vmem_shared>>
      tpu.enqueue_dma source(%dma_start3A_171 : memref<320x2x128xf32, #tpu.memory_space<vmem_shared>>) target(%dma_start3A_168 : memref<320x2x128xf32, #tpu.memory_space<hbm>>) target_semaphore(%run_scoped3A_164 : memref<!tpu.dma_semaphore, #tpu.memory_space<semaphore_mem>>)
      %dma_wait3A_172 = arith.constant 0 : i32
      %dma_wait3A_173 = arith.constant 0 : i32
      %dma_wait3A_174 = tpu.memref_slice %arg9[%arg0, %mul3A_162, %dma_wait3A_172, %dma_wait3A_173] : memref<2x5120x2x128xf32, #tpu.memory_space<hbm>> -> memref<1x320x2x128xf32, #tpu.memory_space<hbm>>
      %dma_wait3A_175 = tpu.memref_squeeze %dma_wait3A_174 : memref<1x320x2x128xf32, #tpu.memory_space<hbm>> -> memref<320x2x128xf32, #tpu.memory_space<hbm>>
      %dma_wait3A_176 = arith.constant 0 : i32
      %dma_wait3A_177 = arith.constant 0 : i32
      %dma_wait3A_178 = tpu.memref_slice %arg14[%mul3A_160, %dma_wait3A_176, %dma_wait3A_177] : memref<5120x2x128xf32, #tpu.memory_space<vmem_shared>> -> memref<320x2x128xf32, #tpu.memory_space<vmem_shared>>
      tpu.wait_dma2 semaphore(%run_scoped3A_164 : memref<!tpu.dma_semaphore, #tpu.memory_space<semaphore_mem>>) src(%dma_wait3A_178 : memref<320x2x128xf32, #tpu.memory_space<vmem_shared>>) dst(%dma_wait3A_175 : memref<320x2x128xf32, #tpu.memory_space<hbm>>)
      tpu.yield
    }) : () -> ()
    %barrier3A_163 = arith.constant 0 : index
    tpu.barrier barrier_id(%barrier3A_163)
    return
  }
}

module attributes {stable_mosaic.version = 14 : i64} {
  func.func @_scale_body(%arg0: i32, %arg1: memref<512x512xf32, #tpu.memory_space<vmem>>, %arg2: memref<512x512xf32, #tpu.memory_space<vmem>>, %arg3: memref<32x2x5120xf32, #tpu.memory_space<vmem>>, %arg4: memref<2x512x2x128xf32, #tpu.memory_space<vmem>>, %arg5: memref<2x512x2x128xf32, #tpu.memory_space<vmem>>, %arg6: memref<512x128xf32, #tpu.memory_space<vmem>>, %arg7: memref<512x128xf32, #tpu.memory_space<vmem>>) attributes {dimension_semantics = [#tpu.dimension_semantics<arbitrary>], iteration_bounds = array<i64: 10>, scalar_prefetch = 0 : i64, scratch_operands = 0 : i64, tpu.core_type = #tpu.core_type<tc>, window_params = [{transform_indices = @transform_0, window_bounds = array<i64: 512, 512>}, {transform_indices = @transform_1, window_bounds = array<i64: 512, 512>}, {pipeline_mode = #tpu.pipeline_mode<synchronous>, transform_indices = @transform_2, window_bounds = array<i64: 32, 2, 5120>}, {transform_indices = @transform_3, window_bounds = array<i64: 2, 512, 2, 128>}, {transform_indices = @transform_4, window_bounds = array<i64: 2, 512, 2, 128>}, {transform_indices = @transform_5, window_bounds = array<i64: 512, 128>}, {transform_indices = @transform_6, window_bounds = array<i64: 512, 128>}]} {
    %mul3A = arith.constant 512 : i32
    %mul3A_0 = arith.muli %arg0, %mul3A : i32
    %get3A = arith.constant 0 : index
    %get3A_1 = arith.constant 0 : index
    %get3A_2 = arith.index_cast %mul3A_0 : i32 to index
    %get3A_3 = vector.load %arg3[%get3A, %get3A_1, %get3A_2] : memref<32x2x5120xf32, #tpu.memory_space<vmem>>, vector<32x2x512xf32>
    %reduce_sum3A = arith.constant dense<0.000000e+00> : vector<2x512xf32>
    %reduce_sum3A_4 = vector.multi_reduction <add>, %get3A_3, %reduce_sum3A [0] : vector<32x2x512xf32> to vector<2x512xf32>
    %slice3A = vector.extract_strided_slice %reduce_sum3A_4 {offsets = [0, 0], sizes = [1, 512], strides = [1, 1]} : vector<2x512xf32> to vector<1x512xf32>
    %squeeze3A = vector.shape_cast %slice3A : vector<1x512xf32> to vector<512xf32>
    %max3A = arith.constant 1.000000e+00 : f32
    %max3A_5 = vector.broadcast %max3A : f32 to vector<512xf32>
    %max3A_6 = arith.maximumf %squeeze3A, %max3A_5 : vector<512xf32>
    %rsqrt3A = math.rsqrt %max3A_6 : vector<512xf32>
    %reshape3A = vector.shape_cast %rsqrt3A : vector<512xf32> to vector<512x1xf32>
    %slice3A_7 = vector.extract_strided_slice %reduce_sum3A_4 {offsets = [1, 0], sizes = [1, 512], strides = [1, 1]} : vector<2x512xf32> to vector<1x512xf32>
    %squeeze3A_8 = vector.shape_cast %slice3A_7 : vector<1x512xf32> to vector<512xf32>
    %max3A_9 = arith.constant 1.000000e+00 : f32
    %max3A_10 = vector.broadcast %max3A_9 : f32 to vector<512xf32>
    %max3A_11 = arith.maximumf %squeeze3A_8, %max3A_10 : vector<512xf32>
    %rsqrt3A_12 = math.rsqrt %max3A_11 : vector<512xf32>
    %reshape3A_13 = vector.shape_cast %rsqrt3A_12 : vector<512xf32> to vector<512x1xf32>
    %broadcast_in_dim3A = vector.shape_cast %reshape3A : vector<512x1xf32> to vector<512x1xf32>
    %broadcast_in_dim3A_14 = vector.broadcast %broadcast_in_dim3A : vector<512x1xf32> to vector<512x128xf32>
    %swap3A = arith.constant 0 : index
    %swap3A_15 = arith.constant 0 : index
    %swap3A_16 = vector.load %arg6[%swap3A, %swap3A_15] : memref<512x128xf32, #tpu.memory_space<vmem>>, vector<512x128xf32>
    tpu.vector_store %arg6[%swap3A, %swap3A_15], %broadcast_in_dim3A_14 {strides = array<i32>} : memref<512x128xf32, #tpu.memory_space<vmem>>, vector<512x128xf32>,
    %broadcast_in_dim3A_17 = vector.shape_cast %reshape3A_13 : vector<512x1xf32> to vector<512x1xf32>
    %broadcast_in_dim3A_18 = vector.broadcast %broadcast_in_dim3A_17 : vector<512x1xf32> to vector<512x128xf32>
    %swap3A_19 = arith.constant 0 : index
    %swap3A_20 = arith.constant 0 : index
    %swap3A_21 = vector.load %arg7[%swap3A_19, %swap3A_20] : memref<512x128xf32, #tpu.memory_space<vmem>>, vector<512x128xf32>
    tpu.vector_store %arg7[%swap3A_19, %swap3A_20], %broadcast_in_dim3A_18 {strides = array<i32>} : memref<512x128xf32, #tpu.memory_space<vmem>>, vector<512x128xf32>,
    %get3A_22 = arith.constant 0 : index
    %get3A_23 = arith.constant 0 : index
    %get3A_24 = vector.load %arg1[%get3A_22, %get3A_23] : memref<512x512xf32, #tpu.memory_space<vmem>>, vector<512x512xf32>
    %mul3A_25 = vector.broadcast %reshape3A : vector<512x1xf32> to vector<512x512xf32>
    %mul3A_26 = arith.mulf %get3A_24, %mul3A_25 : vector<512x512xf32>
    %get3A_27 = arith.constant 0 : index
    %get3A_28 = arith.constant 0 : index
    %get3A_29 = vector.load %arg2[%get3A_27, %get3A_28] : memref<512x512xf32, #tpu.memory_space<vmem>>, vector<512x512xf32>
    %mul3A_30 = vector.broadcast %reshape3A_13 : vector<512x1xf32> to vector<512x512xf32>
    %mul3A_31 = arith.mulf %get3A_29, %mul3A_30 : vector<512x512xf32>
    %slice3A_32 = vector.extract_strided_slice %mul3A_26 {offsets = [0, 0], sizes = [512, 128], strides = [1, 1]} : vector<512x512xf32> to vector<512x128xf32>
    %swap3A_33 = arith.constant 0 : index
    %swap3A_34 = arith.constant 0 : index
    %swap3A_35 = arith.constant 0 : index
    %swap3A_36 = arith.constant 0 : index
    %swap3A_37 = vector.load %arg4[%swap3A_33, %swap3A_34, %swap3A_35, %swap3A_36] : memref<2x512x2x128xf32, #tpu.memory_space<vmem>>, vector<1x512x1x128xf32>
    %swap3A_38 = vector.shape_cast %swap3A_37 : vector<1x512x1x128xf32> to vector<512x128xf32>
    %swap3A_39 = vector.shape_cast %slice3A_32 : vector<512x128xf32> to vector<1x512x1x128xf32>
    tpu.vector_store %arg4[%swap3A_33, %swap3A_34, %swap3A_35, %swap3A_36], %swap3A_39 {strides = array<i32>} : memref<2x512x2x128xf32, #tpu.memory_space<vmem>>, vector<1x512x1x128xf32>,
    %slice3A_40 = vector.extract_strided_slice %mul3A_31 {offsets = [0, 0], sizes = [512, 128], strides = [1, 1]} : vector<512x512xf32> to vector<512x128xf32>
    %swap3A_41 = arith.constant 0 : index
    %swap3A_42 = arith.constant 0 : index
    %swap3A_43 = arith.constant 0 : index
    %swap3A_44 = arith.constant 0 : index
    %swap3A_45 = vector.load %arg5[%swap3A_41, %swap3A_42, %swap3A_43, %swap3A_44] : memref<2x512x2x128xf32, #tpu.memory_space<vmem>>, vector<1x512x1x128xf32>
    %swap3A_46 = vector.shape_cast %swap3A_45 : vector<1x512x1x128xf32> to vector<512x128xf32>
    %swap3A_47 = vector.shape_cast %slice3A_40 : vector<512x128xf32> to vector<1x512x1x128xf32>
    tpu.vector_store %arg5[%swap3A_41, %swap3A_42, %swap3A_43, %swap3A_44], %swap3A_47 {strides = array<i32>} : memref<2x512x2x128xf32, #tpu.memory_space<vmem>>, vector<1x512x1x128xf32>,
    %slice3A_48 = vector.extract_strided_slice %mul3A_26 {offsets = [0, 128], sizes = [512, 128], strides = [1, 1]} : vector<512x512xf32> to vector<512x128xf32>
    %swap3A_49 = arith.constant 0 : index
    %swap3A_50 = arith.constant 0 : index
    %swap3A_51 = arith.constant 1 : index
    %swap3A_52 = arith.constant 0 : index
    %swap3A_53 = vector.load %arg4[%swap3A_49, %swap3A_50, %swap3A_51, %swap3A_52] : memref<2x512x2x128xf32, #tpu.memory_space<vmem>>, vector<1x512x1x128xf32>
    %swap3A_54 = vector.shape_cast %swap3A_53 : vector<1x512x1x128xf32> to vector<512x128xf32>
    %swap3A_55 = vector.shape_cast %slice3A_48 : vector<512x128xf32> to vector<1x512x1x128xf32>
    tpu.vector_store %arg4[%swap3A_49, %swap3A_50, %swap3A_51, %swap3A_52], %swap3A_55 {strides = array<i32>} : memref<2x512x2x128xf32, #tpu.memory_space<vmem>>, vector<1x512x1x128xf32>,
    %slice3A_56 = vector.extract_strided_slice %mul3A_31 {offsets = [0, 128], sizes = [512, 128], strides = [1, 1]} : vector<512x512xf32> to vector<512x128xf32>
    %swap3A_57 = arith.constant 0 : index
    %swap3A_58 = arith.constant 0 : index
    %swap3A_59 = arith.constant 1 : index
    %swap3A_60 = arith.constant 0 : index
    %swap3A_61 = vector.load %arg5[%swap3A_57, %swap3A_58, %swap3A_59, %swap3A_60] : memref<2x512x2x128xf32, #tpu.memory_space<vmem>>, vector<1x512x1x128xf32>
    %swap3A_62 = vector.shape_cast %swap3A_61 : vector<1x512x1x128xf32> to vector<512x128xf32>
    %swap3A_63 = vector.shape_cast %slice3A_56 : vector<512x128xf32> to vector<1x512x1x128xf32>
    tpu.vector_store %arg5[%swap3A_57, %swap3A_58, %swap3A_59, %swap3A_60], %swap3A_63 {strides = array<i32>} : memref<2x512x2x128xf32, #tpu.memory_space<vmem>>, vector<1x512x1x128xf32>,
    %slice3A_64 = vector.extract_strided_slice %mul3A_26 {offsets = [0, 256], sizes = [512, 128], strides = [1, 1]} : vector<512x512xf32> to vector<512x128xf32>
    %swap3A_65 = arith.constant 1 : index
    %swap3A_66 = arith.constant 0 : index
    %swap3A_67 = arith.constant 0 : index
    %swap3A_68 = arith.constant 0 : index
    %swap3A_69 = vector.load %arg4[%swap3A_65, %swap3A_66, %swap3A_67, %swap3A_68] : memref<2x512x2x128xf32, #tpu.memory_space<vmem>>, vector<1x512x1x128xf32>
    %swap3A_70 = vector.shape_cast %swap3A_69 : vector<1x512x1x128xf32> to vector<512x128xf32>
    %swap3A_71 = vector.shape_cast %slice3A_64 : vector<512x128xf32> to vector<1x512x1x128xf32>
    tpu.vector_store %arg4[%swap3A_65, %swap3A_66, %swap3A_67, %swap3A_68], %swap3A_71 {strides = array<i32>} : memref<2x512x2x128xf32, #tpu.memory_space<vmem>>, vector<1x512x1x128xf32>,
    %slice3A_72 = vector.extract_strided_slice %mul3A_31 {offsets = [0, 256], sizes = [512, 128], strides = [1, 1]} : vector<512x512xf32> to vector<512x128xf32>
    %swap3A_73 = arith.constant 1 : index
    %swap3A_74 = arith.constant 0 : index
    %swap3A_75 = arith.constant 0 : index
    %swap3A_76 = arith.constant 0 : index
    %swap3A_77 = vector.load %arg5[%swap3A_73, %swap3A_74, %swap3A_75, %swap3A_76] : memref<2x512x2x128xf32, #tpu.memory_space<vmem>>, vector<1x512x1x128xf32>
    %swap3A_78 = vector.shape_cast %swap3A_77 : vector<1x512x1x128xf32> to vector<512x128xf32>
    %swap3A_79 = vector.shape_cast %slice3A_72 : vector<512x128xf32> to vector<1x512x1x128xf32>
    tpu.vector_store %arg5[%swap3A_73, %swap3A_74, %swap3A_75, %swap3A_76], %swap3A_79 {strides = array<i32>} : memref<2x512x2x128xf32, #tpu.memory_space<vmem>>, vector<1x512x1x128xf32>,
    %slice3A_80 = vector.extract_strided_slice %mul3A_26 {offsets = [0, 384], sizes = [512, 128], strides = [1, 1]} : vector<512x512xf32> to vector<512x128xf32>
    %swap3A_81 = arith.constant 1 : index
    %swap3A_82 = arith.constant 0 : index
    %swap3A_83 = arith.constant 1 : index
    %swap3A_84 = arith.constant 0 : index
    %swap3A_85 = vector.load %arg4[%swap3A_81, %swap3A_82, %swap3A_83, %swap3A_84] : memref<2x512x2x128xf32, #tpu.memory_space<vmem>>, vector<1x512x1x128xf32>
    %swap3A_86 = vector.shape_cast %swap3A_85 : vector<1x512x1x128xf32> to vector<512x128xf32>
    %swap3A_87 = vector.shape_cast %slice3A_80 : vector<512x128xf32> to vector<1x512x1x128xf32>
    tpu.vector_store %arg4[%swap3A_81, %swap3A_82, %swap3A_83, %swap3A_84], %swap3A_87 {strides = array<i32>} : memref<2x512x2x128xf32, #tpu.memory_space<vmem>>, vector<1x512x1x128xf32>,
    %slice3A_88 = vector.extract_strided_slice %mul3A_31 {offsets = [0, 384], sizes = [512, 128], strides = [1, 1]} : vector<512x512xf32> to vector<512x128xf32>
    %swap3A_89 = arith.constant 1 : index
    %swap3A_90 = arith.constant 0 : index
    %swap3A_91 = arith.constant 1 : index
    %swap3A_92 = arith.constant 0 : index
    %swap3A_93 = vector.load %arg5[%swap3A_89, %swap3A_90, %swap3A_91, %swap3A_92] : memref<2x512x2x128xf32, #tpu.memory_space<vmem>>, vector<1x512x1x128xf32>
    %swap3A_94 = vector.shape_cast %swap3A_93 : vector<1x512x1x128xf32> to vector<512x128xf32>
    %swap3A_95 = vector.shape_cast %slice3A_88 : vector<512x128xf32> to vector<1x512x1x128xf32>
    tpu.vector_store %arg5[%swap3A_89, %swap3A_90, %swap3A_91, %swap3A_92], %swap3A_95 {strides = array<i32>} : memref<2x512x2x128xf32, #tpu.memory_space<vmem>>, vector<1x512x1x128xf32>,
    return
  }
  func.func @transform_0(%arg0: i32) -> (i32, i32) {
    %c0_i32 = arith.constant 0 : i32
    %c0_i32_0 = arith.constant 0 : i32
    return %arg0, %c0_i32 : i32, i32
  }
  func.func @transform_1(%arg0: i32) -> (i32, i32) {
    %c0_i32 = arith.constant 0 : i32
    %c0_i32_0 = arith.constant 0 : i32
    return %arg0, %c0_i32 : i32, i32
  }
  func.func @transform_2(%arg0: i32) -> (i32, i32, i32) {
    %c0_i32 = arith.constant 0 : i32
    %c0_i32_0 = arith.constant 0 : i32
    %c0_i32_1 = arith.constant 0 : i32
    %c0_i32_2 = arith.constant 0 : i32
    return %c0_i32, %c0_i32_0, %c0_i32_1 : i32, i32, i32
  }
  func.func @transform_3(%arg0: i32) -> (i32, i32, i32, i32) {
    %c0_i32 = arith.constant 0 : i32
    %c0_i32_0 = arith.constant 0 : i32
    %c0_i32_1 = arith.constant 0 : i32
    %c0_i32_2 = arith.constant 0 : i32
    return %c0_i32, %arg0, %c0_i32_0, %c0_i32_1 : i32, i32, i32, i32
  }
  func.func @transform_4(%arg0: i32) -> (i32, i32, i32, i32) {
    %c0_i32 = arith.constant 0 : i32
    %c0_i32_0 = arith.constant 0 : i32
    %c0_i32_1 = arith.constant 0 : i32
    %c0_i32_2 = arith.constant 0 : i32
    return %c0_i32, %arg0, %c0_i32_0, %c0_i32_1 : i32, i32, i32, i32
  }
  func.func @transform_5(%arg0: i32) -> (i32, i32) {
    %c0_i32 = arith.constant 0 : i32
    %c0_i32_0 = arith.constant 0 : i32
    return %arg0, %c0_i32 : i32, i32
  }
  func.func @transform_6(%arg0: i32) -> (i32, i32) {
    %c0_i32 = arith.constant 0 : i32
    %c0_i32_0 = arith.constant 0 : i32
    return %arg0, %c0_i32 : i32, i32
  }
}

module attributes {stable_mosaic.version = 14 : i64} {
  func.func @_mm_body(%arg0: i32, %arg1: memref<2x1000x2x128xf32, #tpu.memory_space<vmem>>, %arg2: memref<2x1000x2x128xf32, #tpu.memory_space<vmem>>, %arg3: memref<1000x128xf32, #tpu.memory_space<vmem>>, %arg4: memref<1000x128xf32, #tpu.memory_space<vmem>>, %arg5: memref<512x512xf32, #tpu.memory_space<vmem>>, %arg6: memref<1x512xf32, #tpu.memory_space<vmem>>, %arg7: memref<512x512xf32, #tpu.memory_space<vmem>>, %arg8: memref<1x512xf32, #tpu.memory_space<vmem>>, %arg9: memref<1000x512xf32, #tpu.memory_space<vmem>>, %arg10: memref<1000x512xf32, #tpu.memory_space<vmem>>, %arg11: memref<1000x512xf32, #tpu.memory_space<vmem>>, %arg12: memref<1000x512xf32, #tpu.memory_space<vmem>>) attributes {dimension_semantics = [#tpu.dimension_semantics<arbitrary>], iteration_bounds = array<i64: 5>, scalar_prefetch = 0 : i64, scratch_operands = 0 : i64, tpu.core_type = #tpu.core_type<tc>, window_params = [{transform_indices = @transform_0, window_bounds = array<i64: 2, 1000, 2, 128>}, {transform_indices = @transform_1, window_bounds = array<i64: 2, 1000, 2, 128>}, {transform_indices = @transform_2, window_bounds = array<i64: 1000, 128>}, {transform_indices = @transform_3, window_bounds = array<i64: 1000, 128>}, {pipeline_mode = #tpu.pipeline_mode<synchronous>, transform_indices = @transform_4, window_bounds = array<i64: 512, 512>}, {pipeline_mode = #tpu.pipeline_mode<synchronous>, transform_indices = @transform_5, window_bounds = array<i64: 1, 512>}, {pipeline_mode = #tpu.pipeline_mode<synchronous>, transform_indices = @transform_6, window_bounds = array<i64: 512, 512>}, {pipeline_mode = #tpu.pipeline_mode<synchronous>, transform_indices = @transform_7, window_bounds = array<i64: 1, 512>}, {transform_indices = @transform_8, window_bounds = array<i64: 1000, 512>}, {transform_indices = @transform_9, window_bounds = array<i64: 1000, 512>}, {transform_indices = @transform_10, window_bounds = array<i64: 1000, 512>}, {transform_indices = @transform_11, window_bounds = array<i64: 1000, 512>}]} {
    %get3A = arith.constant 0 : index
    %get3A_0 = arith.constant 0 : index
    %get3A_1 = vector.load %arg4[%get3A, %get3A_0] : memref<1000x128xf32, #tpu.memory_space<vmem>>, vector<1000x1xf32>
    %broadcast_in_dim3A = arith.constant 0.000000e+00 : f32
    %broadcast_in_dim3A_2 = vector.broadcast %broadcast_in_dim3A : f32 to vector<1000x512xf32>
    %get3A_3 = arith.constant 0 : index
    %get3A_4 = arith.constant 0 : index
    %get3A_5 = arith.constant 0 : index
    %get3A_6 = arith.constant 0 : index
    %get3A_7 = vector.load %arg1[%get3A_3, %get3A_4, %get3A_5, %get3A_6] : memref<2x1000x2x128xf32, #tpu.memory_space<vmem>>, vector<1x1000x1x128xf32>
    %get3A_8 = vector.shape_cast %get3A_7 : vector<1x1000x1x128xf32> to vector<1000x128xf32>
    %get3A_9 = arith.constant 0 : index
    %get3A_10 = arith.constant 0 : index
    %get3A_11 = vector.load %arg5[%get3A_9, %get3A_10] : memref<512x512xf32, #tpu.memory_space<vmem>>, vector<128x512xf32>
    %dot_general3A = arith.constant dense<0.000000e+00> : vector<1000x512xf32>
    %dot_general3A_12 = tpu.matmul %get3A_8, %get3A_11, %dot_general3A {dimension_numbers = #tpu.dot_dimension_numbers<[1], [0], [0], [1], [0, 0, 1, 1], [], []>, transpose_lhs_hint = false} : vector<1000x128xf32>, vector<128x512xf32>, vector<1000x512xf32> -> vector<1000x512xf32>
    %add3A = arith.addf %broadcast_in_dim3A_2, %dot_general3A_12 : vector<1000x512xf32>
    %get3A_13 = arith.constant 0 : index
    %get3A_14 = arith.constant 0 : index
    %get3A_15 = arith.constant 1 : index
    %get3A_16 = arith.constant 0 : index
    %get3A_17 = vector.load %arg1[%get3A_13, %get3A_14, %get3A_15, %get3A_16] : memref<2x1000x2x128xf32, #tpu.memory_space<vmem>>, vector<1x1000x1x128xf32>
    %get3A_18 = vector.shape_cast %get3A_17 : vector<1x1000x1x128xf32> to vector<1000x128xf32>
    %get3A_19 = arith.constant 128 : index
    %get3A_20 = arith.constant 0 : index
    %get3A_21 = vector.load %arg5[%get3A_19, %get3A_20] : memref<512x512xf32, #tpu.memory_space<vmem>>, vector<128x512xf32>
    %dot_general3A_22 = arith.constant dense<0.000000e+00> : vector<1000x512xf32>
    %dot_general3A_23 = tpu.matmul %get3A_18, %get3A_21, %dot_general3A_22 {dimension_numbers = #tpu.dot_dimension_numbers<[1], [0], [0], [1], [0, 0, 1, 1], [], []>, transpose_lhs_hint = false} : vector<1000x128xf32>, vector<128x512xf32>, vector<1000x512xf32> -> vector<1000x512xf32>
    %add3A_24 = arith.addf %add3A, %dot_general3A_23 : vector<1000x512xf32>
    %get3A_25 = arith.constant 1 : index
    %get3A_26 = arith.constant 0 : index
    %get3A_27 = arith.constant 0 : index
    %get3A_28 = arith.constant 0 : index
    %get3A_29 = vector.load %arg1[%get3A_25, %get3A_26, %get3A_27, %get3A_28] : memref<2x1000x2x128xf32, #tpu.memory_space<vmem>>, vector<1x1000x1x128xf32>
    %get3A_30 = vector.shape_cast %get3A_29 : vector<1x1000x1x128xf32> to vector<1000x128xf32>
    %get3A_31 = arith.constant 256 : index
    %get3A_32 = arith.constant 0 : index
    %get3A_33 = vector.load %arg5[%get3A_31, %get3A_32] : memref<512x512xf32, #tpu.memory_space<vmem>>, vector<128x512xf32>
    %dot_general3A_34 = arith.constant dense<0.000000e+00> : vector<1000x512xf32>
    %dot_general3A_35 = tpu.matmul %get3A_30, %get3A_33, %dot_general3A_34 {dimension_numbers = #tpu.dot_dimension_numbers<[1], [0], [0], [1], [0, 0, 1, 1], [], []>, transpose_lhs_hint = false} : vector<1000x128xf32>, vector<128x512xf32>, vector<1000x512xf32> -> vector<1000x512xf32>
    %add3A_36 = arith.addf %add3A_24, %dot_general3A_35 : vector<1000x512xf32>
    %get3A_37 = arith.constant 1 : index
    %get3A_38 = arith.constant 0 : index
    %get3A_39 = arith.constant 1 : index
    %get3A_40 = arith.constant 0 : index
    %get3A_41 = vector.load %arg1[%get3A_37, %get3A_38, %get3A_39, %get3A_40] : memref<2x1000x2x128xf32, #tpu.memory_space<vmem>>, vector<1x1000x1x128xf32>
    %get3A_42 = vector.shape_cast %get3A_41 : vector<1x1000x1x128xf32> to vector<1000x128xf32>
    %get3A_43 = arith.constant 384 : index
    %get3A_44 = arith.constant 0 : index
    %get3A_45 = vector.load %arg5[%get3A_43, %get3A_44] : memref<512x512xf32, #tpu.memory_space<vmem>>, vector<128x512xf32>
    %dot_general3A_46 = arith.constant dense<0.000000e+00> : vector<1000x512xf32>
    %dot_general3A_47 = tpu.matmul %get3A_42, %get3A_45, %dot_general3A_46 {dimension_numbers = #tpu.dot_dimension_numbers<[1], [0], [0], [1], [0, 0, 1, 1], [], []>, transpose_lhs_hint = false} : vector<1000x128xf32>, vector<128x512xf32>, vector<1000x512xf32> -> vector<1000x512xf32>
    %add3A_48 = arith.addf %add3A_36, %dot_general3A_47 : vector<1000x512xf32>
    %mul3A = vector.broadcast %get3A_1 : vector<1000x1xf32> to vector<1000x512xf32>
    %mul3A_49 = arith.mulf %mul3A, %add3A_48 : vector<1000x512xf32>
    %get3A_50 = arith.constant 0 : index
    %get3A_51 = arith.constant 0 : index
    %get3A_52 = vector.load %arg6[%get3A_50, %get3A_51] : memref<1x512xf32, #tpu.memory_space<vmem>>, vector<1x512xf32>
    %add3A_53 = vector.broadcast %get3A_52 : vector<1x512xf32> to vector<1000x512xf32>
    %add3A_54 = arith.addf %mul3A_49, %add3A_53 : vector<1000x512xf32>
    %get3A_55 = arith.constant 0 : index
    %get3A_56 = arith.constant 0 : index
    %get3A_57 = vector.load %arg3[%get3A_55, %get3A_56] : memref<1000x128xf32, #tpu.memory_space<vmem>>, vector<1000x1xf32>
    %broadcast_in_dim3A_58 = arith.constant 0.000000e+00 : f32
    %broadcast_in_dim3A_59 = vector.broadcast %broadcast_in_dim3A_58 : f32 to vector<1000x512xf32>
    %get3A_60 = arith.constant 0 : index
    %get3A_61 = arith.constant 0 : index
    %get3A_62 = arith.constant 0 : index
    %get3A_63 = arith.constant 0 : index
    %get3A_64 = vector.load %arg2[%get3A_60, %get3A_61, %get3A_62, %get3A_63] : memref<2x1000x2x128xf32, #tpu.memory_space<vmem>>, vector<1x1000x1x128xf32>
    %get3A_65 = vector.shape_cast %get3A_64 : vector<1x1000x1x128xf32> to vector<1000x128xf32>
    %get3A_66 = arith.constant 0 : index
    %get3A_67 = arith.constant 0 : index
    %get3A_68 = vector.load %arg7[%get3A_66, %get3A_67] : memref<512x512xf32, #tpu.memory_space<vmem>>, vector<128x512xf32>
    %dot_general3A_69 = arith.constant dense<0.000000e+00> : vector<1000x512xf32>
    %dot_general3A_70 = tpu.matmul %get3A_65, %get3A_68, %dot_general3A_69 {dimension_numbers = #tpu.dot_dimension_numbers<[1], [0], [0], [1], [0, 0, 1, 1], [], []>, transpose_lhs_hint = false} : vector<1000x128xf32>, vector<128x512xf32>, vector<1000x512xf32> -> vector<1000x512xf32>
    %add3A_71 = arith.addf %broadcast_in_dim3A_59, %dot_general3A_70 : vector<1000x512xf32>
    %get3A_72 = arith.constant 0 : index
    %get3A_73 = arith.constant 0 : index
    %get3A_74 = arith.constant 1 : index
    %get3A_75 = arith.constant 0 : index
    %get3A_76 = vector.load %arg2[%get3A_72, %get3A_73, %get3A_74, %get3A_75] : memref<2x1000x2x128xf32, #tpu.memory_space<vmem>>, vector<1x1000x1x128xf32>
    %get3A_77 = vector.shape_cast %get3A_76 : vector<1x1000x1x128xf32> to vector<1000x128xf32>
    %get3A_78 = arith.constant 128 : index
    %get3A_79 = arith.constant 0 : index
    %get3A_80 = vector.load %arg7[%get3A_78, %get3A_79] : memref<512x512xf32, #tpu.memory_space<vmem>>, vector<128x512xf32>
    %dot_general3A_81 = arith.constant dense<0.000000e+00> : vector<1000x512xf32>
    %dot_general3A_82 = tpu.matmul %get3A_77, %get3A_80, %dot_general3A_81 {dimension_numbers = #tpu.dot_dimension_numbers<[1], [0], [0], [1], [0, 0, 1, 1], [], []>, transpose_lhs_hint = false} : vector<1000x128xf32>, vector<128x512xf32>, vector<1000x512xf32> -> vector<1000x512xf32>
    %add3A_83 = arith.addf %add3A_71, %dot_general3A_82 : vector<1000x512xf32>
    %get3A_84 = arith.constant 1 : index
    %get3A_85 = arith.constant 0 : index
    %get3A_86 = arith.constant 0 : index
    %get3A_87 = arith.constant 0 : index
    %get3A_88 = vector.load %arg2[%get3A_84, %get3A_85, %get3A_86, %get3A_87] : memref<2x1000x2x128xf32, #tpu.memory_space<vmem>>, vector<1x1000x1x128xf32>
    %get3A_89 = vector.shape_cast %get3A_88 : vector<1x1000x1x128xf32> to vector<1000x128xf32>
    %get3A_90 = arith.constant 256 : index
    %get3A_91 = arith.constant 0 : index
    %get3A_92 = vector.load %arg7[%get3A_90, %get3A_91] : memref<512x512xf32, #tpu.memory_space<vmem>>, vector<128x512xf32>
    %dot_general3A_93 = arith.constant dense<0.000000e+00> : vector<1000x512xf32>
    %dot_general3A_94 = tpu.matmul %get3A_89, %get3A_92, %dot_general3A_93 {dimension_numbers = #tpu.dot_dimension_numbers<[1], [0], [0], [1], [0, 0, 1, 1], [], []>, transpose_lhs_hint = false} : vector<1000x128xf32>, vector<128x512xf32>, vector<1000x512xf32> -> vector<1000x512xf32>
    %add3A_95 = arith.addf %add3A_83, %dot_general3A_94 : vector<1000x512xf32>
    %get3A_96 = arith.constant 1 : index
    %get3A_97 = arith.constant 0 : index
    %get3A_98 = arith.constant 1 : index
    %get3A_99 = arith.constant 0 : index
    %get3A_100 = vector.load %arg2[%get3A_96, %get3A_97, %get3A_98, %get3A_99] : memref<2x1000x2x128xf32, #tpu.memory_space<vmem>>, vector<1x1000x1x128xf32>
    %get3A_101 = vector.shape_cast %get3A_100 : vector<1x1000x1x128xf32> to vector<1000x128xf32>
    %get3A_102 = arith.constant 384 : index
    %get3A_103 = arith.constant 0 : index
    %get3A_104 = vector.load %arg7[%get3A_102, %get3A_103] : memref<512x512xf32, #tpu.memory_space<vmem>>, vector<128x512xf32>
    %dot_general3A_105 = arith.constant dense<0.000000e+00> : vector<1000x512xf32>
    %dot_general3A_106 = tpu.matmul %get3A_101, %get3A_104, %dot_general3A_105 {dimension_numbers = #tpu.dot_dimension_numbers<[1], [0], [0], [1], [0, 0, 1, 1], [], []>, transpose_lhs_hint = false} : vector<1000x128xf32>, vector<128x512xf32>, vector<1000x512xf32> -> vector<1000x512xf32>
    %add3A_107 = arith.addf %add3A_95, %dot_general3A_106 : vector<1000x512xf32>
    %mul3A_108 = vector.broadcast %get3A_57 : vector<1000x1xf32> to vector<1000x512xf32>
    %mul3A_109 = arith.mulf %mul3A_108, %add3A_107 : vector<1000x512xf32>
    %get3A_110 = arith.constant 0 : index
    %get3A_111 = arith.constant 0 : index
    %get3A_112 = vector.load %arg8[%get3A_110, %get3A_111] : memref<1x512xf32, #tpu.memory_space<vmem>>, vector<1x512xf32>
    %add3A_113 = vector.broadcast %get3A_112 : vector<1x512xf32> to vector<1000x512xf32>
    %add3A_114 = arith.addf %mul3A_109, %add3A_113 : vector<1000x512xf32>
    %swap3A = arith.constant 0 : index
    %swap3A_115 = arith.constant 0 : index
    %swap3A_116 = vector.load %arg9[%swap3A, %swap3A_115] : memref<1000x512xf32, #tpu.memory_space<vmem>>, vector<1000x512xf32>
    tpu.vector_store %arg9[%swap3A, %swap3A_115], %add3A_114 {strides = array<i32>} : memref<1000x512xf32, #tpu.memory_space<vmem>>, vector<1000x512xf32>,
    %swap3A_117 = arith.constant 0 : index
    %swap3A_118 = arith.constant 0 : index
    %swap3A_119 = vector.load %arg10[%swap3A_117, %swap3A_118] : memref<1000x512xf32, #tpu.memory_space<vmem>>, vector<1000x512xf32>
    tpu.vector_store %arg10[%swap3A_117, %swap3A_118], %add3A_54 {strides = array<i32>} : memref<1000x512xf32, #tpu.memory_space<vmem>>, vector<1000x512xf32>,
    %swap3A_120 = arith.constant 0 : index
    %swap3A_121 = arith.constant 0 : index
    %swap3A_122 = vector.load %arg11[%swap3A_120, %swap3A_121] : memref<1000x512xf32, #tpu.memory_space<vmem>>, vector<1000x512xf32>
    tpu.vector_store %arg11[%swap3A_120, %swap3A_121], %add3A_114 {strides = array<i32>} : memref<1000x512xf32, #tpu.memory_space<vmem>>, vector<1000x512xf32>,
    %swap3A_123 = arith.constant 0 : index
    %swap3A_124 = arith.constant 0 : index
    %swap3A_125 = vector.load %arg12[%swap3A_123, %swap3A_124] : memref<1000x512xf32, #tpu.memory_space<vmem>>, vector<1000x512xf32>
    tpu.vector_store %arg12[%swap3A_123, %swap3A_124], %add3A_54 {strides = array<i32>} : memref<1000x512xf32, #tpu.memory_space<vmem>>, vector<1000x512xf32>,
    return
  }
  func.func @transform_0(%arg0: i32) -> (i32, i32, i32, i32) {
    %c0_i32 = arith.constant 0 : i32
    %c0_i32_0 = arith.constant 0 : i32
    %c0_i32_1 = arith.constant 0 : i32
    %c0_i32_2 = arith.constant 0 : i32
    return %c0_i32, %arg0, %c0_i32_0, %c0_i32_1 : i32, i32, i32, i32
  }
  func.func @transform_1(%arg0: i32) -> (i32, i32, i32, i32) {
    %c0_i32 = arith.constant 0 : i32
    %c0_i32_0 = arith.constant 0 : i32
    %c0_i32_1 = arith.constant 0 : i32
    %c0_i32_2 = arith.constant 0 : i32
    return %c0_i32, %arg0, %c0_i32_0, %c0_i32_1 : i32, i32, i32, i32
  }
  func.func @transform_2(%arg0: i32) -> (i32, i32) {
    %c0_i32 = arith.constant 0 : i32
    %c0_i32_0 = arith.constant 0 : i32
    return %arg0, %c0_i32 : i32, i32
  }
  func.func @transform_3(%arg0: i32) -> (i32, i32) {
    %c0_i32 = arith.constant 0 : i32
    %c0_i32_0 = arith.constant 0 : i32
    return %arg0, %c0_i32 : i32, i32
  }
  func.func @transform_4(%arg0: i32) -> (i32, i32) {
    %c0_i32 = arith.constant 0 : i32
    %c0_i32_0 = arith.constant 0 : i32
    %c0_i32_1 = arith.constant 0 : i32
    return %c0_i32, %c0_i32_0 : i32, i32
  }
  func.func @transform_5(%arg0: i32) -> (i32, i32) {
    %c0_i32 = arith.constant 0 : i32
    %c0_i32_0 = arith.constant 0 : i32
    %c0_i32_1 = arith.constant 0 : i32
    return %c0_i32, %c0_i32_0 : i32, i32
  }
  func.func @transform_6(%arg0: i32) -> (i32, i32) {
    %c0_i32 = arith.constant 0 : i32
    %c0_i32_0 = arith.constant 0 : i32
    %c0_i32_1 = arith.constant 0 : i32
    return %c0_i32, %c0_i32_0 : i32, i32
  }
  func.func @transform_7(%arg0: i32) -> (i32, i32) {
    %c0_i32 = arith.constant 0 : i32
    %c0_i32_0 = arith.constant 0 : i32
    %c0_i32_1 = arith.constant 0 : i32
    return %c0_i32, %c0_i32_0 : i32, i32
  }
  func.func @transform_8(%arg0: i32) -> (i32, i32) {
    %c0_i32 = arith.constant 0 : i32
    %c0_i32_0 = arith.constant 0 : i32
    return %arg0, %c0_i32 : i32, i32
  }
  func.func @transform_9(%arg0: i32) -> (i32, i32) {
    %c0_i32 = arith.constant 0 : i32
    %c0_i32_0 = arith.constant 0 : i32
    return %arg0, %c0_i32 : i32, i32
  }
  func.func @transform_10(%arg0: i32) -> (i32, i32) {
    %c0_i32 = arith.constant 0 : i32
    %c0_i32_0 = arith.constant 0 : i32
    return %arg0, %c0_i32 : i32, i32
  }
  func.func @transform_11(%arg0: i32) -> (i32, i32) {
    %c0_i32 = arith.constant 0 : i32
    %c0_i32_0 = arith.constant 0 : i32
    return %arg0, %c0_i32 : i32, i32
  }
}

</mosaic_0001>

<sc_bundles>
// kernel: kernel.6.cloned.1.call-start
scs
__scs_entry_jumppad:
0x0: {  	(pc) =	sbr.rel $0x88, $3  }
0x1: {  	(tag) =	ssettag $0x0;
	lr =	simm.s32 $0x1  }
0x2: {  	[smem:$0x3F9A] =	sst lr;
	_ =	strace $0xD0000000  }
0x3: {  	_ = 	snop  }
0x4: {  	_ = 	snop  }
0x5: {  	_ = 	snop  }
0x6: {  	_ = 	snop  }
0x7: {  	_ = 	snop  }
__scs_overlays_trampoline_lowered:
0x8: {  	[smem:$0x3FA9] =	sst s0  }
0x9: {  	[smem:$0x3FAA] =	sst s1  }
0xa: {  	[smem:$0x3FAB] =	sst s2  }
0xb: {  	[smem:$0x3FAC] =	sst s3  }
0xc: {  	[smem:$0x3FAD] =	sst s4  }
0xd: {  	[smem:$0x3FAE] =	sst s5  }
0xe: {  	[smem:$0x3FAF] =	sst s6  }
0xf: {  	[smem:$0x3FB0] =	sst s7  }
0x10: {  	[smem:$0x3FB1] =	sst s8  }
0x11: {  	[smem:$0x3FB2] =	sst s9;
	s0 =	simm.s32 @!p0 $0x0  }
0x12: {  	s1 =	sld [smem:$0x3F98];
	s0 =	simm.s32 @p0 $0x1  }
0x13: {  	[smem:$0x3FB3] =	sst s0;
	s0 =	simm.s32 @!p1 $0x0  }
0x14: {  	s2 =	sld [smem:$0x3F97];
	s0 =	simm.s32 @p1 $0x1  }
0x15: {  	[smem:$0x3FB4] =	sst s0;
	s0 =	simm.s32 @!p2 $0x0  }
0x16: {  	s3 =	sld [smem:$0x3FDB];
	s0 =	simm.s32 @p2 $0x1  }
0x17: {  	s4 =	simm.s32 $0x1BF5;
	[smem:$0x3FB6] =	sst s0  }
0x18: {  	s0 =	sld [smem:$0x3F99];
	_ =	swait.ge [sflag:s4], $0x0  }
0x19: {  	s7 =	sld [smem:$0x3F9A]  }
0x1a: {  	s8 =	sadd.s32 $0xFFFFE003, lr  }
0x1b: {  	s9 =	sadd.s32 $0xFFFFFEF7, lr;
	s5 =	simm.s32 $0xFFFFFFFF;
	p2 =	slt.u32 s8, $0xFFFFF086  }
0x1c: {  	p1 =	slt.u32 s9, $0xF7A;
	s5 =	simm.s32 @!p2 $0x0  }
0x1d: {  	s5 =	simm.s32 @p1 $0x1;
	p0 =	seq.s32 s7, s2  }
0x1e: {  	s7 =	smul.u32 @!p0 $0xF7A, s2;
	p2 =	seq.s32 @!p0 s5, $0x0  }
0x1f: {  	s9 =	smul.u32 $0xF7A, s1;
	s8 =	simm.s32 @!p0 $0x1BF5;
	p2 =	por !p2, p0  }
0x20: {  	[sflag:s8] =	ssyncset.s32 @!p0 $0xFFFFF086;
	s6 =	sadd.s32 @!p0 s3, s7;
	s7 =	simm.s32 @!p0 $0x108  }
0x21: {  	s3 =	sadd.s32 s3, s9;
	s6 =	sadd.s32 @!p0 $0x88, s6;
	s7 =	simm.s32 @p2 $0x1082  }
0x22: {  	[simem:s7], [sflag:s8] =	dma.local @!p0 [hbm:s6], $0xF7A  }
0x23: {  	s9 =	sor.u32 $0xD0000000, s2;
	s6 =	simm.s32 $0x108;
	_ =	swait.ge @!p0 [sflag:s8], $0x0  }
0x24: {  	s3 =	sadd.s32 $0x88, s3;
	s6 =	simm.s32 @!p1 $0x1082;
	[sflag:s4] =	ssyncset.s32 $0xFFFFF086  }
0x25: {  	[simem:s6], [sflag:s4] =	dma.local [hbm:s3], $0xF7A  }
0x26: {  	[smem:$0x3F9A] =	sst s1;
	(tag) =	ssettag s2;
	_ =	strace s9  }
0x27: {  	s1 =	sld [smem:$0x3FAA]  }
0x28: {  	s2 =	sld [smem:$0x3FAB]  }
0x29: {  	s4 =	sld [smem:$0x3FAD]  }
0x2a: {  	p0 =	seq.s32 s5, $0x0;
	s5 =	sld [smem:$0x3FAE]  }
0x2b: {  	s6 =	sld [smem:$0x3FAF]  }
0x2c: {  	s7 =	sld [smem:$0x3FB0]  }
0x2d: {  	s3 =	simm.s32 $0x108;
	s8 =	sld [smem:$0x3FB1]  }
0x2e: {  	s3 =	simm.s32 @!p0 $0x1082;
	s9 =	sld [smem:$0x3FB2]  }
0x2f: {  	lr =	sadd.s32 s0, s3;
	s0 =	sld [smem:$0x3FA9]  }
0x30: {  	s3 =	sld [smem:$0x3FAC]  }
0x31: {  	[smem:$0x3FB5] =	sst s10  }
0x32: {  	s10 =	sld [smem:$0x3FB3];
	_ =	sdelay $0x3  }
0x33: {  	p0 =	seq.s32 s10, $0x1;
	s10 =	sld [smem:$0x3FB5];
	_ =	sdelay $0x3  }
0x34: {  	[smem:$0x3FB5] =	sst s10  }
0x35: {  	s10 =	sld [smem:$0x3FB4];
	_ =	sdelay $0x3  }
0x36: {  	p1 =	seq.s32 s10, $0x1;
	s10 =	sld [smem:$0x3FB5];
	_ =	sdelay $0x3  }
0x37: {  	[smem:$0x3FB5] =	sst s10  }
0x38: {  	s10 =	sld [smem:$0x3FB6]  }
0x39: {  	_ = 	snop;
	(pc) =	sbr.ind lr, $3  }
0x3a: {  	_ = 	snop  }
0x3b: {  	_ = 	snop  }
0x3c: {  	p2 =	seq.s32 s10, $0x1;
	s10 =	sld [smem:$0x3FB5]  }
0x3d: {  	_ =	shalt  }
0x3e: {  	_ =	shalt  }
0x3f: {  	_ =	shalt  }
0x40: {  	_ =	shalt  }
0x41: {  	_ =	shalt  }
0x42: {  	_ =	shalt  }
0x43: {  	_ =	shalt  }
0x44: {  	_ =	shalt  }
0x45: {  	_ =	shalt  }
0x46: {  	_ =	shalt  }
0x47: {  	_ =	shalt  }
0x48: {  	_ =	shalt  }
0x49: {  	_ =	shalt  }
0x4a: {  	_ =	shalt  }
0x4b: {  	_ =	shalt  }
0x4c: {  	_ =	shalt  }
0x4d: {  	_ =	shalt  }
0x4e: {  	_ =	shalt  }
0x4f: {  	_ =	shalt  }
0x50: {  	_ =	shalt  }
0x51: {  	_ =	shalt  }
0x52: {  	_ =	shalt  }
0x53: {  	_ =	shalt  }
0x54: {  	_ =	shalt  }
0x55: {  	_ =	shalt  }
0x56: {  	_ =	shalt  }
0x57: {  	_ =	shalt  }
0x58: {  	_ =	shalt  }
0x59: {  	_ =	shalt  }
0x5a: {  	_ =	shalt  }
0x5b: {  	_ =	shalt  }
0x5c: {  	_ =	shalt  }
0x5d: {  	_ =	shalt  }
0x5e: {  	_ =	shalt  }
0x5f: {  	_ =	shalt  }
0x60: {  	_ =	shalt  }
0x61: {  	_ =	shalt  }
0x62: {  	_ =	shalt  }
0x63: {  	_ =	shalt  }
0x64: {  	_ =	shalt  }
0x65: {  	_ =	shalt  }
0x66: {  	_ =	shalt  }
0x67: {  	_ =	shalt  }
0x68: {  	_ =	shalt  }
0x69: {  	_ =	shalt  }
0x6a: {  	_ =	shalt  }
0x6b: {  	_ =	shalt  }
0x6c: {  	_ =	shalt  }
0x6d: {  	_ =	shalt  }
0x6e: {  	_ =	shalt  }
0x6f: {  	_ =	shalt  }
0x70: {  	_ =	shalt  }
0x71: {  	_ =	shalt  }
0x72: {  	_ =	shalt  }
0x73: {  	_ =	shalt  }
0x74: {  	_ =	shalt  }
0x75: {  	_ =	shalt  }
0x76: {  	_ =	shalt  }
0x77: {  	_ =	shalt  }
0x78: {  	_ =	shalt  }
0x79: {  	_ =	shalt  }
0x7a: {  	_ =	shalt  }
0x7b: {  	_ =	shalt  }
0x7c: {  	_ =	shalt  }
0x7d: {  	_ =	shalt  }
0x7e: {  	_ =	shalt  }
0x7f: {  	_ =	shalt  }
0x80: {  	_ =	shalt  }
0x81: {  	_ =	shalt  }
0x82: {  	_ =	shalt  }
0x83: {  	_ =	shalt  }
0x84: {  	_ =	shalt  }
0x85: {  	_ =	shalt  }
0x86: {  	_ =	shalt  }
0x87: {  	_ =	shalt  }
.Lfunc_end0:
.L_simem_size_0:
called_computation_lowered:
.L_overlay_start_0:
0x88: {  	s2 =	sld [smem:$0x3FD9]  }
0x89: {  	s3 =	sld [smem:$0x3FFE];
	_ =	sdelay $0x1  }
0x8a: {  	s1 =	srdreg.scid  }
0x8b: {  	s0 =	sand.u32 $0x1, s1  }
0x8c: {  	s14 =	sshll.u32 s0, $0xA;
	s2 =	sadd.s32 s3, s2  }
0x8d: {  	s2 =	sadd.s32 s2, s14  }
0x8e: {  	[smem:$0x3FC1] =	sst s2  }
0x8f: {  	_ = 	snop  }
0x90: {  	s2 =	sld [smem:$0x3FD0];
	_ =	sdelay $0x2  }
0x91: {  	s15 =	simm.s32 $0xA;
	s4 =	simm.s32 $0x10  }
0x92: {  	[smem:s4], [sflag:s15] =	dma.local [hbm:s2], $0x1  }
0x93: {  	_ =	swait.eq [sflag:s15], $0x1  }
0x94: {  	[sflag:s15] =	ssyncset.done $0x0  }
0x95: {  	s16 =	sld [smem:$0x10];
	[sflag:s15] =	ssyncadd.s32 $0xFFFFFFFF  }
0x96: {  	s17 =	sld [smem:$0x13];
	(tm) =	ssettm $0x1  }
0x97: {  	s18 =	sld [smem:$0x3FFB];
	_ =	sdelay $0x3  }
0x98: {  	_ =	strace s18  }
0x99: {  	s4 =	sld [smem:$0x3FFC];
	_ =	sdelay $0x3  }
0x9a: {  	_ =	strace s4  }
0x9b: {  	s4 =	sld [smem:$0x3FFD];
	_ =	sdelay $0x3  }
0x9c: {  	_ =	strace s4  }
0x9d: {  	_ =	strace $0x8FFFFFFF  }
0x9e: {  	s19 =	sld [smem:$0x3FDB];
	_ =	sdelay $0x1  }
0x9f: {  	s5 =	simm.s32 $_scs_section_size  }
0xa0: {  	s6 =	simm.s32 $_size__tile_overlayer_lowered;
	s7 =	simm.s32 $_tile_overlayer_lowered  }
0xa1: {  	s22 =	simm.s32 $0x1BFF;
	s21 =	sshll.u32 s7, $0x1;
	s4 =	sadd.s32 s5, s19  }
0xa2: {  	s8 =	simm.s32 $0x0;
	s20 =	sshll.u32 s6, $0x1;
	s6 =	sadd.s32 s21, s4  }
0xa3: {  	[timem:s8], [sflag:s22] =	dma.local [hbm:s6], s20  }
0xa4: {  	_ =	swait.ge [sflag:s22], s20  }
0xa5: {  	s5 =	ssub.s32 $0x0, s20;
	[sflag:s22] =	ssyncset.done $0x0  }
0xa6: {  	[sflag:s22] =	ssyncadd.s32 s5;
	_ =	sdelay $0x1  }
0xa7: {  	s23 =	simm.s32 $0x1B8B  }
0xa8: {  	_ =	swait.ge [sflag:s23], $0x1  }
0xa9: {  	[sflag:s23] =	ssyncset.done $0x0  }
0xaa: {  	s25 =	simm.s32 $0x1B8E;
	s24 =	sld [smem:$0x3FFE];
	[sflag:s23] =	ssyncadd.s32 $0xFFFFFFFF  }
0xab: {  	s26 =	simm.s32 $execute0_lowered;
	[smem:$0x3FD2] =	sst s25  }
0xac: {  	s6 =	sshll.u32 s26, $0x1;
	_ =	strace $0x80000046;
	[dreg:$0x1] =	wrdreg $0xFFFFFFFF  }
0xad: {  	s28 =	simm.s32 $_size_execute0_lowered;
	s4 =	sadd.s32 s4, s6;
	[dreg:$0x0] =	wrdreg $0x0  }
0xae: {  	s6 =	sshll.u32 s28, $0x1;
	[dreg:$0x2] =	wrdreg s4  }
0xaf: {  	[dreg:$0x3] =	wrdreg s6  }
0xb0: {  	[dreg:$0x4] =	wrdreg $0xC0  }
0xb1: {  	_ =	task [dreg:s8], $0x5FFFF  }
0xb2: {  	[dreg:$0x1] =	wrdreg $0xFFFFFFFF  }
0xb3: {  	[dreg:$0x0] =	wrdreg $0x60  }
0xb4: {  	[dreg:$0x2] =	wrdreg s24  }
0xb5: {  	[dreg:$0x3] =	wrdreg s16  }
0xb6: {  	[dreg:$0x4] =	wrdreg s17  }
0xb7: {  	[dreg:$0x5] =	wrdreg $0x9  }
0xb8: {  	_ =	task.clear_ibuf [dreg:s8], $0x6FFFF;
	_ =	strace $0x90000046  }
0xb9: {  	s29 =	simm.s32 $0x9;
	_ =	strace $0x80000048  }
0xba: {  	_ =	swait.ge [sflag:s29], $0x1  }
0xbb: {  	[sflag:s29] =	ssyncadd.s32 $0xFFFFFFFF  }
0xbc: {  	_ =	strace $0x90000048  }
0xbd: {  	_ =	sfence  }
0xbe: {  	s30 =	sld [smem:$0x0];
	_ =	sdelay $0x2  }
0xbf: {  	s31 =	sshll.u32 s1, $0xD;
	s1 =	sshrl.u32 s1, $0x2  }
0xc0: {  	s3 =	sand.u32 $0x4000, s31;
	s1 =	sadd.s32 s1, s30  }
0xc1: {  	s0 =	sor.u32 s3, s0;
	s1 =	sshll.u32 s1, $0x11  }
0xc2: {  	s0 =	sor.u32 s1, s0  }
0xc3: {  	s0 =	sadd.s32 $0x8F2B, s0  }
0xc4: {  	[sflag:s0] =	ssyncadd.remote.s32 $0x1  }
0xc5: {  	_ =	sfence.sel $0xFFFF  }
0xc6: {  	[dreg:$0x0] =	wrdreg $0xFFFFFFFF;
	(pc) =	sbr.abs _section_cstart, $3  }
0xc7: {  	[dreg:$0x1] =	wrdreg $0xFFFFFFFF  }
0xc8: {  	_ =	task.clear_ibuf [dreg:s8], $0x2FFFF;
	_ =	strace $0x9FFFFFFF  }
0xc9: {  	(tm) =	ssettm $0x7FFFFFFF  }
tec
execute0_lowered:
.L_overlay_start_1:
0x0: {  	(tag) =	ssettag $0x1  }
0x1: {  	s3 =	rddreg [dreg:$0x0]  }
0x2: {  	s1 =	srdreg.scid;
	s0 =	stileid.u32  }
0x3: {  	s5 =	rddreg [dreg:$0x1];
	s6 =	sand.u32 $0x1, s1;
	s2 =	sshll.u32 s0, $0x1  }
0x4: {  	s4 =	rddreg [dreg:$0x2];
	s10 =	simm.s32 $0x100;
	s7 =	sor.u32 s6, s2  }
0x5: {  	s11 =	simm.s32 $0x14A00;
	s2 =	simm.s32 $0x0;
	s8 =	smul.u32 $0x140, s7  }
0x6: {  	s6 =	ssub.s32 $0x2, s6;
	[smem:$0x7FF] =	sst s2;
	s7 =	smul.u32 $0x500, s7  }
0x7: {  	s1 =	rddreg [dreg:$0x3];
	s9 =	sshrl.u32 s6, $0x1;
	_ =	strace $0x80000047  }
0x8: {  	s9 =	ssub.s32 s6, s9;
	s3 =	sadd.s32 s8, s3;
	s4 =	sadd.s32 s4, s7  }
0x9: {  	v1 =	vlaneseq.u32;
	s5 =	sadd.s32 s5, s8;
	s7 =	smax.u32 s9, $0x1;
	s8 =	simm.s32 $0x1  }
0xa: {  	v0 =	vimm.f32 $0.0e+00;
	v2 =	vimm.f32 $1.000000000e+00;
	v1 =	vmul.u32 $0x1400, v1;
	s9 =	simm.s32 $0x80;
	s3 =	sadd.s32 $0x2400, s3;
	s6 =	sadd.s32 $0x10, s4  }
.LBB2_1:
0xb: {  	s12 =	simm.s32 $0x0;
	s13 =	simm.s32 $0x200  }
.LBB2_2:
0xc: {  	p0 =	sne.s32 s13, $0x4FE00;
	[tilespmem:s12+$0xA70] =	vst v0  }
0xd: {  	[tilespmem:s12+$0xA00] =	vst v0  }
0xe: {  	[tilespmem:s12+$0xA10] =	vst v0  }
.Ltmp0:
0xf: {  	[tilespmem:s12+$0xA20] =	vst v0;
	(pc) =	sbr.rel @p0 .LBB2_2-.Ltmp0, $4  }
0x10: {  	[tilespmem:s12+$0xA30] =	vst v0  }
0x11: {  	[tilespmem:s12+$0xA40] =	vst v0  }
0x12: {  	[tilespmem:s12+$0xA50] =	vst v0  }
0x13: {  	[tilespmem:s12+$0xA60] =	vst v0;
	s12 =	sshra.s32 s13, $0x2;
	s13 =	sadd.s32 $0x200, s13  }
0x14: {  	[tilespmem:s12+$0xA70] =	vst v0  }
0x15: {  	[tilespmem:s12+$0xA00] =	vst v0  }
0x16: {  	[tilespmem:s12+$0xA10] =	vst v0  }
0x17: {  	[tilespmem:s12+$0xA20] =	vst v0  }
0x18: {  	[tilespmem:s12+$0xA30] =	vst v0  }
0x19: {  	[tilespmem:s12+$0xA40] =	vst v0  }
0x1a: {  	[tilespmem:s12+$0xA50] =	vst v0  }
0x1b: {  	[tilespmem:s12+$0xA60] =	vst v0;
	s12 =	simm.s32 $0x0  }
0x1c: {  	[tilespmem:s12], [sflag:$0x1] =	stream.linear.gather [hbm4b:s3+s12], $0xA00, $0x38;
	[tilespmem:$0x15E00] =	vst v63  }
0x1d: {  	_ =	swait.ge [sflag:s8], $0xA00  }
0x1e: {  	[sflag:s8] =	ssyncset.done $0x0  }
0x1f: {  	s13 =	simm.s32 $0x0;
	[sflag:s8] =	ssyncadd.s32 $0xFFFFF600  }
.LBB2_4:
0x20: {  	s14 =	sshra.s32 s13, $0x2  }
0x21: {  	v3 =	vld [tilespmem:s14+$0x0];
	_ =	sdelay $0x4  }
0x22: {  	p0 =	sne.s32 s13, $0x27C0;
	v3 =	vadd.s32 v1, v3  }
.Ltmp1:
0x23: {  	_ = 	snop;
	(pc) =	sbr.rel @p0 .LBB2_4-.Ltmp1, $3  }
0x24: {  	_ =	sdelay $0x1  }
0x25: {  	s14 =	simm.s32 $0xA00  }
0x26: {  	s13 =	sadd.s32 $0x40, s13;
	[tilespmem:v3+s14+$0x0] =	vst.idx.add.f32.msk $0xffff, v2  }
0x27: {  	s12 =	sand.u32 $0x1FF0, s12;
	v4 =	vld [tilespmem:s14+$0x0]  }
0x28: {  	v3 =	vld [tilespmem:s12+$0x1E00];
	_ =	sdelay $0x1  }
0x29: {  	v5 =	vld [tilespmem:s12+$0x3200];
	_ =	sdelay $0x1  }
0x2a: {  	v6 =	vld [tilespmem:s12+$0x4600]  }
0x2b: {  	v3 =	vadd.f32 v3, v4  }
0x2c: {  	v4 =	vld [tilespmem:s12+$0x5A00]  }
0x2d: {  	v3 =	vadd.f32 v5, v3  }
0x2e: {  	v5 =	vld [tilespmem:s12+$0x6E00]  }
0x2f: {  	v3 =	vadd.f32 v6, v3  }
0x30: {  	v60 =	vld [tilespmem:s12+$0x8200]  }
0x31: {  	v3 =	vadd.f32 v4, v3  }
0x32: {  	v4 =	vld [tilespmem:s12+$0x9600]  }
0x33: {  	v3 =	vadd.f32 v5, v3  }
0x34: {  	v5 =	vld [tilespmem:s12+$0xAA00]  }
0x35: {  	v3 =	vadd.f32 v60, v3  }
0x36: {  	v61 =	vld [tilespmem:s12+$0xBE00]  }
0x37: {  	v3 =	vadd.f32 v4, v3  }
0x38: {  	v4 =	vld [tilespmem:s12+$0xD200]  }
0x39: {  	v3 =	vadd.f32 v5, v3  }
0x3a: {  	v5 =	vld [tilespmem:s12+$0xE600]  }
0x3b: {  	v3 =	vadd.f32 v61, v3  }
0x3c: {  	v62 =	vld [tilespmem:s12+$0xFA00]  }
0x3d: {  	v3 =	vadd.f32 v4, v3  }
0x3e: {  	v4 =	vld [tilespmem:s12+$0x10E00]  }
0x3f: {  	v3 =	vadd.f32 v5, v3  }
0x40: {  	v5 =	vld [tilespmem:s12+$0x12200]  }
0x41: {  	v3 =	vadd.f32 v62, v3  }
0x42: {  	v63 =	vld [tilespmem:s12+$0x13600]  }
0x43: {  	v3 =	vadd.f32 v4, v3;
	_ =	sdelay $0x1  }
0x44: {  	v3 =	vadd.f32 v5, v3;
	_ =	sdelay $0x1  }
0x45: {  	v3 =	vadd.f32 v63, v3  }
0x46: {  	s13 =	simm.s32 $0x10;
	s12 =	simm.s32 $0x14A00  }
0x47: {  	s13 =	sand.u32 $0x1FF0, s13;
	[tilespmem:s12+$0x0] =	vst v3  }
0x48: {  	s15 =	simm.s32 $0x20;
	s14 =	simm.s32 $0xA10;
	v3 =	vld [tilespmem:s13+$0x1E00]  }
.LBB2_6:
0x49: {  	p0 =	sne.s32 s15, $0x13F0;
	v4 =	vld [tilespmem:s14+$0x0];
	_ =	sdelay $0x1  }
0x4a: {  	v5 =	vld [tilespmem:s13+$0x3200];
	_ =	sdelay $0x1  }
0x4b: {  	v6 =	vld [tilespmem:s13+$0x4600]  }
0x4c: {  	v3 =	vadd.f32 v3, v4  }
0x4d: {  	v4 =	vld [tilespmem:s13+$0x5A00]  }
0x4e: {  	v3 =	vadd.f32 v5, v3  }
0x4f: {  	v5 =	vld [tilespmem:s13+$0x6E00]  }
0x50: {  	v3 =	vadd.f32 v6, v3  }
0x51: {  	v6 =	vld [tilespmem:s13+$0x8200]  }
0x52: {  	v3 =	vadd.f32 v4, v3  }
0x53: {  	v4 =	vld [tilespmem:s13+$0x9600]  }
0x54: {  	v3 =	vadd.f32 v5, v3  }
0x55: {  	v5 =	vld [tilespmem:s13+$0xAA00]  }
0x56: {  	v3 =	vadd.f32 v6, v3  }
0x57: {  	v6 =	vld [tilespmem:s13+$0xBE00]  }
0x58: {  	v3 =	vadd.f32 v4, v3  }
0x59: {  	v4 =	vld [tilespmem:s13+$0xD200]  }
0x5a: {  	v3 =	vadd.f32 v5, v3  }
0x5b: {  	v5 =	vld [tilespmem:s13+$0xE600]  }
0x5c: {  	v3 =	vadd.f32 v6, v3  }
0x5d: {  	v6 =	vld [tilespmem:s13+$0xFA00]  }
0x5e: {  	v3 =	vadd.f32 v4, v3  }
0x5f: {  	v4 =	vld [tilespmem:s13+$0x10E00]  }
0x60: {  	v3 =	vadd.f32 v5, v3  }
0x61: {  	v5 =	vld [tilespmem:s13+$0x12200]  }
0x62: {  	v3 =	vadd.f32 v6, v3  }
0x63: {  	v6 =	vld [tilespmem:s13+$0x13600]  }
0x64: {  	v3 =	vadd.f32 v4, v3;
	_ =	sdelay $0x1  }
0x65: {  	v3 =	vadd.f32 v5, v3  }
.Ltmp2:
0x66: {  	(pc) =	sbr.rel @p0 .LBB2_6-.Ltmp2, $4  }
0x67: {  	v3 =	vadd.f32 v6, v3  }
0x68: {  	s12 =	sadd.s32 $0x10, s12  }
0x69: {  	s13 =	sand.u32 $0x1FF0, s15;
	[tilespmem:s12+$0x0] =	vst v3  }
0x6a: {  	s14 =	sadd.s32 $0x10, s14;
	s15 =	sadd.s32 $0x10, s15;
	v3 =	vld [tilespmem:s13+$0x1E00]  }
0x6b: {  	v4 =	vld [tilespmem:s14+$0x0];
	_ =	sdelay $0x1  }
0x6c: {  	v5 =	vld [tilespmem:s13+$0x3200];
	_ =	sdelay $0x1  }
0x6d: {  	v6 =	vld [tilespmem:s13+$0x4600]  }
0x6e: {  	v3 =	vadd.f32 v3, v4  }
0x6f: {  	v52 =	vld [tilespmem:s13+$0x5A00]  }
0x70: {  	v3 =	vadd.f32 v5, v3  }
0x71: {  	v53 =	vld [tilespmem:s13+$0x6E00]  }
0x72: {  	v3 =	vadd.f32 v6, v3  }
0x73: {  	v54 =	vld [tilespmem:s13+$0x8200]  }
0x74: {  	v3 =	vadd.f32 v52, v3  }
0x75: {  	v55 =	vld [tilespmem:s13+$0x9600]  }
0x76: {  	v3 =	vadd.f32 v53, v3  }
0x77: {  	v56 =	vld [tilespmem:s13+$0xAA00]  }
0x78: {  	v3 =	vadd.f32 v54, v3  }
0x79: {  	v57 =	vld [tilespmem:s13+$0xBE00]  }
0x7a: {  	v3 =	vadd.f32 v55, v3  }
0x7b: {  	v58 =	vld [tilespmem:s13+$0xD200]  }
0x7c: {  	v3 =	vadd.f32 v56, v3  }
0x7d: {  	v59 =	vld [tilespmem:s13+$0xE600]  }
0x7e: {  	v3 =	vadd.f32 v57, v3  }
0x7f: {  	v60 =	vld [tilespmem:s13+$0xFA00]  }
0x80: {  	v3 =	vadd.f32 v58, v3  }
0x81: {  	v61 =	vld [tilespmem:s13+$0x10E00]  }
0x82: {  	v3 =	vadd.f32 v59, v3  }
0x83: {  	v62 =	vld [tilespmem:s13+$0x12200]  }
0x84: {  	v3 =	vadd.f32 v60, v3  }
0x85: {  	v63 =	vld [tilespmem:s13+$0x13600]  }
0x86: {  	v3 =	vadd.f32 v61, v3;
	_ =	sdelay $0x1  }
0x87: {  	v3 =	vadd.f32 v62, v3;
	_ =	sdelay $0x1  }
0x88: {  	v3 =	vadd.f32 v63, v3  }
0x89: {  	s12 =	sadd.s32 $0x10, s12  }
0x8a: {  	[tilespmem:s12+$0x0] =	vst v3  }
0x8b: {  	[hbm4b:s4+s9] =	stream.strided.scatter [tilespmem:s11], [sflag:$0x1], $0x1400, s10, s9, $0x38;
	[tilespmem:$0x15E00] =	vst v63  }
0x8c: {  	_ =	swait.ge [sflag:s8], $0x1400  }
0x8d: {  	[sflag:s8] =	ssyncset.done $0x0  }
0x8e: {  	s13 =	simm.s32 $0x200;
	s12 =	simm.s32 $0x0;
	[sflag:s8] =	ssyncadd.s32 $0xFFFFEC00  }
.LBB2_8:
0x8f: {  	p0 =	sne.s32 s13, $0x4FE00;
	[tilespmem:s12+$0xA70] =	vst v0  }
0x90: {  	[tilespmem:s12+$0xA00] =	vst v0  }
0x91: {  	[tilespmem:s12+$0xA10] =	vst v0  }
.Ltmp3:
0x92: {  	[tilespmem:s12+$0xA20] =	vst v0;
	(pc) =	sbr.rel @p0 .LBB2_8-.Ltmp3, $4  }
0x93: {  	[tilespmem:s12+$0xA30] =	vst v0  }
0x94: {  	[tilespmem:s12+$0xA40] =	vst v0  }
0x95: {  	[tilespmem:s12+$0xA50] =	vst v0  }
0x96: {  	[tilespmem:s12+$0xA60] =	vst v0;
	s12 =	sshra.s32 s13, $0x2;
	s13 =	sadd.s32 $0x200, s13  }
0x97: {  	[tilespmem:s12+$0xA70] =	vst v0  }
0x98: {  	[tilespmem:s12+$0xA00] =	vst v0  }
0x99: {  	[tilespmem:s12+$0xA10] =	vst v0  }
0x9a: {  	[tilespmem:s12+$0xA20] =	vst v0  }
0x9b: {  	[tilespmem:s12+$0xA30] =	vst v0  }
0x9c: {  	[tilespmem:s12+$0xA40] =	vst v0  }
0x9d: {  	[tilespmem:s12+$0xA50] =	vst v0  }
0x9e: {  	[tilespmem:s12+$0xA60] =	vst v0;
	s12 =	simm.s32 $0x0  }
0x9f: {  	[tilespmem:s12], [sflag:$0x1] =	stream.linear.gather [hbm4b:s5+s12], $0xA00, $0x38;
	[tilespmem:$0x15E00] =	vst v63  }
0xa0: {  	_ =	swait.ge [sflag:s8], $0xA00  }
0xa1: {  	[sflag:s8] =	ssyncset.done $0x0  }
0xa2: {  	s13 =	simm.s32 $0x0;
	[sflag:s8] =	ssyncadd.s32 $0xFFFFF600  }
.LBB2_10:
0xa3: {  	s14 =	sshra.s32 s13, $0x2  }
0xa4: {  	v3 =	vld [tilespmem:s14+$0x0];
	_ =	sdelay $0x4  }
0xa5: {  	p0 =	sne.s32 s13, $0x27C0;
	v3 =	vadd.s32 v1, v3  }
.Ltmp4:
0xa6: {  	_ = 	snop;
	(pc) =	sbr.rel @p0 .LBB2_10-.Ltmp4, $3  }
0xa7: {  	_ =	sdelay $0x1  }
0xa8: {  	s14 =	simm.s32 $0xA00  }
0xa9: {  	s13 =	sadd.s32 $0x40, s13;
	[tilespmem:v3+s14+$0x0] =	vst.idx.add.f32.msk $0xffff, v2  }
0xaa: {  	s12 =	sand.u32 $0x1FF0, s12;
	v4 =	vld [tilespmem:s14+$0x0]  }
0xab: {  	v3 =	vld [tilespmem:s12+$0x1E00];
	_ =	sdelay $0x1  }
0xac: {  	v5 =	vld [tilespmem:s12+$0x3200];
	_ =	sdelay $0x1  }
0xad: {  	v6 =	vld [tilespmem:s12+$0x4600]  }
0xae: {  	v3 =	vadd.f32 v3, v4  }
0xaf: {  	v4 =	vld [tilespmem:s12+$0x5A00]  }
0xb0: {  	v3 =	vadd.f32 v5, v3  }
0xb1: {  	v5 =	vld [tilespmem:s12+$0x6E00]  }
0xb2: {  	v3 =	vadd.f32 v6, v3  }
0xb3: {  	v60 =	vld [tilespmem:s12+$0x8200]  }
0xb4: {  	v3 =	vadd.f32 v4, v3  }
0xb5: {  	v4 =	vld [tilespmem:s12+$0x9600]  }
0xb6: {  	v3 =	vadd.f32 v5, v3  }
0xb7: {  	v5 =	vld [tilespmem:s12+$0xAA00]  }
0xb8: {  	v3 =	vadd.f32 v60, v3  }
0xb9: {  	v61 =	vld [tilespmem:s12+$0xBE00]  }
0xba: {  	v3 =	vadd.f32 v4, v3  }
0xbb: {  	v4 =	vld [tilespmem:s12+$0xD200]  }
0xbc: {  	v3 =	vadd.f32 v5, v3  }
0xbd: {  	v5 =	vld [tilespmem:s12+$0xE600]  }
0xbe: {  	v3 =	vadd.f32 v61, v3  }
0xbf: {  	v62 =	vld [tilespmem:s12+$0xFA00]  }
0xc0: {  	v3 =	vadd.f32 v4, v3  }
0xc1: {  	v4 =	vld [tilespmem:s12+$0x10E00]  }
0xc2: {  	v3 =	vadd.f32 v5, v3  }
0xc3: {  	v5 =	vld [tilespmem:s12+$0x12200]  }
0xc4: {  	v3 =	vadd.f32 v62, v3  }
0xc5: {  	v63 =	vld [tilespmem:s12+$0x13600]  }
0xc6: {  	v3 =	vadd.f32 v4, v3;
	_ =	sdelay $0x1  }
0xc7: {  	v3 =	vadd.f32 v5, v3;
	_ =	sdelay $0x1  }
0xc8: {  	v3 =	vadd.f32 v63, v3  }
0xc9: {  	s13 =	simm.s32 $0x10;
	s12 =	simm.s32 $0x14A00  }
0xca: {  	s13 =	sand.u32 $0x1FF0, s13;
	[tilespmem:s12+$0x0] =	vst v3  }
0xcb: {  	s15 =	simm.s32 $0x20;
	s14 =	simm.s32 $0xA10;
	v3 =	vld [tilespmem:s13+$0x1E00]  }
.LBB2_12:
0xcc: {  	p0 =	sne.s32 s15, $0x13F0;
	v4 =	vld [tilespmem:s14+$0x0];
	_ =	sdelay $0x1  }
0xcd: {  	v5 =	vld [tilespmem:s13+$0x3200];
	_ =	sdelay $0x1  }
0xce: {  	v6 =	vld [tilespmem:s13+$0x4600]  }
0xcf: {  	v3 =	vadd.f32 v3, v4  }
0xd0: {  	v4 =	vld [tilespmem:s13+$0x5A00]  }
0xd1: {  	v3 =	vadd.f32 v5, v3  }
0xd2: {  	v5 =	vld [tilespmem:s13+$0x6E00]  }
0xd3: {  	v3 =	vadd.f32 v6, v3  }
0xd4: {  	v6 =	vld [tilespmem:s13+$0x8200]  }
0xd5: {  	v3 =	vadd.f32 v4, v3  }
0xd6: {  	v4 =	vld [tilespmem:s13+$0x9600]  }
0xd7: {  	v3 =	vadd.f32 v5, v3  }
0xd8: {  	v5 =	vld [tilespmem:s13+$0xAA00]  }
0xd9: {  	v3 =	vadd.f32 v6, v3  }
0xda: {  	v6 =	vld [tilespmem:s13+$0xBE00]  }
0xdb: {  	v3 =	vadd.f32 v4, v3  }
0xdc: {  	v4 =	vld [tilespmem:s13+$0xD200]  }
0xdd: {  	v3 =	vadd.f32 v5, v3  }
0xde: {  	v5 =	vld [tilespmem:s13+$0xE600]  }
0xdf: {  	v3 =	vadd.f32 v6, v3  }
0xe0: {  	v6 =	vld [tilespmem:s13+$0xFA00]  }
0xe1: {  	v3 =	vadd.f32 v4, v3  }
0xe2: {  	v4 =	vld [tilespmem:s13+$0x10E00]  }
0xe3: {  	v3 =	vadd.f32 v5, v3  }
0xe4: {  	v5 =	vld [tilespmem:s13+$0x12200]  }
0xe5: {  	v3 =	vadd.f32 v6, v3  }
0xe6: {  	v6 =	vld [tilespmem:s13+$0x13600]  }
0xe7: {  	v3 =	vadd.f32 v4, v3;
	_ =	sdelay $0x1  }
0xe8: {  	v3 =	vadd.f32 v5, v3  }
.Ltmp5:
0xe9: {  	(pc) =	sbr.rel @p0 .LBB2_12-.Ltmp5, $4  }
0xea: {  	v3 =	vadd.f32 v6, v3  }
0xeb: {  	s12 =	sadd.s32 $0x10, s12  }
0xec: {  	s13 =	sand.u32 $0x1FF0, s15;
	[tilespmem:s12+$0x0] =	vst v3  }
0xed: {  	s14 =	sadd.s32 $0x10, s14;
	s15 =	sadd.s32 $0x10, s15;
	v3 =	vld [tilespmem:s13+$0x1E00]  }
0xee: {  	v4 =	vld [tilespmem:s14+$0x0];
	_ =	sdelay $0x1  }
0xef: {  	v5 =	vld [tilespmem:s13+$0x3200];
	_ =	sdelay $0x1  }
0xf0: {  	v6 =	vld [tilespmem:s13+$0x4600]  }
0xf1: {  	v3 =	vadd.f32 v3, v4  }
0xf2: {  	v52 =	vld [tilespmem:s13+$0x5A00]  }
0xf3: {  	v3 =	vadd.f32 v5, v3  }
0xf4: {  	v53 =	vld [tilespmem:s13+$0x6E00]  }
0xf5: {  	v3 =	vadd.f32 v6, v3  }
0xf6: {  	v54 =	vld [tilespmem:s13+$0x8200]  }
0xf7: {  	v3 =	vadd.f32 v52, v3  }
0xf8: {  	v55 =	vld [tilespmem:s13+$0x9600]  }
0xf9: {  	v3 =	vadd.f32 v53, v3  }
0xfa: {  	v56 =	vld [tilespmem:s13+$0xAA00]  }
0xfb: {  	v3 =	vadd.f32 v54, v3  }
0xfc: {  	v57 =	vld [tilespmem:s13+$0xBE00]  }
0xfd: {  	v3 =	vadd.f32 v55, v3  }
0xfe: {  	v58 =	vld [tilespmem:s13+$0xD200]  }
0xff: {  	v3 =	vadd.f32 v56, v3  }
0x100: {  	v59 =	vld [tilespmem:s13+$0xE600]  }
0x101: {  	v3 =	vadd.f32 v57, v3  }
0x102: {  	v60 =	vld [tilespmem:s13+$0xFA00]  }
0x103: {  	v3 =	vadd.f32 v58, v3  }
0x104: {  	v61 =	vld [tilespmem:s13+$0x10E00]  }
0x105: {  	v3 =	vadd.f32 v59, v3  }
0x106: {  	v62 =	vld [tilespmem:s13+$0x12200]  }
0x107: {  	v3 =	vadd.f32 v60, v3  }
0x108: {  	v63 =	vld [tilespmem:s13+$0x13600]  }
0x109: {  	v3 =	vadd.f32 v61, v3;
	_ =	sdelay $0x1  }
0x10a: {  	v3 =	vadd.f32 v62, v3;
	_ =	sdelay $0x1  }
0x10b: {  	s2 =	sadd.s32 $0x1, s2;
	v3 =	vadd.f32 v63, v3  }
0x10c: {  	s12 =	sadd.s32 $0x10, s12;
	p0 =	sne.s32 s2, s7  }
.Ltmp6:
0x10d: {  	[tilespmem:s12+$0x0] =	vst v3;
	(pc) =	sbr.rel @p0 .LBB2_1-.Ltmp6, $4  }
0x10e: {  	[hbm4b:s6+s9] =	stream.strided.scatter [tilespmem:s11], [sflag:$0x1], $0x1400, s10, s9, $0x38;
	[tilespmem:$0x15E00] =	vst v63  }
0x10f: {  	_ =	swait.ge [sflag:s8], $0x1400  }
0x110: {  	[sflag:s8] =	ssyncset.done $0x0  }
0x111: {  	[sflag:s8] =	ssyncadd.s32 $0xFFFFEC00  }
0x112: {  	_ =	sfence.sel $0x180000  }
0x113: {  	[bflag:$0x0] =	sbarrier.arrive $0xFFFF  }
0x114: {  	p0 =	sne.s32 s0, $0x0;
	_ =	strace $0x90000047  }
0x115: {  	s0 =	sadd.s32 @!p0 $0x100000, s1;
	[bflag:$0x2] =	sbarrier.arrive $0xFFFF  }
0x116: {  	[sflag:s0] =	ssyncadd.tile.s32 @!p0 $0x1;
	_ =	shalt  }
.Lfunc_end2:
_tile_overlayer_lowered:
.L_overlay_start_2:
0x117: {  	(tag) =	ssettag $0x2  }
0x118: {  	s0 =	rddreg [dreg:$0x0];
	s2 =	stileid.u32  }
0x119: {  	s1 =	rddreg [dreg:$0x1];
	p0 =	sne.s32 s2, $0x0  }
0x11a: {  	s3 =	rddreg [dreg:$0x2];
	[bflag:$0x3] =	sbarrier.arrive $0xFFFF;
	s2 =	simm.s32 @!p0 $0x1C01  }
0x11b: {  	[timem:s3], [sflag:s2] =	dma.local @!p0 [hbm:s0], s1  }
0x11c: {  	s0 =	simm.s32 @!p0 $0x1  }
0x11d: {  	_ =	swait.ge @!p0 [sflag:s0], s1  }
0x11e: {  	s1 =	ssub.s32 @!p0 $0x0, s1;
	[sflag:s0] =	ssyncset.done @!p0 $0x0  }
0x11f: {  	[sflag:s0] =	ssyncadd.s32 @!p0 s1  }
0x120: {  	[bflag:$0x3] =	sbarrier.arrive $0xFFFF  }
0x121: {  	_ =	shalt  }

// kernel: kernel.9.cloned.1.call-start
scs
__scs_entry_jumppad:
0x0: {  	(pc) =	sbr.rel $0x88, $3  }
0x1: {  	(tag) =	ssettag $0x0;
	lr =	simm.s32 $0x1  }
0x2: {  	[smem:$0x3F9A] =	sst lr;
	_ =	strace $0xD0000000  }
0x3: {  	_ = 	snop  }
0x4: {  	_ = 	snop  }
0x5: {  	_ = 	snop  }
0x6: {  	_ = 	snop  }
0x7: {  	_ = 	snop  }
__scs_overlays_trampoline_lowered:
0x8: {  	[smem:$0x3FA9] =	sst s0  }
0x9: {  	[smem:$0x3FAA] =	sst s1  }
0xa: {  	[smem:$0x3FAB] =	sst s2  }
0xb: {  	[smem:$0x3FAC] =	sst s3  }
0xc: {  	[smem:$0x3FAD] =	sst s4  }
0xd: {  	[smem:$0x3FAE] =	sst s5  }
0xe: {  	[smem:$0x3FAF] =	sst s6  }
0xf: {  	[smem:$0x3FB0] =	sst s7  }
0x10: {  	[smem:$0x3FB1] =	sst s8  }
0x11: {  	[smem:$0x3FB2] =	sst s9;
	s0 =	simm.s32 @!p0 $0x0  }
0x12: {  	s1 =	sld [smem:$0x3F98];
	s0 =	simm.s32 @p0 $0x1  }
0x13: {  	[smem:$0x3FB3] =	sst s0;
	s0 =	simm.s32 @!p1 $0x0  }
0x14: {  	s2 =	sld [smem:$0x3F97];
	s0 =	simm.s32 @p1 $0x1  }
0x15: {  	[smem:$0x3FB4] =	sst s0;
	s0 =	simm.s32 @!p2 $0x0  }
0x16: {  	s3 =	sld [smem:$0x3FDB];
	s0 =	simm.s32 @p2 $0x1  }
0x17: {  	s4 =	simm.s32 $0x1BF5;
	[smem:$0x3FB6] =	sst s0  }
0x18: {  	s0 =	sld [smem:$0x3F99];
	_ =	swait.ge [sflag:s4], $0x0  }
0x19: {  	s7 =	sld [smem:$0x3F9A]  }
0x1a: {  	s8 =	sadd.s32 $0xFFFFE003, lr  }
0x1b: {  	s9 =	sadd.s32 $0xFFFFFEF7, lr;
	s5 =	simm.s32 $0xFFFFFFFF;
	p2 =	slt.u32 s8, $0xFFFFF086  }
0x1c: {  	p1 =	slt.u32 s9, $0xF7A;
	s5 =	simm.s32 @!p2 $0x0  }
0x1d: {  	s5 =	simm.s32 @p1 $0x1;
	p0 =	seq.s32 s7, s2  }
0x1e: {  	s7 =	smul.u32 @!p0 $0xF7A, s2;
	p2 =	seq.s32 @!p0 s5, $0x0  }
0x1f: {  	s9 =	smul.u32 $0xF7A, s1;
	s8 =	simm.s32 @!p0 $0x1BF5;
	p2 =	por !p2, p0  }
0x20: {  	[sflag:s8] =	ssyncset.s32 @!p0 $0xFFFFF086;
	s6 =	sadd.s32 @!p0 s3, s7;
	s7 =	simm.s32 @!p0 $0x108  }
0x21: {  	s3 =	sadd.s32 s3, s9;
	s6 =	sadd.s32 @!p0 $0x88, s6;
	s7 =	simm.s32 @p2 $0x1082  }
0x22: {  	[simem:s7], [sflag:s8] =	dma.local @!p0 [hbm:s6], $0xF7A  }
0x23: {  	s9 =	sor.u32 $0xD0000000, s2;
	s6 =	simm.s32 $0x108;
	_ =	swait.ge @!p0 [sflag:s8], $0x0  }
0x24: {  	s3 =	sadd.s32 $0x88, s3;
	s6 =	simm.s32 @!p1 $0x1082;
	[sflag:s4] =	ssyncset.s32 $0xFFFFF086  }
0x25: {  	[simem:s6], [sflag:s4] =	dma.local [hbm:s3], $0xF7A  }
0x26: {  	[smem:$0x3F9A] =	sst s1;
	(tag) =	ssettag s2;
	_ =	strace s9  }
0x27: {  	s1 =	sld [smem:$0x3FAA]  }
0x28: {  	s2 =	sld [smem:$0x3FAB]  }
0x29: {  	s4 =	sld [smem:$0x3FAD]  }
0x2a: {  	p0 =	seq.s32 s5, $0x0;
	s5 =	sld [smem:$0x3FAE]  }
0x2b: {  	s6 =	sld [smem:$0x3FAF]  }
0x2c: {  	s7 =	sld [smem:$0x3FB0]  }
0x2d: {  	s3 =	simm.s32 $0x108;
	s8 =	sld [smem:$0x3FB1]  }
0x2e: {  	s3 =	simm.s32 @!p0 $0x1082;
	s9 =	sld [smem:$0x3FB2]  }
0x2f: {  	lr =	sadd.s32 s0, s3;
	s0 =	sld [smem:$0x3FA9]  }
0x30: {  	s3 =	sld [smem:$0x3FAC]  }
0x31: {  	[smem:$0x3FB5] =	sst s10  }
0x32: {  	s10 =	sld [smem:$0x3FB3];
	_ =	sdelay $0x3  }
0x33: {  	p0 =	seq.s32 s10, $0x1;
	s10 =	sld [smem:$0x3FB5];
	_ =	sdelay $0x3  }
0x34: {  	[smem:$0x3FB5] =	sst s10  }
0x35: {  	s10 =	sld [smem:$0x3FB4];
	_ =	sdelay $0x3  }
0x36: {  	p1 =	seq.s32 s10, $0x1;
	s10 =	sld [smem:$0x3FB5];
	_ =	sdelay $0x3  }
0x37: {  	[smem:$0x3FB5] =	sst s10  }
0x38: {  	s10 =	sld [smem:$0x3FB6]  }
0x39: {  	_ = 	snop;
	(pc) =	sbr.ind lr, $3  }
0x3a: {  	_ = 	snop  }
0x3b: {  	_ = 	snop  }
0x3c: {  	p2 =	seq.s32 s10, $0x1;
	s10 =	sld [smem:$0x3FB5]  }
0x3d: {  	_ =	shalt  }
0x3e: {  	_ =	shalt  }
0x3f: {  	_ =	shalt  }
0x40: {  	_ =	shalt  }
0x41: {  	_ =	shalt  }
0x42: {  	_ =	shalt  }
0x43: {  	_ =	shalt  }
0x44: {  	_ =	shalt  }
0x45: {  	_ =	shalt  }
0x46: {  	_ =	shalt  }
0x47: {  	_ =	shalt  }
0x48: {  	_ =	shalt  }
0x49: {  	_ =	shalt  }
0x4a: {  	_ =	shalt  }
0x4b: {  	_ =	shalt  }
0x4c: {  	_ =	shalt  }
0x4d: {  	_ =	shalt  }
0x4e: {  	_ =	shalt  }
0x4f: {  	_ =	shalt  }
0x50: {  	_ =	shalt  }
0x51: {  	_ =	shalt  }
0x52: {  	_ =	shalt  }
0x53: {  	_ =	shalt  }
0x54: {  	_ =	shalt  }
0x55: {  	_ =	shalt  }
0x56: {  	_ =	shalt  }
0x57: {  	_ =	shalt  }
0x58: {  	_ =	shalt  }
0x59: {  	_ =	shalt  }
0x5a: {  	_ =	shalt  }
0x5b: {  	_ =	shalt  }
0x5c: {  	_ =	shalt  }
0x5d: {  	_ =	shalt  }
0x5e: {  	_ =	shalt  }
0x5f: {  	_ =	shalt  }
0x60: {  	_ =	shalt  }
0x61: {  	_ =	shalt  }
0x62: {  	_ =	shalt  }
0x63: {  	_ =	shalt  }
0x64: {  	_ =	shalt  }
0x65: {  	_ =	shalt  }
0x66: {  	_ =	shalt  }
0x67: {  	_ =	shalt  }
0x68: {  	_ =	shalt  }
0x69: {  	_ =	shalt  }
0x6a: {  	_ =	shalt  }
0x6b: {  	_ =	shalt  }
0x6c: {  	_ =	shalt  }
0x6d: {  	_ =	shalt  }
0x6e: {  	_ =	shalt  }
0x6f: {  	_ =	shalt  }
0x70: {  	_ =	shalt  }
0x71: {  	_ =	shalt  }
0x72: {  	_ =	shalt  }
0x73: {  	_ =	shalt  }
0x74: {  	_ =	shalt  }
0x75: {  	_ =	shalt  }
0x76: {  	_ =	shalt  }
0x77: {  	_ =	shalt  }
0x78: {  	_ =	shalt  }
0x79: {  	_ =	shalt  }
0x7a: {  	_ =	shalt  }
0x7b: {  	_ =	shalt  }
0x7c: {  	_ =	shalt  }
0x7d: {  	_ =	shalt  }
0x7e: {  	_ =	shalt  }
0x7f: {  	_ =	shalt  }
0x80: {  	_ =	shalt  }
0x81: {  	_ =	shalt  }
0x82: {  	_ =	shalt  }
0x83: {  	_ =	shalt  }
0x84: {  	_ =	shalt  }
0x85: {  	_ =	shalt  }
0x86: {  	_ =	shalt  }
0x87: {  	_ =	shalt  }
.Lfunc_end0:
.L_simem_size_0:
called_computation.1_lowered:
.L_overlay_start_0:
0x88: {  	s2 =	sld [smem:$0x3FD9]  }
0x89: {  	s3 =	sld [smem:$0x3FFE];
	_ =	sdelay $0x1  }
0x8a: {  	s1 =	srdreg.scid  }
0x8b: {  	s0 =	sand.u32 $0x1, s1  }
0x8c: {  	s14 =	sshll.u32 s0, $0xA;
	s2 =	sadd.s32 s3, s2  }
0x8d: {  	s2 =	sadd.s32 s2, s14  }
0x8e: {  	[smem:$0x3FC1] =	sst s2  }
0x8f: {  	_ = 	snop  }
0x90: {  	s2 =	sld [smem:$0x3FD0];
	_ =	sdelay $0x2  }
0x91: {  	s15 =	simm.s32 $0xA;
	s4 =	simm.s32 $0x10  }
0x92: {  	[smem:s4], [sflag:s15] =	dma.local [hbm:s2], $0x1  }
0x93: {  	_ =	swait.eq [sflag:s15], $0x1  }
0x94: {  	s16 =	sld [smem:$0x10];
	[sflag:s15] =	ssyncset.done $0x0  }
0x95: {  	s17 =	sld [smem:$0x11];
	[sflag:s15] =	ssyncadd.s32 $0xFFFFFFFF  }
0x96: {  	s18 =	sld [smem:$0x12];
	(tm) =	ssettm $0x1  }
0x97: {  	s5 =	sld [smem:$0x3FFB];
	_ =	sdelay $0x3  }
0x98: {  	_ =	strace s5  }
0x99: {  	s5 =	sld [smem:$0x3FFC];
	_ =	sdelay $0x3  }
0x9a: {  	_ =	strace s5  }
0x9b: {  	s5 =	sld [smem:$0x3FFD];
	_ =	sdelay $0x3  }
0x9c: {  	_ =	strace s5  }
0x9d: {  	_ =	strace $0x8FFFFFFF  }
0x9e: {  	s19 =	sld [smem:$0x3FDB];
	_ =	sdelay $0x1  }
0x9f: {  	s6 =	simm.s32 $_scs_section_size  }
0xa0: {  	s7 =	simm.s32 $_size__tile_overlayer_lowered;
	s8 =	simm.s32 $_tile_overlayer_lowered  }
0xa1: {  	s22 =	simm.s32 $0x1BFF;
	s21 =	sshll.u32 s8, $0x1;
	s5 =	sadd.s32 s6, s19  }
0xa2: {  	s9 =	simm.s32 $0x0;
	s20 =	sshll.u32 s7, $0x1;
	s7 =	sadd.s32 s21, s5  }
0xa3: {  	[timem:s9], [sflag:s22] =	dma.local [hbm:s7], s20  }
0xa4: {  	_ =	swait.ge [sflag:s22], s20  }
0xa5: {  	s6 =	ssub.s32 $0x0, s20;
	[sflag:s22] =	ssyncset.done $0x0  }
0xa6: {  	[sflag:s22] =	ssyncadd.s32 s6;
	_ =	sdelay $0x1  }
0xa7: {  	s23 =	simm.s32 $0x1B8B  }
0xa8: {  	_ =	swait.ge [sflag:s23], $0x1  }
0xa9: {  	[sflag:s23] =	ssyncset.done $0x0  }
0xaa: {  	s25 =	simm.s32 $0x1B8E;
	s24 =	sld [smem:$0x3FFE];
	[sflag:s23] =	ssyncadd.s32 $0xFFFFFFFF  }
0xab: {  	s26 =	simm.s32 $execute0_lowered;
	[smem:$0x3FD2] =	sst s25  }
0xac: {  	s7 =	sshll.u32 s26, $0x1;
	_ =	strace $0x80000049;
	[dreg:$0x1] =	wrdreg $0xFFFFFFFF  }
0xad: {  	s28 =	simm.s32 $_size_execute0_lowered;
	s5 =	sadd.s32 s5, s7;
	[dreg:$0x0] =	wrdreg $0x0  }
0xae: {  	s7 =	sshll.u32 s28, $0x1;
	[dreg:$0x2] =	wrdreg s5  }
0xaf: {  	[dreg:$0x3] =	wrdreg s7  }
0xb0: {  	[dreg:$0x4] =	wrdreg $0xC0  }
0xb1: {  	_ =	task [dreg:s9], $0x5FFFF  }
0xb2: {  	[dreg:$0x1] =	wrdreg $0xFFFFFFFF  }
0xb3: {  	[dreg:$0x0] =	wrdreg $0x60  }
0xb4: {  	[dreg:$0x2] =	wrdreg s24  }
0xb5: {  	[dreg:$0x3] =	wrdreg s16  }
0xb6: {  	[dreg:$0x4] =	wrdreg s18  }
0xb7: {  	[dreg:$0x5] =	wrdreg s17  }
0xb8: {  	[dreg:$0x6] =	wrdreg $0xBC000  }
0xb9: {  	[dreg:$0x7] =	wrdreg $0x9  }
0xba: {  	_ =	task.clear_ibuf [dreg:s9], $0x8FFFF;
	_ =	strace $0x90000049  }
0xbb: {  	s29 =	simm.s32 $0x9;
	_ =	strace $0x8000004B  }
0xbc: {  	_ =	swait.ge [sflag:s29], $0x1  }
0xbd: {  	[sflag:s29] =	ssyncadd.s32 $0xFFFFFFFF  }
0xbe: {  	_ =	strace $0x9000004B  }
0xbf: {  	_ =	sfence  }
0xc0: {  	s30 =	sld [smem:$0x0];
	_ =	sdelay $0x2  }
0xc1: {  	s31 =	sshll.u32 s1, $0xD;
	s1 =	sshrl.u32 s1, $0x2  }
0xc2: {  	s3 =	sand.u32 $0x4000, s31;
	s1 =	sadd.s32 s1, s30  }
0xc3: {  	s0 =	sor.u32 s3, s0;
	s1 =	sshll.u32 s1, $0x11  }
0xc4: {  	s0 =	sor.u32 s1, s0  }
0xc5: {  	s0 =	sadd.s32 $0x8F2B, s0  }
0xc6: {  	[sflag:s0] =	ssyncadd.remote.s32 $0x1  }
0xc7: {  	_ =	sfence.sel $0xFFFF  }
0xc8: {  	[dreg:$0x0] =	wrdreg $0xFFFFFFFF;
	(pc) =	sbr.abs _section_cstart, $3  }
0xc9: {  	[dreg:$0x1] =	wrdreg $0xFFFFFFFF  }
0xca: {  	_ =	task.clear_ibuf [dreg:s9], $0x2FFFF;
	_ =	strace $0x9FFFFFFF  }
0xcb: {  	(tm) =	ssettm $0x7FFFFFFF  }
tec
execute0_lowered:
.L_overlay_start_1:
0x0: {  	(tag) =	ssettag $0x1  }
0x1: {  	s0 =	rddreg [dreg:$0x0]  }
0x2: {  	s1 =	rddreg [dreg:$0x1]  }
0x3: {  	s4 =	rddreg [dreg:$0x2];
	s12 =	stileid.u32  }
0x4: {  	s2 =	srdreg.scid;
	s5 =	rddreg [dreg:$0x3];
	s3 =	simm.s32 $0x0  }
0x5: {  	s18 =	simm.s32 $0x3;
	s19 =	simm.s32 $0x1400;
	s20 =	simm.s32 $0x3C00  }
0x6: {  	s21 =	simm.s32 $0x40;
	s22 =	simm.s32 $0x7C00;
	s13 =	smul.u32 $0x280, s12  }
0x7: {  	s23 =	simm.s32 $0x1;
	s24 =	simm.s32 $0x2;
	s8 =	smul.u32 $0x14000, s12  }
0x8: {  	s28 =	simm.s32 $0x3B80;
	s29 =	simm.s32 $0x0;
	s11 =	smul.u32 $0x50000, s12  }
0x9: {  	s6 =	sand.u32 $0x1, s2;
	s2 =	rddreg [dreg:$0x4];
	s14 =	smul.u32 $0x500, s12  }
0xa: {  	[smem:$0x7FF] =	sst s3;
	s7 =	smul.u32 $0x140000, s6;
	s6 =	ssub.s32 $0x2, s6  }
0xb: {  	_ =	strace $0x8000004A;
	s9 =	sadd.s32 s13, s0;
	s25 =	sshrl.u32 s6, $0x1  }
0xc: {  	s26 =	sshrl.u32 s11, $0x2;
	s5 =	sadd.s32 s5, s14;
	s13 =	sadd.s32 s1, s13  }
0xd: {  	s14 =	sadd.s32 s4, s14;
	s10 =	sadd.s32 s8, s7;
	s7 =	sshrl.u32 s7, $0x3  }
0xe: {  	s17 =	ssub.s32 s6, s25;
	s30 =	sadd.s32 $0x2400, s9;
	[dreg:$0x7] =	wrdreg s5  }
0xf: {  	s6 =	sadd.s32 s8, s2;
	s25 =	simm.s32 $0x13C0;
	s10 =	sshrl.u32 s10, $0x3  }
0x10: {  	s15 =	sadd.s32 s7, s0;
	[dreg:$0x6] =	wrdreg s30;
	s17 =	smax.u32 s17, $0x1  }
0x11: {  	s0 =	sadd.s32 s10, s0;
	s10 =	sadd.s32 s26, s2;
	s11 =	sadd.s32 $0x4C00, s15  }
0x12: {  	s15 =	sadd.s32 $0xA4C00, s15;
	s26 =	simm.s32 $0x3B00;
	s7 =	sadd.s32 $0x4000, s10  }
0x13: {  	s8 =	sadd.s32 $0x8000, s10;
	s9 =	sadd.s32 $0xC000, s10;
	s31 =	sadd.s32 $0x54C00, s0  }
0x14: {  	v0 =	vimm.f32 $0.0e+00;
	s10 =	sadd.s32 $0x10000, s10;
	s16 =	sadd.s32 $0xF4C00, s0;
	[dreg:$0x8] =	wrdreg s31  }
.LBB2_1:
0x15: {  	s0 =	rddreg [dreg:$0x6]  }
0x16: {  	[tilespmem:s3], [sflag:$0x3] =	stream.linear.gather [hbm4b:s0+s3], $0x1400, $0x38;
	[tilespmem:$0x1FC00] =	vst v63  }
0x17: {  	_ =	swait.ge [sflag:s18], $0x1400  }
0x18: {  	[sflag:s18] =	ssyncset.done $0x0  }
0x19: {  	s5 =	rddreg [dreg:$0x7];
	[sflag:s18] =	ssyncadd.s32 $0xFFFFEC00  }
0x1a: {  	[tilespmem:s19], [sflag:$0x3] =	stream.linear.gather [hbm4b:s5+s3], $0x2800, $0x38;
	[tilespmem:$0x1FC00] =	vst v63  }
0x1b: {  	s12 =	sand.u32 $0xFC00, s3;
	_ =	swait.ge [sflag:s18], $0x2800  }
0x1c: {  	s1 =	sand.u32 $0x80, s3;
	s0 =	sshrl.u32 s12, $0x2;
	[sflag:s18] =	ssyncset.done $0x0  }
0x1d: {  	s0 =	sor.u32 s1, s0;
	[sflag:s18] =	ssyncadd.s32 $0xFFFFD800  }
0x1e: {  	[tilespmem:s0+$0x3C70] =	vst v0  }
0x1f: {  	[tilespmem:s0+$0x3C00] =	vst v0  }
0x20: {  	[tilespmem:s0+$0x3C10] =	vst v0  }
0x21: {  	[tilespmem:s0+$0x3C20] =	vst v0  }
0x22: {  	s31 =	simm.s32 $0x200;
	[tilespmem:s0+$0x3C30] =	vst v0  }
0x23: {  	s4 =	simm.s32 $0x80;
	s30 =	sand.u32 $0xFC00, s31;
	s1 =	simm.s32 $0x400;
	[tilespmem:s0+$0x3C40] =	vst v0  }
.LBB2_2:
0x24: {  	p0 =	sne.s32 s1, $0xFE00;
	s5 =	sand.u32 $0x80, s4;
	s30 =	sshrl.u32 s30, $0x2;
	[tilespmem:s0+$0x3C50] =	vst v0  }
0x25: {  	[tilespmem:s0+$0x3C60] =	vst v0;
	s0 =	sor.u32 s5, s30  }
0x26: {  	[tilespmem:s0+$0x3C70] =	vst v0  }
.Ltmp0:
0x27: {  	[tilespmem:s0+$0x3C00] =	vst v0;
	(pc) =	sbr.rel @p0 .LBB2_2-.Ltmp0, $4  }
0x28: {  	[tilespmem:s0+$0x3C10] =	vst v0  }
0x29: {  	[tilespmem:s0+$0x3C20] =	vst v0  }
0x2a: {  	[tilespmem:s0+$0x3C30] =	vst v0  }
0x2b: {  	s4 =	sadd.s32 $0x80, s4;
	s30 =	sand.u32 $0xFC00, s1;
	s1 =	sadd.s32 $0x200, s1;
	[tilespmem:s0+$0x3C40] =	vst v0  }
0x2c: {  	s1 =	sand.u32 $0x80, s4;
	s31 =	sshrl.u32 s30, $0x2;
	[tilespmem:s0+$0x3C50] =	vst v0  }
0x2d: {  	[tilespmem:s0+$0x3C60] =	vst v0;
	s1 =	sor.u32 s1, s31  }
0x2e: {  	[tilespmem:s1+$0x3C70] =	vst v0  }
0x2f: {  	[tilespmem:s1+$0x3C00] =	vst v0  }
0x30: {  	[tilespmem:s1+$0x3C10] =	vst v0  }
0x31: {  	[tilespmem:s1+$0x3C20] =	vst v0  }
0x32: {  	[tilespmem:s1+$0x3C30] =	vst v0  }
0x33: {  	[tilespmem:s1+$0x3C40] =	vst v0  }
0x34: {  	[tilespmem:s1+$0x3C50] =	vst v0  }
0x35: {  	[tilespmem:s1+$0x3C60] =	vst v0  }
0x36: {  	[spmem:s6] =	stream.linear.scatter [tilespmem:s20], [sflag:$0x3], $0x4000, $0x38;
	[tilespmem:$0x1FC00] =	vst v63  }
0x37: {  	_ =	swait.ge [sflag:s18], $0x4000  }
0x38: {  	[sflag:s18] =	ssyncset.done $0x0  }
0x39: {  	[sflag:s18] =	ssyncadd.s32 $0xFFFFC000  }
0x3a: {  	[spmem:s7] =	stream.linear.scatter [tilespmem:s20], [sflag:$0x3], $0x4000, $0x38;
	[tilespmem:$0x1FC00] =	vst v63  }
0x3b: {  	_ =	swait.ge [sflag:s18], $0x4000  }
0x3c: {  	[sflag:s18] =	ssyncset.done $0x0  }
0x3d: {  	[sflag:s18] =	ssyncadd.s32 $0xFFFFC000  }
0x3e: {  	[spmem:s8] =	stream.linear.scatter [tilespmem:s20], [sflag:$0x3], $0x4000, $0x38;
	[tilespmem:$0x1FC00] =	vst v63  }
0x3f: {  	_ =	swait.ge [sflag:s18], $0x4000  }
0x40: {  	[sflag:s18] =	ssyncset.done $0x0  }
0x41: {  	[sflag:s18] =	ssyncadd.s32 $0xFFFFC000  }
0x42: {  	[spmem:s9] =	stream.linear.scatter [tilespmem:s20], [sflag:$0x3], $0x4000, $0x38;
	[tilespmem:$0x1FC00] =	vst v63  }
0x43: {  	_ =	swait.ge [sflag:s18], $0x4000  }
0x44: {  	[sflag:s18] =	ssyncset.done $0x0  }
0x45: {  	[sflag:s18] =	ssyncadd.s32 $0xFFFFC000  }
0x46: {  	[spmem:s10] =	stream.linear.scatter [tilespmem:s20], [sflag:$0x3], $0x4000, $0x38;
	[tilespmem:$0x1FC00] =	vst v63  }
0x47: {  	_ =	swait.ge [sflag:s18], $0x4000  }
0x48: {  	[sflag:s18] =	ssyncset.done $0x0  }
0x49: {  	[sflag:s18] =	ssyncadd.s32 $0xFFFFC000  }
0x4a: {  	s1 =	simm.s32 $0x0;
	[bflag:$0x0] =	sbarrier.arrive $0xFFFF  }
0x4b: {  	[tilespmem:s20], [sflag:$0x1] =	stream.indirect.gather [hbm4b:s11+s21], $0x100, s1, s21, $0xb8;
	[tilespmem:$0x1FC00] =	vst v63  }
0x4c: {  	s4 =	simm.s32 $0x40  }
0x4d: {  	[tilespmem:s22], [sflag:$0x2] =	stream.indirect.gather [hbm4b:s11+s21], $0x100, s4, s21, $0xb8;
	[tilespmem:$0x1FC00] =	vst v63  }
0x4e: {  	_ =	swait.ge [sflag:s23], $0x4000  }
0x4f: {  	[sflag:s23] =	ssyncset.done $0x0  }
0x50: {  	s5 =	simm.s32 $0x1400;
	[sflag:s23] =	ssyncadd.s32 $0xFFFFC000  }
0x51: {  	[spmem:s2] =	stream.indirect.scatter.add.f32 [tilespmem:s20], [sflag:$0x3], $0x100, s5, s21, $0xb8;
	[tilespmem:$0x1FC00] =	vst v63  }
0x52: {  	_ =	swait.ge [sflag:s18], $0x4000  }
0x53: {  	[sflag:s18] =	ssyncset.done $0x0  }
0x54: {  	s12 =	simm.s32 $0x80;
	[sflag:s18] =	ssyncadd.s32 $0xFFFFC000  }
0x55: {  	[tilespmem:s20], [sflag:$0x1] =	stream.indirect.gather [hbm4b:s11+s21], $0x100, s12, s21, $0xb8;
	[tilespmem:$0x1FC00] =	vst v63  }
0x56: {  	_ =	swait.ge [sflag:s24], $0x4000  }
0x57: {  	[sflag:s24] =	ssyncset.done $0x0  }
0x58: {  	s31 =	simm.s32 $0x1480;
	[sflag:s24] =	ssyncadd.s32 $0xFFFFC000  }
0x59: {  	[spmem:s2] =	stream.indirect.scatter.add.f32 [tilespmem:s22], [sflag:$0x3], $0x100, s31, s21, $0xb8;
	[tilespmem:$0x1FC00] =	vst v63  }
0x5a: {  	s0 =	simm.s32 $0x800;
	_ =	swait.ge [sflag:s18], $0x4000  }
0x5b: {  	s30 =	simm.s32 $0x100;
	s1 =	simm.s32 $0x400;
	[sflag:s18] =	ssyncset.done $0x0  }
.LBB2_4:
0x5c: {  	p0 =	sne.s32 s0, $0x9800;
	s4 =	sadd.s32 $0xFFFFFFC0, s30;
	[sflag:s18] =	ssyncadd.s32 $0xFFFFC000  }
0x5d: {  	[tilespmem:s22], [sflag:$0x2] =	stream.indirect.gather [hbm4b:s11+s21], $0x100, s4, s21, $0xb8;
	[tilespmem:$0x1FC00] =	vst v63  }
0x5e: {  	s4 =	smov.u32 s0;
	s0 =	sadd.s32 $0x400, s0;
	_ =	swait.ge [sflag:s23], $0x4000  }
0x5f: {  	s5 =	sshra.s32 s1, $0x2;
	s1 =	smov.u32 s4;
	[sflag:s23] =	ssyncset.done $0x0  }
0x60: {  	s4 =	sadd.s32 $0x1400, s5;
	[sflag:s23] =	ssyncadd.s32 $0xFFFFC000  }
0x61: {  	[spmem:s2] =	stream.indirect.scatter.add.f32 [tilespmem:s20], [sflag:$0x3], $0x100, s4, s21, $0xb8;
	[tilespmem:$0x1FC00] =	vst v63  }
0x62: {  	_ =	swait.ge [sflag:s18], $0x4000  }
0x63: {  	[sflag:s18] =	ssyncset.done $0x0  }
0x64: {  	[sflag:s18] =	ssyncadd.s32 $0xFFFFC000  }
0x65: {  	[tilespmem:s20], [sflag:$0x1] =	stream.indirect.gather [hbm4b:s11+s21], $0x100, s30, s21, $0xb8;
	[tilespmem:$0x1FC00] =	vst v63  }
0x66: {  	_ =	swait.ge [sflag:s24], $0x4000  }
.Ltmp1:
0x67: {  	[sflag:s24] =	ssyncset.done $0x0;
	(pc) =	sbr.rel @p0 .LBB2_4-.Ltmp1, $4  }
0x68: {  	s4 =	sadd.s32 $0x1480, s5;
	[sflag:s24] =	ssyncadd.s32 $0xFFFFC000  }
0x69: {  	[spmem:s2] =	stream.indirect.scatter.add.f32 [tilespmem:s22], [sflag:$0x3], $0x100, s4, s21, $0xb8;
	[tilespmem:$0x1FC00] =	vst v63  }
0x6a: {  	_ =	swait.ge [sflag:s18], $0x4000  }
0x6b: {  	s30 =	sadd.s32 $0x80, s30;
	[sflag:s18] =	ssyncset.done $0x0  }
0x6c: {  	s0 =	sadd.s32 $0xFFFFFFC0, s30;
	[sflag:s18] =	ssyncadd.s32 $0xFFFFC000  }
0x6d: {  	[tilespmem:s22], [sflag:$0x2] =	stream.indirect.gather [hbm4b:s11+s21], $0x100, s0, s21, $0xb8;
	[tilespmem:$0x1FC00] =	vst v63  }
0x6e: {  	_ =	swait.ge [sflag:s23], $0x4000  }
0x6f: {  	s5 =	sshra.s32 s1, $0x2;
	[sflag:s23] =	ssyncset.done $0x0  }
0x70: {  	s1 =	sadd.s32 $0x1400, s5;
	[sflag:s23] =	ssyncadd.s32 $0xFFFFC000  }
0x71: {  	[spmem:s2] =	stream.indirect.scatter.add.f32 [tilespmem:s20], [sflag:$0x3], $0x100, s1, s21, $0xb8;
	[tilespmem:$0x1FC00] =	vst v63  }
0x72: {  	_ =	swait.ge [sflag:s18], $0x4000  }
0x73: {  	[sflag:s18] =	ssyncset.done $0x0  }
0x74: {  	[sflag:s18] =	ssyncadd.s32 $0xFFFFC000  }
0x75: {  	[tilespmem:s20], [sflag:$0x1] =	stream.indirect.gather [hbm4b:s11+s21], $0x100, s30, s21, $0xb8;
	[tilespmem:$0x1FC00] =	vst v63  }
0x76: {  	_ =	swait.ge [sflag:s24], $0x4000  }
0x77: {  	[sflag:s24] =	ssyncset.done $0x0  }
0x78: {  	s0 =	sadd.s32 $0x1480, s5;
	[sflag:s24] =	ssyncadd.s32 $0xFFFFC000  }
0x79: {  	[spmem:s2] =	stream.indirect.scatter.add.f32 [tilespmem:s22], [sflag:$0x3], $0x100, s0, s21, $0xb8;
	[tilespmem:$0x1FC00] =	vst v63  }
0x7a: {  	_ =	swait.ge [sflag:s18], $0x4000  }
0x7b: {  	[sflag:s18] =	ssyncset.done $0x0  }
0x7c: {  	[sflag:s18] =	ssyncadd.s32 $0xFFFFC000  }
0x7d: {  	[tilespmem:s22], [sflag:$0x2] =	stream.indirect.gather [hbm4b:s11+s21], $0x100, s25, s21, $0xb8;
	[tilespmem:$0x1FC00] =	vst v63  }
0x7e: {  	_ =	swait.ge [sflag:s23], $0x4000  }
0x7f: {  	[sflag:s23] =	ssyncset.done $0x0  }
0x80: {  	[sflag:s23] =	ssyncadd.s32 $0xFFFFC000  }
0x81: {  	[spmem:s2] =	stream.indirect.scatter.add.f32 [tilespmem:s20], [sflag:$0x3], $0x100, s26, s21, $0xb8;
	[tilespmem:$0x1FC00] =	vst v63  }
0x82: {  	_ =	swait.ge [sflag:s18], $0x4000  }
0x83: {  	[sflag:s18] =	ssyncset.done $0x0  }
0x84: {  	[sflag:s18] =	ssyncadd.s32 $0xFFFFC000  }
0x85: {  	_ =	swait.ge [sflag:s24], $0x4000  }
0x86: {  	[sflag:s24] =	ssyncset.done $0x0  }
0x87: {  	[sflag:s24] =	ssyncadd.s32 $0xFFFFC000  }
0x88: {  	[spmem:s2] =	stream.indirect.scatter.add.f32 [tilespmem:s22], [sflag:$0x3], $0x100, s28, s21, $0xb8;
	[tilespmem:$0x1FC00] =	vst v63  }
0x89: {  	_ =	swait.ge [sflag:s18], $0x4000  }
0x8a: {  	[sflag:s18] =	ssyncset.done $0x0  }
0x8b: {  	s12 =	stileid.u32;
	[sflag:s18] =	ssyncadd.s32 $0xFFFFC000  }
0x8c: {  	s0 =	sshll.u32 s12, $0x6;
	[bflag:$0x0] =	sbarrier.arrive $0xFFFF  }
0x8d: {  	s31 =	sshrl.u32 s6, $0x3;
	s30 =	sor.u32 $0x1C03, s0;
	s1 =	rddreg [dreg:$0x8]  }
0x8e: {  	[hbm:s1], [sflag:s30] =	dma.local [spmem:s31], $0x2800  }
0x8f: {  	_ =	swait.ge [sflag:s18], $0x2800  }
0x90: {  	[sflag:s18] =	ssyncset.done $0x0  }
0x91: {  	[sflag:s18] =	ssyncadd.s32 $0xFFFFD800  }
0x92: {  	s4 =	simm.s32 $0x0;
	[bflag:$0x0] =	sbarrier.arrive $0xFFFF  }
0x93: {  	[tilespmem:s4], [sflag:$0x3] =	stream.linear.gather [hbm4b:s13+s4], $0x1400, $0x38;
	[tilespmem:$0x1FC00] =	vst v63  }
0x94: {  	_ =	swait.ge [sflag:s18], $0x1400  }
0x95: {  	[sflag:s18] =	ssyncset.done $0x0  }
0x96: {  	[sflag:s18] =	ssyncadd.s32 $0xFFFFEC00  }
0x97: {  	[tilespmem:s19], [sflag:$0x3] =	stream.linear.gather [hbm4b:s14+s4], $0x2800, $0x38;
	[tilespmem:$0x1FC00] =	vst v63  }
0x98: {  	s5 =	sand.u32 $0xFC00, s4;
	_ =	swait.ge [sflag:s18], $0x2800  }
0x99: {  	s0 =	sand.u32 $0x80, s4;
	s1 =	sshrl.u32 s5, $0x2;
	[sflag:s18] =	ssyncset.done $0x0  }
0x9a: {  	s0 =	sor.u32 s0, s1;
	[sflag:s18] =	ssyncadd.s32 $0xFFFFD800  }
0x9b: {  	[tilespmem:s0+$0x3C70] =	vst v0  }
0x9c: {  	[tilespmem:s0+$0x3C00] =	vst v0  }
0x9d: {  	[tilespmem:s0+$0x3C10] =	vst v0  }
0x9e: {  	[tilespmem:s0+$0x3C20] =	vst v0  }
0x9f: {  	s12 =	simm.s32 $0x200;
	[tilespmem:s0+$0x3C30] =	vst v0  }
0xa0: {  	s5 =	sand.u32 $0xFC00, s12;
	s1 =	simm.s32 $0x400;
	s4 =	simm.s32 $0x80;
	[tilespmem:s0+$0x3C40] =	vst v0  }
.LBB2_6:
0xa1: {  	p0 =	sne.s32 s1, $0xFE00;
	s12 =	sand.u32 $0x80, s4;
	s5 =	sshrl.u32 s5, $0x2;
	[tilespmem:s0+$0x3C50] =	vst v0  }
0xa2: {  	[tilespmem:s0+$0x3C60] =	vst v0;
	s0 =	sor.u32 s12, s5  }
0xa3: {  	[tilespmem:s0+$0x3C70] =	vst v0  }
.Ltmp2:
0xa4: {  	[tilespmem:s0+$0x3C00] =	vst v0;
	(pc) =	sbr.rel @p0 .LBB2_6-.Ltmp2, $4  }
0xa5: {  	[tilespmem:s0+$0x3C10] =	vst v0  }
0xa6: {  	[tilespmem:s0+$0x3C20] =	vst v0  }
0xa7: {  	[tilespmem:s0+$0x3C30] =	vst v0  }
0xa8: {  	s4 =	sadd.s32 $0x80, s4;
	s5 =	sand.u32 $0xFC00, s1;
	s1 =	sadd.s32 $0x200, s1;
	[tilespmem:s0+$0x3C40] =	vst v0  }
0xa9: {  	s1 =	sand.u32 $0x80, s4;
	s5 =	sshrl.u32 s5, $0x2;
	[tilespmem:s0+$0x3C50] =	vst v0  }
0xaa: {  	[tilespmem:s0+$0x3C60] =	vst v0;
	s1 =	sor.u32 s1, s5  }
0xab: {  	[tilespmem:s1+$0x3C70] =	vst v0  }
0xac: {  	[tilespmem:s1+$0x3C00] =	vst v0  }
0xad: {  	[tilespmem:s1+$0x3C10] =	vst v0  }
0xae: {  	[tilespmem:s1+$0x3C20] =	vst v0  }
0xaf: {  	[tilespmem:s1+$0x3C30] =	vst v0  }
0xb0: {  	[tilespmem:s1+$0x3C40] =	vst v0  }
0xb1: {  	[tilespmem:s1+$0x3C50] =	vst v0  }
0xb2: {  	[tilespmem:s1+$0x3C60] =	vst v0  }
0xb3: {  	[spmem:s6] =	stream.linear.scatter [tilespmem:s20], [sflag:$0x3], $0x4000, $0x38;
	[tilespmem:$0x1FC00] =	vst v63  }
0xb4: {  	_ =	swait.ge [sflag:s18], $0x4000  }
0xb5: {  	[sflag:s18] =	ssyncset.done $0x0  }
0xb6: {  	[sflag:s18] =	ssyncadd.s32 $0xFFFFC000  }
0xb7: {  	[spmem:s7] =	stream.linear.scatter [tilespmem:s20], [sflag:$0x3], $0x4000, $0x38;
	[tilespmem:$0x1FC00] =	vst v63  }
0xb8: {  	_ =	swait.ge [sflag:s18], $0x4000  }
0xb9: {  	[sflag:s18] =	ssyncset.done $0x0  }
0xba: {  	[sflag:s18] =	ssyncadd.s32 $0xFFFFC000  }
0xbb: {  	[spmem:s8] =	stream.linear.scatter [tilespmem:s20], [sflag:$0x3], $0x4000, $0x38;
	[tilespmem:$0x1FC00] =	vst v63  }
0xbc: {  	_ =	swait.ge [sflag:s18], $0x4000  }
0xbd: {  	[sflag:s18] =	ssyncset.done $0x0  }
0xbe: {  	[sflag:s18] =	ssyncadd.s32 $0xFFFFC000  }
0xbf: {  	[spmem:s9] =	stream.linear.scatter [tilespmem:s20], [sflag:$0x3], $0x4000, $0x38;
	[tilespmem:$0x1FC00] =	vst v63  }
0xc0: {  	_ =	swait.ge [sflag:s18], $0x4000  }
0xc1: {  	[sflag:s18] =	ssyncset.done $0x0  }
0xc2: {  	[sflag:s18] =	ssyncadd.s32 $0xFFFFC000  }
0xc3: {  	[spmem:s10] =	stream.linear.scatter [tilespmem:s20], [sflag:$0x3], $0x4000, $0x38;
	[tilespmem:$0x1FC00] =	vst v63  }
0xc4: {  	_ =	swait.ge [sflag:s18], $0x4000  }
0xc5: {  	[sflag:s18] =	ssyncset.done $0x0  }
0xc6: {  	[sflag:s18] =	ssyncadd.s32 $0xFFFFC000  }
0xc7: {  	s12 =	simm.s32 $0x0;
	[bflag:$0x0] =	sbarrier.arrive $0xFFFF  }
0xc8: {  	[tilespmem:s20], [sflag:$0x1] =	stream.indirect.gather [hbm4b:s15+s21], $0x100, s12, s21, $0xb8;
	[tilespmem:$0x1FC00] =	vst v63  }
0xc9: {  	s1 =	simm.s32 $0x40  }
0xca: {  	[tilespmem:s22], [sflag:$0x2] =	stream.indirect.gather [hbm4b:s15+s21], $0x100, s1, s21, $0xb8;
	[tilespmem:$0x1FC00] =	vst v63  }
0xcb: {  	_ =	swait.ge [sflag:s23], $0x4000  }
0xcc: {  	[sflag:s23] =	ssyncset.done $0x0  }
0xcd: {  	s4 =	simm.s32 $0x1400;
	[sflag:s23] =	ssyncadd.s32 $0xFFFFC000  }
0xce: {  	[spmem:s2] =	stream.indirect.scatter.add.f32 [tilespmem:s20], [sflag:$0x3], $0x100, s4, s21, $0xb8;
	[tilespmem:$0x1FC00] =	vst v63  }
0xcf: {  	_ =	swait.ge [sflag:s18], $0x4000  }
0xd0: {  	[sflag:s18] =	ssyncset.done $0x0  }
0xd1: {  	s5 =	simm.s32 $0x80;
	[sflag:s18] =	ssyncadd.s32 $0xFFFFC000  }
0xd2: {  	[tilespmem:s20], [sflag:$0x1] =	stream.indirect.gather [hbm4b:s15+s21], $0x100, s5, s21, $0xb8;
	[tilespmem:$0x1FC00] =	vst v63  }
0xd3: {  	_ =	swait.ge [sflag:s24], $0x4000  }
0xd4: {  	[sflag:s24] =	ssyncset.done $0x0  }
0xd5: {  	s12 =	simm.s32 $0x1480;
	[sflag:s24] =	ssyncadd.s32 $0xFFFFC000  }
0xd6: {  	[spmem:s2] =	stream.indirect.scatter.add.f32 [tilespmem:s22], [sflag:$0x3], $0x100, s12, s21, $0xb8;
	[tilespmem:$0x1FC00] =	vst v63  }
0xd7: {  	s0 =	simm.s32 $0x400;
	_ =	swait.ge [sflag:s18], $0x4000  }
0xd8: {  	s1 =	simm.s32 $0x100;
	s4 =	simm.s32 $0x800;
	[sflag:s18] =	ssyncset.done $0x0  }
.LBB2_8:
0xd9: {  	p0 =	sne.s32 s4, $0x9800;
	s5 =	sadd.s32 $0xFFFFFFC0, s1;
	[sflag:s18] =	ssyncadd.s32 $0xFFFFC000  }
0xda: {  	[tilespmem:s22], [sflag:$0x2] =	stream.indirect.gather [hbm4b:s15+s21], $0x100, s5, s21, $0xb8;
	[tilespmem:$0x1FC00] =	vst v63  }
0xdb: {  	s5 =	smov.u32 s4;
	s4 =	sadd.s32 $0x400, s4;
	_ =	swait.ge [sflag:s23], $0x4000  }
0xdc: {  	s12 =	sshra.s32 s0, $0x2;
	s0 =	smov.u32 s5;
	[sflag:s23] =	ssyncset.done $0x0  }
0xdd: {  	s5 =	sadd.s32 $0x1400, s12;
	[sflag:s23] =	ssyncadd.s32 $0xFFFFC000  }
0xde: {  	[spmem:s2] =	stream.indirect.scatter.add.f32 [tilespmem:s20], [sflag:$0x3], $0x100, s5, s21, $0xb8;
	[tilespmem:$0x1FC00] =	vst v63  }
0xdf: {  	_ =	swait.ge [sflag:s18], $0x4000  }
0xe0: {  	[sflag:s18] =	ssyncset.done $0x0  }
0xe1: {  	[sflag:s18] =	ssyncadd.s32 $0xFFFFC000  }
0xe2: {  	[tilespmem:s20], [sflag:$0x1] =	stream.indirect.gather [hbm4b:s15+s21], $0x100, s1, s21, $0xb8;
	[tilespmem:$0x1FC00] =	vst v63  }
0xe3: {  	_ =	swait.ge [sflag:s24], $0x4000  }
.Ltmp3:
0xe4: {  	[sflag:s24] =	ssyncset.done $0x0;
	(pc) =	sbr.rel @p0 .LBB2_8-.Ltmp3, $4  }
0xe5: {  	s5 =	sadd.s32 $0x1480, s12;
	[sflag:s24] =	ssyncadd.s32 $0xFFFFC000  }
0xe6: {  	[spmem:s2] =	stream.indirect.scatter.add.f32 [tilespmem:s22], [sflag:$0x3], $0x100, s5, s21, $0xb8;
	[tilespmem:$0x1FC00] =	vst v63  }
0xe7: {  	_ =	swait.ge [sflag:s18], $0x4000  }
0xe8: {  	s1 =	sadd.s32 $0x80, s1;
	[sflag:s18] =	ssyncset.done $0x0  }
0xe9: {  	s4 =	sadd.s32 $0xFFFFFFC0, s1;
	[sflag:s18] =	ssyncadd.s32 $0xFFFFC000  }
0xea: {  	[tilespmem:s22], [sflag:$0x2] =	stream.indirect.gather [hbm4b:s15+s21], $0x100, s4, s21, $0xb8;
	[tilespmem:$0x1FC00] =	vst v63  }
0xeb: {  	_ =	swait.ge [sflag:s23], $0x4000  }
0xec: {  	s0 =	sshra.s32 s0, $0x2;
	[sflag:s23] =	ssyncset.done $0x0  }
0xed: {  	s12 =	sadd.s32 $0x1400, s0;
	[sflag:s23] =	ssyncadd.s32 $0xFFFFC000  }
0xee: {  	[spmem:s2] =	stream.indirect.scatter.add.f32 [tilespmem:s20], [sflag:$0x3], $0x100, s12, s21, $0xb8;
	[tilespmem:$0x1FC00] =	vst v63  }
0xef: {  	_ =	swait.ge [sflag:s18], $0x4000  }
0xf0: {  	[sflag:s18] =	ssyncset.done $0x0  }
0xf1: {  	[sflag:s18] =	ssyncadd.s32 $0xFFFFC000  }
0xf2: {  	[tilespmem:s20], [sflag:$0x1] =	stream.indirect.gather [hbm4b:s15+s21], $0x100, s1, s21, $0xb8;
	[tilespmem:$0x1FC00] =	vst v63  }
0xf3: {  	_ =	swait.ge [sflag:s24], $0x4000  }
0xf4: {  	[sflag:s24] =	ssyncset.done $0x0  }
0xf5: {  	s0 =	sadd.s32 $0x1480, s0;
	[sflag:s24] =	ssyncadd.s32 $0xFFFFC000  }
0xf6: {  	[spmem:s2] =	stream.indirect.scatter.add.f32 [tilespmem:s22], [sflag:$0x3], $0x100, s0, s21, $0xb8;
	[tilespmem:$0x1FC00] =	vst v63  }
0xf7: {  	_ =	swait.ge [sflag:s18], $0x4000  }
0xf8: {  	[sflag:s18] =	ssyncset.done $0x0  }
0xf9: {  	[sflag:s18] =	ssyncadd.s32 $0xFFFFC000  }
0xfa: {  	[tilespmem:s22], [sflag:$0x2] =	stream.indirect.gather [hbm4b:s15+s21], $0x100, s25, s21, $0xb8;
	[tilespmem:$0x1FC00] =	vst v63  }
0xfb: {  	_ =	swait.ge [sflag:s23], $0x4000  }
0xfc: {  	[sflag:s23] =	ssyncset.done $0x0  }
0xfd: {  	[sflag:s23] =	ssyncadd.s32 $0xFFFFC000  }
0xfe: {  	[spmem:s2] =	stream.indirect.scatter.add.f32 [tilespmem:s20], [sflag:$0x3], $0x100, s26, s21, $0xb8;
	[tilespmem:$0x1FC00] =	vst v63  }
0xff: {  	_ =	swait.ge [sflag:s18], $0x4000  }
0x100: {  	[sflag:s18] =	ssyncset.done $0x0  }
0x101: {  	[sflag:s18] =	ssyncadd.s32 $0xFFFFC000  }
0x102: {  	_ =	swait.ge [sflag:s24], $0x4000  }
0x103: {  	[sflag:s24] =	ssyncset.done $0x0  }
0x104: {  	[sflag:s24] =	ssyncadd.s32 $0xFFFFC000  }
0x105: {  	[spmem:s2] =	stream.indirect.scatter.add.f32 [tilespmem:s22], [sflag:$0x3], $0x100, s28, s21, $0xb8;
	[tilespmem:$0x1FC00] =	vst v63  }
0x106: {  	_ =	swait.ge [sflag:s18], $0x4000  }
0x107: {  	[sflag:s18] =	ssyncset.done $0x0  }
0x108: {  	s29 =	sadd.s32 $0x1, s29;
	[sflag:s18] =	ssyncadd.s32 $0xFFFFC000  }
0x109: {  	p0 =	sne.s32 s29, s17;
	[bflag:$0x0] =	sbarrier.arrive $0xFFFF  }
0x10a: {  	[hbm:s16], [sflag:s30] =	dma.local [spmem:s31], $0x2800  }
.Ltmp4:
0x10b: {  	_ =	swait.ge [sflag:s18], $0x2800;
	(pc) =	sbr.rel @p0 .LBB2_1-.Ltmp4, $3  }
0x10c: {  	[sflag:s18] =	ssyncset.done $0x0  }
0x10d: {  	[sflag:s18] =	ssyncadd.s32 $0xFFFFD800  }
0x10e: {  	[bflag:$0x0] =	sbarrier.arrive $0xFFFF;
	_ =	sdelay $0x1  }
0x10f: {  	_ =	sfence.sel $0x180000  }
0x110: {  	[bflag:$0x0] =	sbarrier.arrive $0xFFFF  }
0x111: {  	_ =	strace $0x9000004A  }
0x112: {  	s0 =	stileid.u32;
	[bflag:$0x2] =	sbarrier.arrive $0xFFFF  }
0x113: {  	p0 =	sne.s32 s0, $0x0;
	s0 =	rddreg [dreg:$0x5]  }
0x114: {  	s0 =	sadd.s32 @!p0 $0x100000, s0  }
0x115: {  	[sflag:s0] =	ssyncadd.tile.s32 @!p0 $0x1;
	_ =	shalt  }
.Lfunc_end2:
_tile_overlayer_lowered:
.L_overlay_start_2:
0x116: {  	(tag) =	ssettag $0x2  }
0x117: {  	s0 =	rddreg [dreg:$0x0];
	s2 =	stileid.u32  }
0x118: {  	s1 =	rddreg [dreg:$0x1];
	p0 =	sne.s32 s2, $0x0  }
0x119: {  	s3 =	rddreg [dreg:$0x2];
	[bflag:$0x3] =	sbarrier.arrive $0xFFFF;
	s2 =	simm.s32 @!p0 $0x1C03  }
0x11a: {  	[timem:s3], [sflag:s2] =	dma.local @!p0 [hbm:s0], s1  }
0x11b: {  	s0 =	simm.s32 @!p0 $0x3  }
0x11c: {  	_ =	swait.ge @!p0 [sflag:s0], s1  }
0x11d: {  	s1 =	ssub.s32 @!p0 $0x0, s1;
	[sflag:s0] =	ssyncset.done @!p0 $0x0  }
0x11e: {  	[sflag:s0] =	ssyncadd.s32 @!p0 s1  }
0x11f: {  	[bflag:$0x3] =	sbarrier.arrive $0xFFFF  }
0x120: {  	_ =	shalt  }

</sc_bundles>
